<compile_context>
chip_gen: v7x
topology: tpu7x:2x2x1
jax: 0.10.2.dev20260603
libtpu: 0.0.44.dev20260713+nightly
codegen_flags: <defaults>
</compile_context>

<pallas_src>
import functools

import jax
import jax.numpy as jnp
from jax import lax
from jax.experimental import pallas as pl
from jax.experimental.pallas import tpu as pltpu
from jax.experimental.pallas import tpu_sc as plsc

_LANES = 16
_NUM_CORES = 2
_NUM_SUBCORES = 16
_VOCAB_PAD = 1024
_NCHUNK = 4


def kernel(input_x, char_emb, weight_char_emb, fc1_w, fc1_b):
    B, M = input_x.shape
    V, E = char_emb.shape
    NW = _NUM_CORES * _NUM_SUBCORES
    BPW = B // NW
    CW = BPW // _NCHUNK
    GPC = CW // _LANES
    EPT = 128

    xt = input_x.T
    embT = char_emb.T
    fcw = fc1_w.reshape(E)

    mesh = plsc.VectorSubcoreMesh(core_axis_name="c", subcore_axis_name="s")

    @functools.partial(
        pl.kernel,
        out_type=jax.ShapeDtypeStruct((B,), jnp.float32),
        mesh=mesh,
        compiler_params=pltpu.CompilerParams(needs_layout_passes=False),
        scratch_types=[
            pltpu.VMEM((2, M, CW), jnp.int32),
            pltpu.VMEM((_VOCAB_PAD,), jnp.float32),
            pltpu.VMEM((_VOCAB_PAD * _LANES,), jnp.float32),
            pltpu.VMEM((E, EPT), jnp.float32),
            pltpu.VMEM((E + _LANES,), jnp.float32),
            pltpu.VMEM((EPT,), jnp.float32),
            pltpu.VMEM((112,), jnp.float32),
            pltpu.VMEM((_LANES,), jnp.float32),
            pltpu.VMEM((BPW,), jnp.float32),
            pltpu.VMEM_SHARED((_VOCAB_PAD,), jnp.float32),
            pltpu.SemaphoreType.DMA,
            pltpu.SemaphoreType.DMA,
        ],
    )
    def sc_score(xt_hbm, embT_hbm, fcw_hbm, w_hbm, b_hbm, out_hbm,
                 x_v, v_v, vrep_v, embs_v, fcwe_v, vloc_v, w_v, b_v, o_v,
                 vsh, sem0, sem1):
        cid = lax.axis_index("c")
        sid = lax.axis_index("s")
        wid = sid * _NUM_CORES + cid
        base = wid * BPW
        iota = lax.iota(jnp.int32, _LANES)

        def start_chunk(c):
            return pltpu.async_copy(
                xt_hbm.at[:, pl.ds(base + c * CW, CW)],
                x_v.at[c & 1], sem0)

        start_chunk(0)

        ebase = (sid & 7) * EPT
        cps = [
            pltpu.async_copy(w_hbm, w_v.at[0:M], sem1),
            pltpu.async_copy(b_hbm, b_v.at[0:1], sem1),
            pltpu.async_copy(embT_hbm.at[:, pl.ds(ebase, EPT)], embs_v,
                             sem1),
            pltpu.async_copy(fcw_hbm, fcwe_v.at[0:E], sem1),
        ]
        for cp in cps:
            cp.wait()

        for g2 in range(EPT // _LANES):
            rb = g2 * _LANES

            def e_body(e, acc):
                w_e = fcwe_v[pl.ds(e, _LANES)][0]
                ev = embs_v[e, pl.ds(rb, _LANES)]
                return acc + ev * w_e

            acc = lax.fori_loop(
                0, E, e_body, jnp.zeros((_LANES,), jnp.float32), unroll=4)
            vloc_v[pl.ds(g2 * _LANES, _LANES)] = acc

        @pl.when(sid < 8)
        def _():
            pltpu.sync_copy(vloc_v, vsh.at[pl.ds(ebase, EPT)])

        plsc.subcore_barrier()
        pltpu.sync_copy(vsh, v_v)

        def rep_body(jc, carry):
            chunk = v_v[pl.ds(jc * _LANES, _LANES)]
            for i in range(_LANES):
                vrep_v[pl.ds((jc * _LANES + i) * _LANES, _LANES)] = (
                    jnp.full((_LANES,), chunk[i], jnp.float32))
            return carry

        lax.fori_loop(0, (V + _LANES - 1) // _LANES, rep_body, 0)

        bias = b_v[pl.ds(0, _LANES)][0]
        MCH = (M + _LANES - 1) // _LANES
        w_chunks = [w_v[pl.ds(k * _LANES, _LANES)] for k in range(MCH)]

        def g_body(g, carry):
            c = g // GPC
            gc = g % GPC

            @pl.when(jnp.logical_and(gc == 0, c + 1 < _NCHUNK))
            def _():
                start_chunk(c + 1)

            @pl.when(gc == 0)
            def _():
                pltpu.make_async_copy(
                    xt_hbm.at[:, pl.ds(base, CW)], x_v.at[0], sem0).wait()

            xc = x_v.at[c & 1]
            gb = gc * _LANES

            acc = jnp.zeros((_LANES,), jnp.float32)
            for m in range(M):
                idx = xc[m, pl.ds(gb, _LANES)]
                gv = plsc.load_gather(vrep_v, [(idx << 4) + iota])
                acc = acc + gv * w_chunks[m // _LANES][m % _LANES]
            o_v[pl.ds(g * _LANES, _LANES)] = acc + bias
            return carry

        lax.fori_loop(0, _NCHUNK * GPC, g_body, 0)

        pltpu.sync_copy(o_v, out_hbm.at[pl.ds(base, BPW)])

    return sc_score(xt, embT, fcw, weight_char_emb, fc1_b)

# --- scband reference (transcript-rebuilt; emitter-appended) ---
"""Pipeline reference for scband-char-net-67808943669715 (READ-ONLY COPY).

The authoritative reference and input builder live on the scoring server;
editing this copy changes nothing except your own understanding.
"""

import jax, jax.numpy as jnp
import numpy as np

VOCAB = 1000
MAX_CHAR = 100
EMB_DIM = 32
NB_CLS = 1
BATCH = 16384


def setup_inputs(seed: int = 0) -> dict:
    key = jax.random.key(seed)
    k1, k2, k3, k4, k5 = jax.random.split(key, 5)
    input_x = jax.random.randint(k1, (BATCH, MAX_CHAR), 0, VOCAB, dtype=jnp.int64 if jax.config.jax_enable_x64 else jnp.int32).astype(jnp.int32)
    char_emb = jax.random.normal(k2, (VOCAB, EMB_DIM), dtype=jnp.float32)
    weight_char_emb = jax.random.normal(k3, (MAX_CHAR,), dtype=jnp.float32)
    fc1_w = jax.random.normal(k4, (NB_CLS, EMB_DIM), dtype=jnp.float32) * (1.0 / np.sqrt(EMB_DIM))
    fc1_b = jax.random.normal(k5, (NB_CLS,), dtype=jnp.float32) * 0.01
    return {"input_x": input_x, "char_emb": char_emb, "weight_char_emb": weight_char_emb, "fc1_w": fc1_w, "fc1_b": fc1_b}


def reference(input_x, char_emb, weight_char_emb, fc1_w, fc1_b):
    # emb_x = self.char_emb(input_x)  -> gather rows from embedding table
    emb_x = jnp.take(char_emb, input_x, axis=0)  # [B, max_char, emb_dim]
    # w_avg_x = einsum('bme,m->be', emb_x, weight_char_emb)
    w_avg_x = jnp.einsum('bme,m->be', emb_x, weight_char_emb)  # [B, emb_dim]
    # score = self.fc1(w_avg_x).squeeze(1)
    score = w_avg_x @ fc1_w.T + fc1_b  # [B, nb_cls]
    score = jnp.squeeze(score, axis=1)  # [B]
    return score

if __name__ == "__main__":
    import jax
    _d = setup_inputs()
    print(jax.jit(kernel)(*tuple(_d.values())))

</pallas_src>

<mosaic_0001>
#map = affine_map<(d0, d1) -> (0, 0)>
#map1 = affine_map<(d0, d1) -> (0)>
module attributes {stable_mosaic.version = 14 : i64} {
  func.func @sc_score(%arg0: i32, %arg1: i32, %arg2: memref<100x16384xi32, #tpu.memory_space<hbm>>, %arg3: memref<32x1000xf32, #tpu.memory_space<hbm>>, %arg4: memref<32xf32, #tpu.memory_space<hbm>>, %arg5: memref<100xf32, #tpu.memory_space<hbm>>, %arg6: memref<1xf32, #tpu.memory_space<hbm>>, %arg7: memref<16384xf32, #tpu.memory_space<hbm>>, %arg8: memref<2x100x128xi32, #tpu.memory_space<vmem>>, %arg9: memref<1024xf32, #tpu.memory_space<vmem>>, %arg10: memref<16384xf32, #tpu.memory_space<vmem>>, %arg11: memref<32x128xf32, #tpu.memory_space<vmem>>, %arg12: memref<48xf32, #tpu.memory_space<vmem>>, %arg13: memref<128xf32, #tpu.memory_space<vmem>>, %arg14: memref<112xf32, #tpu.memory_space<vmem>>, %arg15: memref<16xf32, #tpu.memory_space<vmem>>, %arg16: memref<512xf32, #tpu.memory_space<vmem>>, %arg17: memref<1024xf32, #tpu.memory_space<vmem_shared>>, %arg18: memref<!tpu.dma_semaphore, #tpu.memory_space<semaphore_mem>>, %arg19: memref<!tpu.dma_semaphore, #tpu.memory_space<semaphore_mem>>) attributes {dimension_semantics = [#tpu.dimension_semantics<core_parallel>, #tpu.dimension_semantics<subcore_parallel>], iteration_bounds = array<i64: 2, 16>, scalar_prefetch = 0 : i64, scratch_operands = 12 : i64, tpu.core_type = #tpu.core_type<sc_vector_subcore>, window_params = [{transform_indices = #map}, {transform_indices = #map}, {transform_indices = #map1}, {transform_indices = #map1}, {transform_indices = #map1}, {transform_indices = #map1}]} {
    %mul3A = arith.constant 2 : i32
    %mul3A_0 = arith.muli %arg1, %mul3A : i32
    %add3A = arith.addi %mul3A_0, %arg0 : i32
    %mul3A_1 = arith.constant 512 : i32
    %mul3A_2 = arith.muli %add3A, %mul3A_1 : i32
    %iota3A = tpu.iota {dimensions = array<i32: 0>} : vector<16xi32>
    %add3A_3 = arith.constant 0 : i32
    %add3A_4 = arith.addi %mul3A_2, %add3A_3 : i32
    %dma_start3A = arith.constant 0 : i32
    %dma_start3A_5 = arith.constant 0 : i32
    %dma_start3A_6 = arith.constant 0 : i32
    %dma_start3A_7 = tpu.memref_slice %arg8[%dma_start3A, %dma_start3A_5, %dma_start3A_6] : memref<2x100x128xi32, #tpu.memory_space<vmem>> -> memref<1x100x128xi32, #tpu.memory_space<vmem>>
    %dma_start3A_8 = tpu.memref_squeeze %dma_start3A_7 : memref<1x100x128xi32, #tpu.memory_space<vmem>> -> memref<100x128xi32, #tpu.memory_space<vmem>>
    %dma_start3A_9 = arith.constant 0 : i32
    %dma_start3A_10 = tpu.memref_slice %arg2[%dma_start3A_9, %add3A_4] : memref<100x16384xi32, #tpu.memory_space<hbm>> -> memref<100x128xi32, #tpu.memory_space<hbm>>
    %dma_start3A_11 = arith.constant 0 : i32
    %dma_start3A_12 = arith.constant 0 : i32
    %dma_start3A_13 = tpu.memref_slice %arg8[%dma_start3A, %dma_start3A_11, %dma_start3A_12] : memref<2x100x128xi32, #tpu.memory_space<vmem>> -> memref<1x100x128xi32, #tpu.memory_space<vmem>>
    %dma_start3A_14 = tpu.memref_squeeze %dma_start3A_13 : memref<1x100x128xi32, #tpu.memory_space<vmem>> -> memref<100x128xi32, #tpu.memory_space<vmem>>
    %dma_start3A_15 = arith.constant 0 : i32
    %dma_start3A_16 = tpu.memref_slice %arg2[%dma_start3A_15, %add3A_4] : memref<100x16384xi32, #tpu.memory_space<hbm>> -> memref<100x128xi32, #tpu.memory_space<hbm>>
    tpu.enqueue_dma source(%dma_start3A_16 : memref<100x128xi32, #tpu.memory_space<hbm>>) target(%dma_start3A_14 : memref<100x128xi32, #tpu.memory_space<vmem>>) target_semaphore(%arg18 : memref<!tpu.dma_semaphore, #tpu.memory_space<semaphore_mem>>)
    %and3A = arith.constant 7 : i32
    %and3A_17 = arith.andi %arg1, %and3A : i32
    %mul3A_18 = arith.constant 128 : i32
    %mul3A_19 = arith.muli %and3A_17, %mul3A_18 : i32
    %dma_start3A_20 = arith.constant 0 : i32
    %dma_start3A_21 = tpu.memref_slice %arg14[%dma_start3A_20] : memref<112xf32, #tpu.memory_space<vmem>> -> memref<100xf32, #tpu.memory_space<vmem>>
    %dma_start3A_22 = arith.constant 0 : i32
    %dma_start3A_23 = tpu.memref_slice %arg14[%dma_start3A_22] : memref<112xf32, #tpu.memory_space<vmem>> -> memref<100xf32, #tpu.memory_space<vmem>>
    tpu.enqueue_dma source(%arg5 : memref<100xf32, #tpu.memory_space<hbm>>) target(%dma_start3A_23 : memref<100xf32, #tpu.memory_space<vmem>>) target_semaphore(%arg19 : memref<!tpu.dma_semaphore, #tpu.memory_space<semaphore_mem>>)
    %dma_start3A_24 = arith.constant 0 : i32
    %dma_start3A_25 = tpu.memref_slice %arg15[%dma_start3A_24] : memref<16xf32, #tpu.memory_space<vmem>> -> memref<1xf32, #tpu.memory_space<vmem>>
    %dma_start3A_26 = arith.constant 0 : i32
    %dma_start3A_27 = tpu.memref_slice %arg15[%dma_start3A_26] : memref<16xf32, #tpu.memory_space<vmem>> -> memref<1xf32, #tpu.memory_space<vmem>>
    tpu.enqueue_dma source(%arg6 : memref<1xf32, #tpu.memory_space<hbm>>) target(%dma_start3A_27 : memref<1xf32, #tpu.memory_space<vmem>>) target_semaphore(%arg19 : memref<!tpu.dma_semaphore, #tpu.memory_space<semaphore_mem>>)
    %dma_start3A_28 = arith.constant 0 : i32
    %dma_start3A_29 = tpu.memref_slice %arg3[%dma_start3A_28, %mul3A_19] : memref<32x1000xf32, #tpu.memory_space<hbm>> -> memref<32x128xf32, #tpu.memory_space<hbm>>
    %dma_start3A_30 = arith.constant 0 : i32
    %dma_start3A_31 = tpu.memref_slice %arg3[%dma_start3A_30, %mul3A_19] : memref<32x1000xf32, #tpu.memory_space<hbm>> -> memref<32x128xf32, #tpu.memory_space<hbm>>
    tpu.enqueue_dma source(%dma_start3A_31 : memref<32x128xf32, #tpu.memory_space<hbm>>) target(%arg11 : memref<32x128xf32, #tpu.memory_space<vmem>>) target_semaphore(%arg19 : memref<!tpu.dma_semaphore, #tpu.memory_space<semaphore_mem>>)
    %dma_start3A_32 = arith.constant 0 : i32
    %dma_start3A_33 = tpu.memref_slice %arg12[%dma_start3A_32] : memref<48xf32, #tpu.memory_space<vmem>> -> memref<32xf32, #tpu.memory_space<vmem>>
    %dma_start3A_34 = arith.constant 0 : i32
    %dma_start3A_35 = tpu.memref_slice %arg12[%dma_start3A_34] : memref<48xf32, #tpu.memory_space<vmem>> -> memref<32xf32, #tpu.memory_space<vmem>>
    tpu.enqueue_dma source(%arg4 : memref<32xf32, #tpu.memory_space<hbm>>) target(%dma_start3A_35 : memref<32xf32, #tpu.memory_space<vmem>>) target_semaphore(%arg19 : memref<!tpu.dma_semaphore, #tpu.memory_space<semaphore_mem>>)
    %dma_wait3A = arith.constant 0 : i32
    %dma_wait3A_36 = tpu.memref_slice %arg14[%dma_wait3A] : memref<112xf32, #tpu.memory_space<vmem>> -> memref<100xf32, #tpu.memory_space<vmem>>
    %dma_wait3A_37 = arith.constant 0 : i32
    %dma_wait3A_38 = tpu.memref_slice %arg14[%dma_wait3A_37] : memref<112xf32, #tpu.memory_space<vmem>> -> memref<100xf32, #tpu.memory_space<vmem>>
    tpu.wait_dma2 semaphore(%arg19 : memref<!tpu.dma_semaphore, #tpu.memory_space<semaphore_mem>>) src(%arg5 : memref<100xf32, #tpu.memory_space<hbm>>) dst(%dma_wait3A_38 : memref<100xf32, #tpu.memory_space<vmem>>)
    %dma_wait3A_39 = arith.constant 0 : i32
    %dma_wait3A_40 = tpu.memref_slice %arg15[%dma_wait3A_39] : memref<16xf32, #tpu.memory_space<vmem>> -> memref<1xf32, #tpu.memory_space<vmem>>
    %dma_wait3A_41 = arith.constant 0 : i32
    %dma_wait3A_42 = tpu.memref_slice %arg15[%dma_wait3A_41] : memref<16xf32, #tpu.memory_space<vmem>> -> memref<1xf32, #tpu.memory_space<vmem>>
    tpu.wait_dma2 semaphore(%arg19 : memref<!tpu.dma_semaphore, #tpu.memory_space<semaphore_mem>>) src(%arg6 : memref<1xf32, #tpu.memory_space<hbm>>) dst(%dma_wait3A_42 : memref<1xf32, #tpu.memory_space<vmem>>)
    %dma_wait3A_43 = arith.constant 0 : i32
    %dma_wait3A_44 = tpu.memref_slice %arg3[%dma_wait3A_43, %mul3A_19] : memref<32x1000xf32, #tpu.memory_space<hbm>> -> memref<32x128xf32, #tpu.memory_space<hbm>>
    %dma_wait3A_45 = arith.constant 0 : i32
    %dma_wait3A_46 = tpu.memref_slice %arg3[%dma_wait3A_45, %mul3A_19] : memref<32x1000xf32, #tpu.memory_space<hbm>> -> memref<32x128xf32, #tpu.memory_space<hbm>>
    tpu.wait_dma2 semaphore(%arg19 : memref<!tpu.dma_semaphore, #tpu.memory_space<semaphore_mem>>) src(%dma_wait3A_46 : memref<32x128xf32, #tpu.memory_space<hbm>>) dst(%arg11 : memref<32x128xf32, #tpu.memory_space<vmem>>)
    %dma_wait3A_47 = arith.constant 0 : i32
    %dma_wait3A_48 = tpu.memref_slice %arg12[%dma_wait3A_47] : memref<48xf32, #tpu.memory_space<vmem>> -> memref<32xf32, #tpu.memory_space<vmem>>
    %dma_wait3A_49 = arith.constant 0 : i32
    %dma_wait3A_50 = tpu.memref_slice %arg12[%dma_wait3A_49] : memref<48xf32, #tpu.memory_space<vmem>> -> memref<32xf32, #tpu.memory_space<vmem>>
    tpu.wait_dma2 semaphore(%arg19 : memref<!tpu.dma_semaphore, #tpu.memory_space<semaphore_mem>>) src(%arg4 : memref<32xf32, #tpu.memory_space<hbm>>) dst(%dma_wait3A_50 : memref<32xf32, #tpu.memory_space<vmem>>)
    %broadcast_in_dim3A = arith.constant 0.000000e+00 : f32
    %broadcast_in_dim3A_51 = vector.broadcast %broadcast_in_dim3A : f32 to vector<16xf32>
    %scan3A = arith.constant 0 : i32
    %scan3A_52 = arith.constant 32 : i32
    %scan3A_53 = arith.addi %scan3A, %scan3A_52 : i32
    %scan3A_54 = arith.constant 4 : i32
    %scan3A_55 = scf.for %scan3A_157 = %scan3A to %scan3A_53 step %scan3A_54 iter_args(%scan3A_158 = %broadcast_in_dim3A_51) -> (vector<16xf32>)  : i32 {
      %get3A_159 = arith.index_cast %scan3A_157 : i32 to index
      %get3A_160 = tpu.vector_load %arg12[%get3A_159] {strides = array<i32>} : memref<48xf32, #tpu.memory_space<vmem>>, vector<16xf32>,
      %slice3A_161 = vector.extract_strided_slice %get3A_160 {offsets = [0], sizes = [1], strides = [1]} : vector<16xf32> to vector<1xf32>
      %squeeze3A_162 = vector.extract %slice3A_161[0] : f32 from vector<1xf32>
      %get3A_163 = arith.index_cast %scan3A_157 : i32 to index
      %get3A_164 = arith.constant 0 : index
      %get3A_165 = tpu.vector_load %arg11[%get3A_163, %get3A_164] {strides = array<i32>} : memref<32x128xf32, #tpu.memory_space<vmem>>, vector<16xf32>,
      %mul3A_166 = vector.broadcast %squeeze3A_162 : f32 to vector<16xf32>
      %mul3A_167 = arith.mulf %get3A_165, %mul3A_166 : vector<16xf32>
      %add3A_168 = arith.addf %scan3A_158, %mul3A_167 : vector<16xf32>
      %scan3A_169 = arith.constant 1 : i32
      %scan3A_170 = arith.addi %scan3A_157, %scan3A_169 : i32
      %get3A_171 = arith.index_cast %scan3A_170 : i32 to index
      %get3A_172 = tpu.vector_load %arg12[%get3A_171] {strides = array<i32>} : memref<48xf32, #tpu.memory_space<vmem>>, vector<16xf32>,
      %slice3A_173 = vector.extract_strided_slice %get3A_172 {offsets = [0], sizes = [1], strides = [1]} : vector<16xf32> to vector<1xf32>
      %squeeze3A_174 = vector.extract %slice3A_173[0] : f32 from vector<1xf32>
      %get3A_175 = arith.index_cast %scan3A_170 : i32 to index
      %get3A_176 = arith.constant 0 : index
      %get3A_177 = tpu.vector_load %arg11[%get3A_175, %get3A_176] {strides = array<i32>} : memref<32x128xf32, #tpu.memory_space<vmem>>, vector<16xf32>,
      %mul3A_178 = vector.broadcast %squeeze3A_174 : f32 to vector<16xf32>
      %mul3A_179 = arith.mulf %get3A_177, %mul3A_178 : vector<16xf32>
      %add3A_180 = arith.addf %add3A_168, %mul3A_179 : vector<16xf32>
      %scan3A_181 = arith.constant 2 : i32
      %scan3A_182 = arith.addi %scan3A_157, %scan3A_181 : i32
      %get3A_183 = arith.index_cast %scan3A_182 : i32 to index
      %get3A_184 = tpu.vector_load %arg12[%get3A_183] {strides = array<i32>} : memref<48xf32, #tpu.memory_space<vmem>>, vector<16xf32>,
      %slice3A_185 = vector.extract_strided_slice %get3A_184 {offsets = [0], sizes = [1], strides = [1]} : vector<16xf32> to vector<1xf32>
      %squeeze3A_186 = vector.extract %slice3A_185[0] : f32 from vector<1xf32>
      %get3A_187 = arith.index_cast %scan3A_182 : i32 to index
      %get3A_188 = arith.constant 0 : index
      %get3A_189 = tpu.vector_load %arg11[%get3A_187, %get3A_188] {strides = array<i32>} : memref<32x128xf32, #tpu.memory_space<vmem>>, vector<16xf32>,
      %mul3A_190 = vector.broadcast %squeeze3A_186 : f32 to vector<16xf32>
      %mul3A_191 = arith.mulf %get3A_189, %mul3A_190 : vector<16xf32>
      %add3A_192 = arith.addf %add3A_180, %mul3A_191 : vector<16xf32>
      %scan3A_193 = arith.constant 3 : i32
      %scan3A_194 = arith.addi %scan3A_157, %scan3A_193 : i32
      %get3A_195 = arith.index_cast %scan3A_194 : i32 to index
      %get3A_196 = tpu.vector_load %arg12[%get3A_195] {strides = array<i32>} : memref<48xf32, #tpu.memory_space<vmem>>, vector<16xf32>,
      %slice3A_197 = vector.extract_strided_slice %get3A_196 {offsets = [0], sizes = [1], strides = [1]} : vector<16xf32> to vector<1xf32>
      %squeeze3A_198 = vector.extract %slice3A_197[0] : f32 from vector<1xf32>
      %get3A_199 = arith.index_cast %scan3A_194 : i32 to index
      %get3A_200 = arith.constant 0 : index
      %get3A_201 = tpu.vector_load %arg11[%get3A_199, %get3A_200] {strides = array<i32>} : memref<32x128xf32, #tpu.memory_space<vmem>>, vector<16xf32>,
      %mul3A_202 = vector.broadcast %squeeze3A_198 : f32 to vector<16xf32>
      %mul3A_203 = arith.mulf %get3A_201, %mul3A_202 : vector<16xf32>
      %add3A_204 = arith.addf %add3A_192, %mul3A_203 : vector<16xf32>
      scf.yield %add3A_204 : vector<16xf32>
    }
    %scan3A_56 = arith.constant 32 : i32
    %swap3A = arith.constant 0 : index
    %swap3A_57 = tpu.vector_load %arg13[%swap3A] {strides = array<i32>} : memref<128xf32, #tpu.memory_space<vmem>>, vector<16xf32>,
    tpu.vector_store %arg13[%swap3A], %scan3A_55 {strides = array<i32>} : memref<128xf32, #tpu.memory_space<vmem>>, vector<16xf32>,
    %broadcast_in_dim3A_58 = arith.constant 0.000000e+00 : f32
    %broadcast_in_dim3A_59 = vector.broadcast %broadcast_in_dim3A_58 : f32 to vector<16xf32>
    %scan3A_60 = arith.constant 0 : i32
    %scan3A_61 = arith.constant 32 : i32
    %scan3A_62 = arith.addi %scan3A_60, %scan3A_61 : i32
    %scan3A_63 = arith.constant 4 : i32
    %scan3A_64 = scf.for %scan3A_157 = %scan3A_60 to %scan3A_62 step %scan3A_63 iter_args(%scan3A_158 = %broadcast_in_dim3A_59) -> (vector<16xf32>)  : i32 {
      %get3A_159 = arith.index_cast %scan3A_157 : i32 to index
      %get3A_160 = tpu.vector_load %arg12[%get3A_159] {strides = array<i32>} : memref<48xf32, #tpu.memory_space<vmem>>, vector<16xf32>,
      %slice3A_161 = vector.extract_strided_slice %get3A_160 {offsets = [0], sizes = [1], strides = [1]} : vector<16xf32> to vector<1xf32>
      %squeeze3A_162 = vector.extract %slice3A_161[0] : f32 from vector<1xf32>
      %get3A_163 = arith.index_cast %scan3A_157 : i32 to index
      %get3A_164 = arith.constant 16 : index
      %get3A_165 = tpu.vector_load %arg11[%get3A_163, %get3A_164] {strides = array<i32>} : memref<32x128xf32, #tpu.memory_space<vmem>>, vector<16xf32>,
      %mul3A_166 = vector.broadcast %squeeze3A_162 : f32 to vector<16xf32>
      %mul3A_167 = arith.mulf %get3A_165, %mul3A_166 : vector<16xf32>
      %add3A_168 = arith.addf %scan3A_158, %mul3A_167 : vector<16xf32>
      %scan3A_169 = arith.constant 1 : i32
      %scan3A_170 = arith.addi %scan3A_157, %scan3A_169 : i32
      %get3A_171 = arith.index_cast %scan3A_170 : i32 to index
      %get3A_172 = tpu.vector_load %arg12[%get3A_171] {strides = array<i32>} : memref<48xf32, #tpu.memory_space<vmem>>, vector<16xf32>,
      %slice3A_173 = vector.extract_strided_slice %get3A_172 {offsets = [0], sizes = [1], strides = [1]} : vector<16xf32> to vector<1xf32>
      %squeeze3A_174 = vector.extract %slice3A_173[0] : f32 from vector<1xf32>
      %get3A_175 = arith.index_cast %scan3A_170 : i32 to index
      %get3A_176 = arith.constant 16 : index
      %get3A_177 = tpu.vector_load %arg11[%get3A_175, %get3A_176] {strides = array<i32>} : memref<32x128xf32, #tpu.memory_space<vmem>>, vector<16xf32>,
      %mul3A_178 = vector.broadcast %squeeze3A_174 : f32 to vector<16xf32>
      %mul3A_179 = arith.mulf %get3A_177, %mul3A_178 : vector<16xf32>
      %add3A_180 = arith.addf %add3A_168, %mul3A_179 : vector<16xf32>
      %scan3A_181 = arith.constant 2 : i32
      %scan3A_182 = arith.addi %scan3A_157, %scan3A_181 : i32
      %get3A_183 = arith.index_cast %scan3A_182 : i32 to index
      %get3A_184 = tpu.vector_load %arg12[%get3A_183] {strides = array<i32>} : memref<48xf32, #tpu.memory_space<vmem>>, vector<16xf32>,
      %slice3A_185 = vector.extract_strided_slice %get3A_184 {offsets = [0], sizes = [1], strides = [1]} : vector<16xf32> to vector<1xf32>
      %squeeze3A_186 = vector.extract %slice3A_185[0] : f32 from vector<1xf32>
      %get3A_187 = arith.index_cast %scan3A_182 : i32 to index
      %get3A_188 = arith.constant 16 : index
      %get3A_189 = tpu.vector_load %arg11[%get3A_187, %get3A_188] {strides = array<i32>} : memref<32x128xf32, #tpu.memory_space<vmem>>, vector<16xf32>,
      %mul3A_190 = vector.broadcast %squeeze3A_186 : f32 to vector<16xf32>
      %mul3A_191 = arith.mulf %get3A_189, %mul3A_190 : vector<16xf32>
      %add3A_192 = arith.addf %add3A_180, %mul3A_191 : vector<16xf32>
      %scan3A_193 = arith.constant 3 : i32
      %scan3A_194 = arith.addi %scan3A_157, %scan3A_193 : i32
      %get3A_195 = arith.index_cast %scan3A_194 : i32 to index
      %get3A_196 = tpu.vector_load %arg12[%get3A_195] {strides = array<i32>} : memref<48xf32, #tpu.memory_space<vmem>>, vector<16xf32>,
      %slice3A_197 = vector.extract_strided_slice %get3A_196 {offsets = [0], sizes = [1], strides = [1]} : vector<16xf32> to vector<1xf32>
      %squeeze3A_198 = vector.extract %slice3A_197[0] : f32 from vector<1xf32>
      %get3A_199 = arith.index_cast %scan3A_194 : i32 to index
      %get3A_200 = arith.constant 16 : index
      %get3A_201 = tpu.vector_load %arg11[%get3A_199, %get3A_200] {strides = array<i32>} : memref<32x128xf32, #tpu.memory_space<vmem>>, vector<16xf32>,
      %mul3A_202 = vector.broadcast %squeeze3A_198 : f32 to vector<16xf32>
      %mul3A_203 = arith.mulf %get3A_201, %mul3A_202 : vector<16xf32>
      %add3A_204 = arith.addf %add3A_192, %mul3A_203 : vector<16xf32>
      scf.yield %add3A_204 : vector<16xf32>
    }
    %scan3A_65 = arith.constant 32 : i32
    %swap3A_66 = arith.constant 16 : index
    %swap3A_67 = tpu.vector_load %arg13[%swap3A_66] {strides = array<i32>} : memref<128xf32, #tpu.memory_space<vmem>>, vector<16xf32>,
    tpu.vector_store %arg13[%swap3A_66], %scan3A_64 {strides = array<i32>} : memref<128xf32, #tpu.memory_space<vmem>>, vector<16xf32>,
    %broadcast_in_dim3A_68 = arith.constant 0.000000e+00 : f32
    %broadcast_in_dim3A_69 = vector.broadcast %broadcast_in_dim3A_68 : f32 to vector<16xf32>
    %scan3A_70 = arith.constant 0 : i32
    %scan3A_71 = arith.constant 32 : i32
    %scan3A_72 = arith.addi %scan3A_70, %scan3A_71 : i32
    %scan3A_73 = arith.constant 4 : i32
    %scan3A_74 = scf.for %scan3A_157 = %scan3A_70 to %scan3A_72 step %scan3A_73 iter_args(%scan3A_158 = %broadcast_in_dim3A_69) -> (vector<16xf32>)  : i32 {
      %get3A_159 = arith.index_cast %scan3A_157 : i32 to index
      %get3A_160 = tpu.vector_load %arg12[%get3A_159] {strides = array<i32>} : memref<48xf32, #tpu.memory_space<vmem>>, vector<16xf32>,
      %slice3A_161 = vector.extract_strided_slice %get3A_160 {offsets = [0], sizes = [1], strides = [1]} : vector<16xf32> to vector<1xf32>
      %squeeze3A_162 = vector.extract %slice3A_161[0] : f32 from vector<1xf32>
      %get3A_163 = arith.index_cast %scan3A_157 : i32 to index
      %get3A_164 = arith.constant 32 : index
      %get3A_165 = tpu.vector_load %arg11[%get3A_163, %get3A_164] {strides = array<i32>} : memref<32x128xf32, #tpu.memory_space<vmem>>, vector<16xf32>,
      %mul3A_166 = vector.broadcast %squeeze3A_162 : f32 to vector<16xf32>
      %mul3A_167 = arith.mulf %get3A_165, %mul3A_166 : vector<16xf32>
      %add3A_168 = arith.addf %scan3A_158, %mul3A_167 : vector<16xf32>
      %scan3A_169 = arith.constant 1 : i32
      %scan3A_170 = arith.addi %scan3A_157, %scan3A_169 : i32
      %get3A_171 = arith.index_cast %scan3A_170 : i32 to index
      %get3A_172 = tpu.vector_load %arg12[%get3A_171] {strides = array<i32>} : memref<48xf32, #tpu.memory_space<vmem>>, vector<16xf32>,
      %slice3A_173 = vector.extract_strided_slice %get3A_172 {offsets = [0], sizes = [1], strides = [1]} : vector<16xf32> to vector<1xf32>
      %squeeze3A_174 = vector.extract %slice3A_173[0] : f32 from vector<1xf32>
      %get3A_175 = arith.index_cast %scan3A_170 : i32 to index
      %get3A_176 = arith.constant 32 : index
      %get3A_177 = tpu.vector_load %arg11[%get3A_175, %get3A_176] {strides = array<i32>} : memref<32x128xf32, #tpu.memory_space<vmem>>, vector<16xf32>,
      %mul3A_178 = vector.broadcast %squeeze3A_174 : f32 to vector<16xf32>
      %mul3A_179 = arith.mulf %get3A_177, %mul3A_178 : vector<16xf32>
      %add3A_180 = arith.addf %add3A_168, %mul3A_179 : vector<16xf32>
      %scan3A_181 = arith.constant 2 : i32
      %scan3A_182 = arith.addi %scan3A_157, %scan3A_181 : i32
      %get3A_183 = arith.index_cast %scan3A_182 : i32 to index
      %get3A_184 = tpu.vector_load %arg12[%get3A_183] {strides = array<i32>} : memref<48xf32, #tpu.memory_space<vmem>>, vector<16xf32>,
      %slice3A_185 = vector.extract_strided_slice %get3A_184 {offsets = [0], sizes = [1], strides = [1]} : vector<16xf32> to vector<1xf32>
      %squeeze3A_186 = vector.extract %slice3A_185[0] : f32 from vector<1xf32>
      %get3A_187 = arith.index_cast %scan3A_182 : i32 to index
      %get3A_188 = arith.constant 32 : index
      %get3A_189 = tpu.vector_load %arg11[%get3A_187, %get3A_188] {strides = array<i32>} : memref<32x128xf32, #tpu.memory_space<vmem>>, vector<16xf32>,
      %mul3A_190 = vector.broadcast %squeeze3A_186 : f32 to vector<16xf32>
      %mul3A_191 = arith.mulf %get3A_189, %mul3A_190 : vector<16xf32>
      %add3A_192 = arith.addf %add3A_180, %mul3A_191 : vector<16xf32>
      %scan3A_193 = arith.constant 3 : i32
      %scan3A_194 = arith.addi %scan3A_157, %scan3A_193 : i32
      %get3A_195 = arith.index_cast %scan3A_194 : i32 to index
      %get3A_196 = tpu.vector_load %arg12[%get3A_195] {strides = array<i32>} : memref<48xf32, #tpu.memory_space<vmem>>, vector<16xf32>,
      %slice3A_197 = vector.extract_strided_slice %get3A_196 {offsets = [0], sizes = [1], strides = [1]} : vector<16xf32> to vector<1xf32>
      %squeeze3A_198 = vector.extract %slice3A_197[0] : f32 from vector<1xf32>
      %get3A_199 = arith.index_cast %scan3A_194 : i32 to index
      %get3A_200 = arith.constant 32 : index
      %get3A_201 = tpu.vector_load %arg11[%get3A_199, %get3A_200] {strides = array<i32>} : memref<32x128xf32, #tpu.memory_space<vmem>>, vector<16xf32>,
      %mul3A_202 = vector.broadcast %squeeze3A_198 : f32 to vector<16xf32>
      %mul3A_203 = arith.mulf %get3A_201, %mul3A_202 : vector<16xf32>
      %add3A_204 = arith.addf %add3A_192, %mul3A_203 : vector<16xf32>
      scf.yield %add3A_204 : vector<16xf32>
    }
    %scan3A_75 = arith.constant 32 : i32
    %swap3A_76 = arith.constant 32 : index
    %swap3A_77 = tpu.vector_load %arg13[%swap3A_76] {strides = array<i32>} : memref<128xf32, #tpu.memory_space<vmem>>, vector<16xf32>,
    tpu.vector_store %arg13[%swap3A_76], %scan3A_74 {strides = array<i32>} : memref<128xf32, #tpu.memory_space<vmem>>, vector<16xf32>,
    %broadcast_in_dim3A_78 = arith.constant 0.000000e+00 : f32
    %broadcast_in_dim3A_79 = vector.broadcast %broadcast_in_dim3A_78 : f32 to vector<16xf32>
    %scan3A_80 = arith.constant 0 : i32
    %scan3A_81 = arith.constant 32 : i32
    %scan3A_82 = arith.addi %scan3A_80, %scan3A_81 : i32
    %scan3A_83 = arith.constant 4 : i32
    %scan3A_84 = scf.for %scan3A_157 = %scan3A_80 to %scan3A_82 step %scan3A_83 iter_args(%scan3A_158 = %broadcast_in_dim3A_79) -> (vector<16xf32>)  : i32 {
      %get3A_159 = arith.index_cast %scan3A_157 : i32 to index
      %get3A_160 = tpu.vector_load %arg12[%get3A_159] {strides = array<i32>} : memref<48xf32, #tpu.memory_space<vmem>>, vector<16xf32>,
      %slice3A_161 = vector.extract_strided_slice %get3A_160 {offsets = [0], sizes = [1], strides = [1]} : vector<16xf32> to vector<1xf32>
      %squeeze3A_162 = vector.extract %slice3A_161[0] : f32 from vector<1xf32>
      %get3A_163 = arith.index_cast %scan3A_157 : i32 to index
      %get3A_164 = arith.constant 48 : index
      %get3A_165 = tpu.vector_load %arg11[%get3A_163, %get3A_164] {strides = array<i32>} : memref<32x128xf32, #tpu.memory_space<vmem>>, vector<16xf32>,
      %mul3A_166 = vector.broadcast %squeeze3A_162 : f32 to vector<16xf32>
      %mul3A_167 = arith.mulf %get3A_165, %mul3A_166 : vector<16xf32>
      %add3A_168 = arith.addf %scan3A_158, %mul3A_167 : vector<16xf32>
      %scan3A_169 = arith.constant 1 : i32
      %scan3A_170 = arith.addi %scan3A_157, %scan3A_169 : i32
      %get3A_171 = arith.index_cast %scan3A_170 : i32 to index
      %get3A_172 = tpu.vector_load %arg12[%get3A_171] {strides = array<i32>} : memref<48xf32, #tpu.memory_space<vmem>>, vector<16xf32>,
      %slice3A_173 = vector.extract_strided_slice %get3A_172 {offsets = [0], sizes = [1], strides = [1]} : vector<16xf32> to vector<1xf32>
      %squeeze3A_174 = vector.extract %slice3A_173[0] : f32 from vector<1xf32>
      %get3A_175 = arith.index_cast %scan3A_170 : i32 to index
      %get3A_176 = arith.constant 48 : index
      %get3A_177 = tpu.vector_load %arg11[%get3A_175, %get3A_176] {strides = array<i32>} : memref<32x128xf32, #tpu.memory_space<vmem>>, vector<16xf32>,
      %mul3A_178 = vector.broadcast %squeeze3A_174 : f32 to vector<16xf32>
      %mul3A_179 = arith.mulf %get3A_177, %mul3A_178 : vector<16xf32>
      %add3A_180 = arith.addf %add3A_168, %mul3A_179 : vector<16xf32>
      %scan3A_181 = arith.constant 2 : i32
      %scan3A_182 = arith.addi %scan3A_157, %scan3A_181 : i32
      %get3A_183 = arith.index_cast %scan3A_182 : i32 to index
      %get3A_184 = tpu.vector_load %arg12[%get3A_183] {strides = array<i32>} : memref<48xf32, #tpu.memory_space<vmem>>, vector<16xf32>,
      %slice3A_185 = vector.extract_strided_slice %get3A_184 {offsets = [0], sizes = [1], strides = [1]} : vector<16xf32> to vector<1xf32>
      %squeeze3A_186 = vector.extract %slice3A_185[0] : f32 from vector<1xf32>
      %get3A_187 = arith.index_cast %scan3A_182 : i32 to index
      %get3A_188 = arith.constant 48 : index
      %get3A_189 = tpu.vector_load %arg11[%get3A_187, %get3A_188] {strides = array<i32>} : memref<32x128xf32, #tpu.memory_space<vmem>>, vector<16xf32>,
      %mul3A_190 = vector.broadcast %squeeze3A_186 : f32 to vector<16xf32>
      %mul3A_191 = arith.mulf %get3A_189, %mul3A_190 : vector<16xf32>
      %add3A_192 = arith.addf %add3A_180, %mul3A_191 : vector<16xf32>
      %scan3A_193 = arith.constant 3 : i32
      %scan3A_194 = arith.addi %scan3A_157, %scan3A_193 : i32
      %get3A_195 = arith.index_cast %scan3A_194 : i32 to index
      %get3A_196 = tpu.vector_load %arg12[%get3A_195] {strides = array<i32>} : memref<48xf32, #tpu.memory_space<vmem>>, vector<16xf32>,
      %slice3A_197 = vector.extract_strided_slice %get3A_196 {offsets = [0], sizes = [1], strides = [1]} : vector<16xf32> to vector<1xf32>
      %squeeze3A_198 = vector.extract %slice3A_197[0] : f32 from vector<1xf32>
      %get3A_199 = arith.index_cast %scan3A_194 : i32 to index
      %get3A_200 = arith.constant 48 : index
      %get3A_201 = tpu.vector_load %arg11[%get3A_199, %get3A_200] {strides = array<i32>} : memref<32x128xf32, #tpu.memory_space<vmem>>, vector<16xf32>,
      %mul3A_202 = vector.broadcast %squeeze3A_198 : f32 to vector<16xf32>
      %mul3A_203 = arith.mulf %get3A_201, %mul3A_202 : vector<16xf32>
      %add3A_204 = arith.addf %add3A_192, %mul3A_203 : vector<16xf32>
      scf.yield %add3A_204 : vector<16xf32>
    }
    %scan3A_85 = arith.constant 32 : i32
    %swap3A_86 = arith.constant 48 : index
    %swap3A_87 = tpu.vector_load %arg13[%swap3A_86] {strides = array<i32>} : memref<128xf32, #tpu.memory_space<vmem>>, vector<16xf32>,
    tpu.vector_store %arg13[%swap3A_86], %scan3A_84 {strides = array<i32>} : memref<128xf32, #tpu.memory_space<vmem>>, vector<16xf32>,
    %broadcast_in_dim3A_88 = arith.constant 0.000000e+00 : f32
    %broadcast_in_dim3A_89 = vector.broadcast %broadcast_in_dim3A_88 : f32 to vector<16xf32>
    %scan3A_90 = arith.constant 0 : i32
    %scan3A_91 = arith.constant 32 : i32
    %scan3A_92 = arith.addi %scan3A_90, %scan3A_91 : i32
    %scan3A_93 = arith.constant 4 : i32
    %scan3A_94 = scf.for %scan3A_157 = %scan3A_90 to %scan3A_92 step %scan3A_93 iter_args(%scan3A_158 = %broadcast_in_dim3A_89) -> (vector<16xf32>)  : i32 {
      %get3A_159 = arith.index_cast %scan3A_157 : i32 to index
      %get3A_160 = tpu.vector_load %arg12[%get3A_159] {strides = array<i32>} : memref<48xf32, #tpu.memory_space<vmem>>, vector<16xf32>,
      %slice3A_161 = vector.extract_strided_slice %get3A_160 {offsets = [0], sizes = [1], strides = [1]} : vector<16xf32> to vector<1xf32>
      %squeeze3A_162 = vector.extract %slice3A_161[0] : f32 from vector<1xf32>
      %get3A_163 = arith.index_cast %scan3A_157 : i32 to index
      %get3A_164 = arith.constant 64 : index
      %get3A_165 = tpu.vector_load %arg11[%get3A_163, %get3A_164] {strides = array<i32>} : memref<32x128xf32, #tpu.memory_space<vmem>>, vector<16xf32>,
      %mul3A_166 = vector.broadcast %squeeze3A_162 : f32 to vector<16xf32>
      %mul3A_167 = arith.mulf %get3A_165, %mul3A_166 : vector<16xf32>
      %add3A_168 = arith.addf %scan3A_158, %mul3A_167 : vector<16xf32>
      %scan3A_169 = arith.constant 1 : i32
      %scan3A_170 = arith.addi %scan3A_157, %scan3A_169 : i32
      %get3A_171 = arith.index_cast %scan3A_170 : i32 to index
      %get3A_172 = tpu.vector_load %arg12[%get3A_171] {strides = array<i32>} : memref<48xf32, #tpu.memory_space<vmem>>, vector<16xf32>,
      %slice3A_173 = vector.extract_strided_slice %get3A_172 {offsets = [0], sizes = [1], strides = [1]} : vector<16xf32> to vector<1xf32>
      %squeeze3A_174 = vector.extract %slice3A_173[0] : f32 from vector<1xf32>
      %get3A_175 = arith.index_cast %scan3A_170 : i32 to index
      %get3A_176 = arith.constant 64 : index
      %get3A_177 = tpu.vector_load %arg11[%get3A_175, %get3A_176] {strides = array<i32>} : memref<32x128xf32, #tpu.memory_space<vmem>>, vector<16xf32>,
      %mul3A_178 = vector.broadcast %squeeze3A_174 : f32 to vector<16xf32>
      %mul3A_179 = arith.mulf %get3A_177, %mul3A_178 : vector<16xf32>
      %add3A_180 = arith.addf %add3A_168, %mul3A_179 : vector<16xf32>
      %scan3A_181 = arith.constant 2 : i32
      %scan3A_182 = arith.addi %scan3A_157, %scan3A_181 : i32
      %get3A_183 = arith.index_cast %scan3A_182 : i32 to index
      %get3A_184 = tpu.vector_load %arg12[%get3A_183] {strides = array<i32>} : memref<48xf32, #tpu.memory_space<vmem>>, vector<16xf32>,
      %slice3A_185 = vector.extract_strided_slice %get3A_184 {offsets = [0], sizes = [1], strides = [1]} : vector<16xf32> to vector<1xf32>
      %squeeze3A_186 = vector.extract %slice3A_185[0] : f32 from vector<1xf32>
      %get3A_187 = arith.index_cast %scan3A_182 : i32 to index
      %get3A_188 = arith.constant 64 : index
      %get3A_189 = tpu.vector_load %arg11[%get3A_187, %get3A_188] {strides = array<i32>} : memref<32x128xf32, #tpu.memory_space<vmem>>, vector<16xf32>,
      %mul3A_190 = vector.broadcast %squeeze3A_186 : f32 to vector<16xf32>
      %mul3A_191 = arith.mulf %get3A_189, %mul3A_190 : vector<16xf32>
      %add3A_192 = arith.addf %add3A_180, %mul3A_191 : vector<16xf32>
      %scan3A_193 = arith.constant 3 : i32
      %scan3A_194 = arith.addi %scan3A_157, %scan3A_193 : i32
      %get3A_195 = arith.index_cast %scan3A_194 : i32 to index
      %get3A_196 = tpu.vector_load %arg12[%get3A_195] {strides = array<i32>} : memref<48xf32, #tpu.memory_space<vmem>>, vector<16xf32>,
      %slice3A_197 = vector.extract_strided_slice %get3A_196 {offsets = [0], sizes = [1], strides = [1]} : vector<16xf32> to vector<1xf32>
      %squeeze3A_198 = vector.extract %slice3A_197[0] : f32 from vector<1xf32>
      %get3A_199 = arith.index_cast %scan3A_194 : i32 to index
      %get3A_200 = arith.constant 64 : index
      %get3A_201 = tpu.vector_load %arg11[%get3A_199, %get3A_200] {strides = array<i32>} : memref<32x128xf32, #tpu.memory_space<vmem>>, vector<16xf32>,
      %mul3A_202 = vector.broadcast %squeeze3A_198 : f32 to vector<16xf32>
      %mul3A_203 = arith.mulf %get3A_201, %mul3A_202 : vector<16xf32>
      %add3A_204 = arith.addf %add3A_192, %mul3A_203 : vector<16xf32>
      scf.yield %add3A_204 : vector<16xf32>
    }
    %scan3A_95 = arith.constant 32 : i32
    %swap3A_96 = arith.constant 64 : index
    %swap3A_97 = tpu.vector_load %arg13[%swap3A_96] {strides = array<i32>} : memref<128xf32, #tpu.memory_space<vmem>>, vector<16xf32>,
    tpu.vector_store %arg13[%swap3A_96], %scan3A_94 {strides = array<i32>} : memref<128xf32, #tpu.memory_space<vmem>>, vector<16xf32>,
    %broadcast_in_dim3A_98 = arith.constant 0.000000e+00 : f32
    %broadcast_in_dim3A_99 = vector.broadcast %broadcast_in_dim3A_98 : f32 to vector<16xf32>
    %scan3A_100 = arith.constant 0 : i32
    %scan3A_101 = arith.constant 32 : i32
    %scan3A_102 = arith.addi %scan3A_100, %scan3A_101 : i32
    %scan3A_103 = arith.constant 4 : i32
    %scan3A_104 = scf.for %scan3A_157 = %scan3A_100 to %scan3A_102 step %scan3A_103 iter_args(%scan3A_158 = %broadcast_in_dim3A_99) -> (vector<16xf32>)  : i32 {
      %get3A_159 = arith.index_cast %scan3A_157 : i32 to index
      %get3A_160 = tpu.vector_load %arg12[%get3A_159] {strides = array<i32>} : memref<48xf32, #tpu.memory_space<vmem>>, vector<16xf32>,
      %slice3A_161 = vector.extract_strided_slice %get3A_160 {offsets = [0], sizes = [1], strides = [1]} : vector<16xf32> to vector<1xf32>
      %squeeze3A_162 = vector.extract %slice3A_161[0] : f32 from vector<1xf32>
      %get3A_163 = arith.index_cast %scan3A_157 : i32 to index
      %get3A_164 = arith.constant 80 : index
      %get3A_165 = tpu.vector_load %arg11[%get3A_163, %get3A_164] {strides = array<i32>} : memref<32x128xf32, #tpu.memory_space<vmem>>, vector<16xf32>,
      %mul3A_166 = vector.broadcast %squeeze3A_162 : f32 to vector<16xf32>
      %mul3A_167 = arith.mulf %get3A_165, %mul3A_166 : vector<16xf32>
      %add3A_168 = arith.addf %scan3A_158, %mul3A_167 : vector<16xf32>
      %scan3A_169 = arith.constant 1 : i32
      %scan3A_170 = arith.addi %scan3A_157, %scan3A_169 : i32
      %get3A_171 = arith.index_cast %scan3A_170 : i32 to index
      %get3A_172 = tpu.vector_load %arg12[%get3A_171] {strides = array<i32>} : memref<48xf32, #tpu.memory_space<vmem>>, vector<16xf32>,
      %slice3A_173 = vector.extract_strided_slice %get3A_172 {offsets = [0], sizes = [1], strides = [1]} : vector<16xf32> to vector<1xf32>
      %squeeze3A_174 = vector.extract %slice3A_173[0] : f32 from vector<1xf32>
      %get3A_175 = arith.index_cast %scan3A_170 : i32 to index
      %get3A_176 = arith.constant 80 : index
      %get3A_177 = tpu.vector_load %arg11[%get3A_175, %get3A_176] {strides = array<i32>} : memref<32x128xf32, #tpu.memory_space<vmem>>, vector<16xf32>,
      %mul3A_178 = vector.broadcast %squeeze3A_174 : f32 to vector<16xf32>
      %mul3A_179 = arith.mulf %get3A_177, %mul3A_178 : vector<16xf32>
      %add3A_180 = arith.addf %add3A_168, %mul3A_179 : vector<16xf32>
      %scan3A_181 = arith.constant 2 : i32
      %scan3A_182 = arith.addi %scan3A_157, %scan3A_181 : i32
      %get3A_183 = arith.index_cast %scan3A_182 : i32 to index
      %get3A_184 = tpu.vector_load %arg12[%get3A_183] {strides = array<i32>} : memref<48xf32, #tpu.memory_space<vmem>>, vector<16xf32>,
      %slice3A_185 = vector.extract_strided_slice %get3A_184 {offsets = [0], sizes = [1], strides = [1]} : vector<16xf32> to vector<1xf32>
      %squeeze3A_186 = vector.extract %slice3A_185[0] : f32 from vector<1xf32>
      %get3A_187 = arith.index_cast %scan3A_182 : i32 to index
      %get3A_188 = arith.constant 80 : index
      %get3A_189 = tpu.vector_load %arg11[%get3A_187, %get3A_188] {strides = array<i32>} : memref<32x128xf32, #tpu.memory_space<vmem>>, vector<16xf32>,
      %mul3A_190 = vector.broadcast %squeeze3A_186 : f32 to vector<16xf32>
      %mul3A_191 = arith.mulf %get3A_189, %mul3A_190 : vector<16xf32>
      %add3A_192 = arith.addf %add3A_180, %mul3A_191 : vector<16xf32>
      %scan3A_193 = arith.constant 3 : i32
      %scan3A_194 = arith.addi %scan3A_157, %scan3A_193 : i32
      %get3A_195 = arith.index_cast %scan3A_194 : i32 to index
      %get3A_196 = tpu.vector_load %arg12[%get3A_195] {strides = array<i32>} : memref<48xf32, #tpu.memory_space<vmem>>, vector<16xf32>,
      %slice3A_197 = vector.extract_strided_slice %get3A_196 {offsets = [0], sizes = [1], strides = [1]} : vector<16xf32> to vector<1xf32>
      %squeeze3A_198 = vector.extract %slice3A_197[0] : f32 from vector<1xf32>
      %get3A_199 = arith.index_cast %scan3A_194 : i32 to index
      %get3A_200 = arith.constant 80 : index
      %get3A_201 = tpu.vector_load %arg11[%get3A_199, %get3A_200] {strides = array<i32>} : memref<32x128xf32, #tpu.memory_space<vmem>>, vector<16xf32>,
      %mul3A_202 = vector.broadcast %squeeze3A_198 : f32 to vector<16xf32>
      %mul3A_203 = arith.mulf %get3A_201, %mul3A_202 : vector<16xf32>
      %add3A_204 = arith.addf %add3A_192, %mul3A_203 : vector<16xf32>
      scf.yield %add3A_204 : vector<16xf32>
    }
    %scan3A_105 = arith.constant 32 : i32
    %swap3A_106 = arith.constant 80 : index
    %swap3A_107 = tpu.vector_load %arg13[%swap3A_106] {strides = array<i32>} : memref<128xf32, #tpu.memory_space<vmem>>, vector<16xf32>,
    tpu.vector_store %arg13[%swap3A_106], %scan3A_104 {strides = array<i32>} : memref<128xf32, #tpu.memory_space<vmem>>, vector<16xf32>,
    %broadcast_in_dim3A_108 = arith.constant 0.000000e+00 : f32
    %broadcast_in_dim3A_109 = vector.broadcast %broadcast_in_dim3A_108 : f32 to vector<16xf32>
    %scan3A_110 = arith.constant 0 : i32
    %scan3A_111 = arith.constant 32 : i32
    %scan3A_112 = arith.addi %scan3A_110, %scan3A_111 : i32
    %scan3A_113 = arith.constant 4 : i32
    %scan3A_114 = scf.for %scan3A_157 = %scan3A_110 to %scan3A_112 step %scan3A_113 iter_args(%scan3A_158 = %broadcast_in_dim3A_109) -> (vector<16xf32>)  : i32 {
      %get3A_159 = arith.index_cast %scan3A_157 : i32 to index
      %get3A_160 = tpu.vector_load %arg12[%get3A_159] {strides = array<i32>} : memref<48xf32, #tpu.memory_space<vmem>>, vector<16xf32>,
      %slice3A_161 = vector.extract_strided_slice %get3A_160 {offsets = [0], sizes = [1], strides = [1]} : vector<16xf32> to vector<1xf32>
      %squeeze3A_162 = vector.extract %slice3A_161[0] : f32 from vector<1xf32>
      %get3A_163 = arith.index_cast %scan3A_157 : i32 to index
      %get3A_164 = arith.constant 96 : index
      %get3A_165 = tpu.vector_load %arg11[%get3A_163, %get3A_164] {strides = array<i32>} : memref<32x128xf32, #tpu.memory_space<vmem>>, vector<16xf32>,
      %mul3A_166 = vector.broadcast %squeeze3A_162 : f32 to vector<16xf32>
      %mul3A_167 = arith.mulf %get3A_165, %mul3A_166 : vector<16xf32>
      %add3A_168 = arith.addf %scan3A_158, %mul3A_167 : vector<16xf32>
      %scan3A_169 = arith.constant 1 : i32
      %scan3A_170 = arith.addi %scan3A_157, %scan3A_169 : i32
      %get3A_171 = arith.index_cast %scan3A_170 : i32 to index
      %get3A_172 = tpu.vector_load %arg12[%get3A_171] {strides = array<i32>} : memref<48xf32, #tpu.memory_space<vmem>>, vector<16xf32>,
      %slice3A_173 = vector.extract_strided_slice %get3A_172 {offsets = [0], sizes = [1], strides = [1]} : vector<16xf32> to vector<1xf32>
      %squeeze3A_174 = vector.extract %slice3A_173[0] : f32 from vector<1xf32>
      %get3A_175 = arith.index_cast %scan3A_170 : i32 to index
      %get3A_176 = arith.constant 96 : index
      %get3A_177 = tpu.vector_load %arg11[%get3A_175, %get3A_176] {strides = array<i32>} : memref<32x128xf32, #tpu.memory_space<vmem>>, vector<16xf32>,
      %mul3A_178 = vector.broadcast %squeeze3A_174 : f32 to vector<16xf32>
      %mul3A_179 = arith.mulf %get3A_177, %mul3A_178 : vector<16xf32>
      %add3A_180 = arith.addf %add3A_168, %mul3A_179 : vector<16xf32>
      %scan3A_181 = arith.constant 2 : i32
      %scan3A_182 = arith.addi %scan3A_157, %scan3A_181 : i32
      %get3A_183 = arith.index_cast %scan3A_182 : i32 to index
      %get3A_184 = tpu.vector_load %arg12[%get3A_183] {strides = array<i32>} : memref<48xf32, #tpu.memory_space<vmem>>, vector<16xf32>,
      %slice3A_185 = vector.extract_strided_slice %get3A_184 {offsets = [0], sizes = [1], strides = [1]} : vector<16xf32> to vector<1xf32>
      %squeeze3A_186 = vector.extract %slice3A_185[0] : f32 from vector<1xf32>
      %get3A_187 = arith.index_cast %scan3A_182 : i32 to index
      %get3A_188 = arith.constant 96 : index
      %get3A_189 = tpu.vector_load %arg11[%get3A_187, %get3A_188] {strides = array<i32>} : memref<32x128xf32, #tpu.memory_space<vmem>>, vector<16xf32>,
      %mul3A_190 = vector.broadcast %squeeze3A_186 : f32 to vector<16xf32>
      %mul3A_191 = arith.mulf %get3A_189, %mul3A_190 : vector<16xf32>
      %add3A_192 = arith.addf %add3A_180, %mul3A_191 : vector<16xf32>
      %scan3A_193 = arith.constant 3 : i32
      %scan3A_194 = arith.addi %scan3A_157, %scan3A_193 : i32
      %get3A_195 = arith.index_cast %scan3A_194 : i32 to index
      %get3A_196 = tpu.vector_load %arg12[%get3A_195] {strides = array<i32>} : memref<48xf32, #tpu.memory_space<vmem>>, vector<16xf32>,
      %slice3A_197 = vector.extract_strided_slice %get3A_196 {offsets = [0], sizes = [1], strides = [1]} : vector<16xf32> to vector<1xf32>
      %squeeze3A_198 = vector.extract %slice3A_197[0] : f32 from vector<1xf32>
      %get3A_199 = arith.index_cast %scan3A_194 : i32 to index
      %get3A_200 = arith.constant 96 : index
      %get3A_201 = tpu.vector_load %arg11[%get3A_199, %get3A_200] {strides = array<i32>} : memref<32x128xf32, #tpu.memory_space<vmem>>, vector<16xf32>,
      %mul3A_202 = vector.broadcast %squeeze3A_198 : f32 to vector<16xf32>
      %mul3A_203 = arith.mulf %get3A_201, %mul3A_202 : vector<16xf32>
      %add3A_204 = arith.addf %add3A_192, %mul3A_203 : vector<16xf32>
      scf.yield %add3A_204 : vector<16xf32>
    }
    %scan3A_115 = arith.constant 32 : i32
    %swap3A_116 = arith.constant 96 : index
    %swap3A_117 = tpu.vector_load %arg13[%swap3A_116] {strides = array<i32>} : memref<128xf32, #tpu.memory_space<vmem>>, vector<16xf32>,
    tpu.vector_store %arg13[%swap3A_116], %scan3A_114 {strides = array<i32>} : memref<128xf32, #tpu.memory_space<vmem>>, vector<16xf32>,
    %broadcast_in_dim3A_118 = arith.constant 0.000000e+00 : f32
    %broadcast_in_dim3A_119 = vector.broadcast %broadcast_in_dim3A_118 : f32 to vector<16xf32>
    %scan3A_120 = arith.constant 0 : i32
    %scan3A_121 = arith.constant 32 : i32
    %scan3A_122 = arith.addi %scan3A_120, %scan3A_121 : i32
    %scan3A_123 = arith.constant 4 : i32
    %scan3A_124 = scf.for %scan3A_157 = %scan3A_120 to %scan3A_122 step %scan3A_123 iter_args(%scan3A_158 = %broadcast_in_dim3A_119) -> (vector<16xf32>)  : i32 {
      %get3A_159 = arith.index_cast %scan3A_157 : i32 to index
      %get3A_160 = tpu.vector_load %arg12[%get3A_159] {strides = array<i32>} : memref<48xf32, #tpu.memory_space<vmem>>, vector<16xf32>,
      %slice3A_161 = vector.extract_strided_slice %get3A_160 {offsets = [0], sizes = [1], strides = [1]} : vector<16xf32> to vector<1xf32>
      %squeeze3A_162 = vector.extract %slice3A_161[0] : f32 from vector<1xf32>
      %get3A_163 = arith.index_cast %scan3A_157 : i32 to index
      %get3A_164 = arith.constant 112 : index
      %get3A_165 = tpu.vector_load %arg11[%get3A_163, %get3A_164] {strides = array<i32>} : memref<32x128xf32, #tpu.memory_space<vmem>>, vector<16xf32>,
      %mul3A_166 = vector.broadcast %squeeze3A_162 : f32 to vector<16xf32>
      %mul3A_167 = arith.mulf %get3A_165, %mul3A_166 : vector<16xf32>
      %add3A_168 = arith.addf %scan3A_158, %mul3A_167 : vector<16xf32>
      %scan3A_169 = arith.constant 1 : i32
      %scan3A_170 = arith.addi %scan3A_157, %scan3A_169 : i32
      %get3A_171 = arith.index_cast %scan3A_170 : i32 to index
      %get3A_172 = tpu.vector_load %arg12[%get3A_171] {strides = array<i32>} : memref<48xf32, #tpu.memory_space<vmem>>, vector<16xf32>,
      %slice3A_173 = vector.extract_strided_slice %get3A_172 {offsets = [0], sizes = [1], strides = [1]} : vector<16xf32> to vector<1xf32>
      %squeeze3A_174 = vector.extract %slice3A_173[0] : f32 from vector<1xf32>
      %get3A_175 = arith.index_cast %scan3A_170 : i32 to index
      %get3A_176 = arith.constant 112 : index
      %get3A_177 = tpu.vector_load %arg11[%get3A_175, %get3A_176] {strides = array<i32>} : memref<32x128xf32, #tpu.memory_space<vmem>>, vector<16xf32>,
      %mul3A_178 = vector.broadcast %squeeze3A_174 : f32 to vector<16xf32>
      %mul3A_179 = arith.mulf %get3A_177, %mul3A_178 : vector<16xf32>
      %add3A_180 = arith.addf %add3A_168, %mul3A_179 : vector<16xf32>
      %scan3A_181 = arith.constant 2 : i32
      %scan3A_182 = arith.addi %scan3A_157, %scan3A_181 : i32
      %get3A_183 = arith.index_cast %scan3A_182 : i32 to index
      %get3A_184 = tpu.vector_load %arg12[%get3A_183] {strides = array<i32>} : memref<48xf32, #tpu.memory_space<vmem>>, vector<16xf32>,
      %slice3A_185 = vector.extract_strided_slice %get3A_184 {offsets = [0], sizes = [1], strides = [1]} : vector<16xf32> to vector<1xf32>
      %squeeze3A_186 = vector.extract %slice3A_185[0] : f32 from vector<1xf32>
      %get3A_187 = arith.index_cast %scan3A_182 : i32 to index
      %get3A_188 = arith.constant 112 : index
      %get3A_189 = tpu.vector_load %arg11[%get3A_187, %get3A_188] {strides = array<i32>} : memref<32x128xf32, #tpu.memory_space<vmem>>, vector<16xf32>,
      %mul3A_190 = vector.broadcast %squeeze3A_186 : f32 to vector<16xf32>
      %mul3A_191 = arith.mulf %get3A_189, %mul3A_190 : vector<16xf32>
      %add3A_192 = arith.addf %add3A_180, %mul3A_191 : vector<16xf32>
      %scan3A_193 = arith.constant 3 : i32
      %scan3A_194 = arith.addi %scan3A_157, %scan3A_193 : i32
      %get3A_195 = arith.index_cast %scan3A_194 : i32 to index
      %get3A_196 = tpu.vector_load %arg12[%get3A_195] {strides = array<i32>} : memref<48xf32, #tpu.memory_space<vmem>>, vector<16xf32>,
      %slice3A_197 = vector.extract_strided_slice %get3A_196 {offsets = [0], sizes = [1], strides = [1]} : vector<16xf32> to vector<1xf32>
      %squeeze3A_198 = vector.extract %slice3A_197[0] : f32 from vector<1xf32>
      %get3A_199 = arith.index_cast %scan3A_194 : i32 to index
      %get3A_200 = arith.constant 112 : index
      %get3A_201 = tpu.vector_load %arg11[%get3A_199, %get3A_200] {strides = array<i32>} : memref<32x128xf32, #tpu.memory_space<vmem>>, vector<16xf32>,
      %mul3A_202 = vector.broadcast %squeeze3A_198 : f32 to vector<16xf32>
      %mul3A_203 = arith.mulf %get3A_201, %mul3A_202 : vector<16xf32>
      %add3A_204 = arith.addf %add3A_192, %mul3A_203 : vector<16xf32>
      scf.yield %add3A_204 : vector<16xf32>
    }
    %scan3A_125 = arith.constant 32 : i32
    %swap3A_126 = arith.constant 112 : index
    %swap3A_127 = tpu.vector_load %arg13[%swap3A_126] {strides = array<i32>} : memref<128xf32, #tpu.memory_space<vmem>>, vector<16xf32>,
    tpu.vector_store %arg13[%swap3A_126], %scan3A_124 {strides = array<i32>} : memref<128xf32, #tpu.memory_space<vmem>>, vector<16xf32>,
    %lt3A = arith.constant 8 : i32
    %lt3A_128 = arith.cmpi slt, %arg1, %lt3A : i32
    %convert_element_type3A = arith.extui %lt3A_128 : i1 to i32
    %cond3A = arith.constant 0 : i32
    %cond3A_129 = arith.cmpi ne, %convert_element_type3A, %cond3A : i32
    scf.if %cond3A_129 {
      "tpu.region"() ({
        %run_scoped3A = tpu.sem_alloc : memref<!tpu.dma_semaphore, #tpu.memory_space<semaphore_mem>>
        %dma_start3A_157 = tpu.memref_slice %arg17[%mul3A_19] : memref<1024xf32, #tpu.memory_space<vmem_shared>> -> memref<128xf32, #tpu.memory_space<vmem_shared>>
        %dma_start3A_158 = tpu.memref_slice %arg17[%mul3A_19] : memref<1024xf32, #tpu.memory_space<vmem_shared>> -> memref<128xf32, #tpu.memory_space<vmem_shared>>
        tpu.enqueue_dma source(%arg13 : memref<128xf32, #tpu.memory_space<vmem>>) target(%dma_start3A_158 : memref<128xf32, #tpu.memory_space<vmem_shared>>) target_semaphore(%run_scoped3A : memref<!tpu.dma_semaphore, #tpu.memory_space<semaphore_mem>>)
        %dma_wait3A_159 = tpu.memref_slice %arg17[%mul3A_19] : memref<1024xf32, #tpu.memory_space<vmem_shared>> -> memref<128xf32, #tpu.memory_space<vmem_shared>>
        %dma_wait3A_160 = tpu.memref_slice %arg17[%mul3A_19] : memref<1024xf32, #tpu.memory_space<vmem_shared>> -> memref<128xf32, #tpu.memory_space<vmem_shared>>
        tpu.wait_dma2 semaphore(%run_scoped3A : memref<!tpu.dma_semaphore, #tpu.memory_space<semaphore_mem>>) src(%arg13 : memref<128xf32, #tpu.memory_space<vmem>>) dst(%dma_wait3A_160 : memref<128xf32, #tpu.memory_space<vmem_shared>>)
        tpu.yield
      }) : () -> ()
    } else {
    }
    %barrier3A = arith.constant 0 : index
    tpu.barrier barrier_id(%barrier3A)
    "tpu.region"() ({
      %run_scoped3A = tpu.sem_alloc : memref<!tpu.dma_semaphore, #tpu.memory_space<semaphore_mem>>
      tpu.enqueue_dma source(%arg17 : memref<1024xf32, #tpu.memory_space<vmem_shared>>) target(%arg9 : memref<1024xf32, #tpu.memory_space<vmem>>) target_semaphore(%run_scoped3A : memref<!tpu.dma_semaphore, #tpu.memory_space<semaphore_mem>>)
      tpu.wait_dma2 semaphore(%run_scoped3A : memref<!tpu.dma_semaphore, #tpu.memory_space<semaphore_mem>>) src(%arg17 : memref<1024xf32, #tpu.memory_space<vmem_shared>>) dst(%arg9 : memref<1024xf32, #tpu.memory_space<vmem>>)
      tpu.yield
    }) : () -> ()
    %scan3A_130 = arith.constant 0 : i32
    %scan3A_131 = arith.constant 0 : i32
    %scan3A_132 = arith.constant 63 : i32
    %scan3A_133 = arith.addi %scan3A_131, %scan3A_132 : i32
    %scan3A_134 = arith.constant 1 : i32
    scf.for %scan3A_157 = %scan3A_131 to %scan3A_133 step %scan3A_134  : i32 {
      %mul3A_158 = arith.constant 16 : i32
      %mul3A_159 = arith.muli %scan3A_157, %mul3A_158 : i32
      %get3A_160 = arith.index_cast %mul3A_159 : i32 to index
      %get3A_161 = tpu.vector_load %arg9[%get3A_160] {strides = array<i32>} : memref<1024xf32, #tpu.memory_space<vmem>>, vector<16xf32>,
      %slice3A_162 = vector.extract_strided_slice %get3A_161 {offsets = [0], sizes = [1], strides = [1]} : vector<16xf32> to vector<1xf32>
      %squeeze3A_163 = vector.extract %slice3A_162[0] : f32 from vector<1xf32>
      %broadcast_in_dim3A_164 = vector.broadcast %squeeze3A_163 : f32 to vector<16xf32>
      %mul3A_165 = arith.constant 16 : i32
      %mul3A_166 = arith.muli %scan3A_157, %mul3A_165 : i32
      %add3A_167 = arith.constant 0 : i32
      %add3A_168 = arith.addi %mul3A_166, %add3A_167 : i32
      %mul3A_169 = arith.constant 16 : i32
      %mul3A_170 = arith.muli %add3A_168, %mul3A_169 : i32
      %swap3A_171 = arith.index_cast %mul3A_170 : i32 to index
      %swap3A_172 = tpu.vector_load %arg10[%swap3A_171] {strides = array<i32>} : memref<16384xf32, #tpu.memory_space<vmem>>, vector<16xf32>,
      tpu.vector_store %arg10[%swap3A_171], %broadcast_in_dim3A_164 {strides = array<i32>} : memref<16384xf32, #tpu.memory_space<vmem>>, vector<16xf32>,
      %slice3A_173 = vector.extract_strided_slice %get3A_161 {offsets = [1], sizes = [1], strides = [1]} : vector<16xf32> to vector<1xf32>
      %squeeze3A_174 = vector.extract %slice3A_173[0] : f32 from vector<1xf32>
      %broadcast_in_dim3A_175 = vector.broadcast %squeeze3A_174 : f32 to vector<16xf32>
      %mul3A_176 = arith.constant 16 : i32
      %mul3A_177 = arith.muli %scan3A_157, %mul3A_176 : i32
      %add3A_178 = arith.constant 1 : i32
      %add3A_179 = arith.addi %mul3A_177, %add3A_178 : i32
      %mul3A_180 = arith.constant 16 : i32
      %mul3A_181 = arith.muli %add3A_179, %mul3A_180 : i32
      %swap3A_182 = arith.index_cast %mul3A_181 : i32 to index
      %swap3A_183 = tpu.vector_load %arg10[%swap3A_182] {strides = array<i32>} : memref<16384xf32, #tpu.memory_space<vmem>>, vector<16xf32>,
      tpu.vector_store %arg10[%swap3A_182], %broadcast_in_dim3A_175 {strides = array<i32>} : memref<16384xf32, #tpu.memory_space<vmem>>, vector<16xf32>,
      %slice3A_184 = vector.extract_strided_slice %get3A_161 {offsets = [2], sizes = [1], strides = [1]} : vector<16xf32> to vector<1xf32>
      %squeeze3A_185 = vector.extract %slice3A_184[0] : f32 from vector<1xf32>
      %broadcast_in_dim3A_186 = vector.broadcast %squeeze3A_185 : f32 to vector<16xf32>
      %mul3A_187 = arith.constant 16 : i32
      %mul3A_188 = arith.muli %scan3A_157, %mul3A_187 : i32
      %add3A_189 = arith.constant 2 : i32
      %add3A_190 = arith.addi %mul3A_188, %add3A_189 : i32
      %mul3A_191 = arith.constant 16 : i32
      %mul3A_192 = arith.muli %add3A_190, %mul3A_191 : i32
      %swap3A_193 = arith.index_cast %mul3A_192 : i32 to index
      %swap3A_194 = tpu.vector_load %arg10[%swap3A_193] {strides = array<i32>} : memref<16384xf32, #tpu.memory_space<vmem>>, vector<16xf32>,
      tpu.vector_store %arg10[%swap3A_193], %broadcast_in_dim3A_186 {strides = array<i32>} : memref<16384xf32, #tpu.memory_space<vmem>>, vector<16xf32>,
      %slice3A_195 = vector.extract_strided_slice %get3A_161 {offsets = [3], sizes = [1], strides = [1]} : vector<16xf32> to vector<1xf32>
      %squeeze3A_196 = vector.extract %slice3A_195[0] : f32 from vector<1xf32>
      %broadcast_in_dim3A_197 = vector.broadcast %squeeze3A_196 : f32 to vector<16xf32>
      %mul3A_198 = arith.constant 16 : i32
      %mul3A_199 = arith.muli %scan3A_157, %mul3A_198 : i32
      %add3A_200 = arith.constant 3 : i32
      %add3A_201 = arith.addi %mul3A_199, %add3A_200 : i32
      %mul3A_202 = arith.constant 16 : i32
      %mul3A_203 = arith.muli %add3A_201, %mul3A_202 : i32
      %swap3A_204 = arith.index_cast %mul3A_203 : i32 to index
      %swap3A_205 = tpu.vector_load %arg10[%swap3A_204] {strides = array<i32>} : memref<16384xf32, #tpu.memory_space<vmem>>, vector<16xf32>,
      tpu.vector_store %arg10[%swap3A_204], %broadcast_in_dim3A_197 {strides = array<i32>} : memref<16384xf32, #tpu.memory_space<vmem>>, vector<16xf32>,
      %slice3A_206 = vector.extract_strided_slice %get3A_161 {offsets = [4], sizes = [1], strides = [1]} : vector<16xf32> to vector<1xf32>
      %squeeze3A_207 = vector.extract %slice3A_206[0] : f32 from vector<1xf32>
      %broadcast_in_dim3A_208 = vector.broadcast %squeeze3A_207 : f32 to vector<16xf32>
      %mul3A_209 = arith.constant 16 : i32
      %mul3A_210 = arith.muli %scan3A_157, %mul3A_209 : i32
      %add3A_211 = arith.constant 4 : i32
      %add3A_212 = arith.addi %mul3A_210, %add3A_211 : i32
      %mul3A_213 = arith.constant 16 : i32
      %mul3A_214 = arith.muli %add3A_212, %mul3A_213 : i32
      %swap3A_215 = arith.index_cast %mul3A_214 : i32 to index
      %swap3A_216 = tpu.vector_load %arg10[%swap3A_215] {strides = array<i32>} : memref<16384xf32, #tpu.memory_space<vmem>>, vector<16xf32>,
      tpu.vector_store %arg10[%swap3A_215], %broadcast_in_dim3A_208 {strides = array<i32>} : memref<16384xf32, #tpu.memory_space<vmem>>, vector<16xf32>,
      %slice3A_217 = vector.extract_strided_slice %get3A_161 {offsets = [5], sizes = [1], strides = [1]} : vector<16xf32> to vector<1xf32>
      %squeeze3A_218 = vector.extract %slice3A_217[0] : f32 from vector<1xf32>
      %broadcast_in_dim3A_219 = vector.broadcast %squeeze3A_218 : f32 to vector<16xf32>
      %mul3A_220 = arith.constant 16 : i32
      %mul3A_221 = arith.muli %scan3A_157, %mul3A_220 : i32
      %add3A_222 = arith.constant 5 : i32
      %add3A_223 = arith.addi %mul3A_221, %add3A_222 : i32
      %mul3A_224 = arith.constant 16 : i32
      %mul3A_225 = arith.muli %add3A_223, %mul3A_224 : i32
      %swap3A_226 = arith.index_cast %mul3A_225 : i32 to index
      %swap3A_227 = tpu.vector_load %arg10[%swap3A_226] {strides = array<i32>} : memref<16384xf32, #tpu.memory_space<vmem>>, vector<16xf32>,
      tpu.vector_store %arg10[%swap3A_226], %broadcast_in_dim3A_219 {strides = array<i32>} : memref<16384xf32, #tpu.memory_space<vmem>>, vector<16xf32>,
      %slice3A_228 = vector.extract_strided_slice %get3A_161 {offsets = [6], sizes = [1], strides = [1]} : vector<16xf32> to vector<1xf32>
      %squeeze3A_229 = vector.extract %slice3A_228[0] : f32 from vector<1xf32>
      %broadcast_in_dim3A_230 = vector.broadcast %squeeze3A_229 : f32 to vector<16xf32>
      %mul3A_231 = arith.constant 16 : i32
      %mul3A_232 = arith.muli %scan3A_157, %mul3A_231 : i32
      %add3A_233 = arith.constant 6 : i32
      %add3A_234 = arith.addi %mul3A_232, %add3A_233 : i32
      %mul3A_235 = arith.constant 16 : i32
      %mul3A_236 = arith.muli %add3A_234, %mul3A_235 : i32
      %swap3A_237 = arith.index_cast %mul3A_236 : i32 to index
      %swap3A_238 = tpu.vector_load %arg10[%swap3A_237] {strides = array<i32>} : memref<16384xf32, #tpu.memory_space<vmem>>, vector<16xf32>,
      tpu.vector_store %arg10[%swap3A_237], %broadcast_in_dim3A_230 {strides = array<i32>} : memref<16384xf32, #tpu.memory_space<vmem>>, vector<16xf32>,
      %slice3A_239 = vector.extract_strided_slice %get3A_161 {offsets = [7], sizes = [1], strides = [1]} : vector<16xf32> to vector<1xf32>
      %squeeze3A_240 = vector.extract %slice3A_239[0] : f32 from vector<1xf32>
      %broadcast_in_dim3A_241 = vector.broadcast %squeeze3A_240 : f32 to vector<16xf32>
      %mul3A_242 = arith.constant 16 : i32
      %mul3A_243 = arith.muli %scan3A_157, %mul3A_242 : i32
      %add3A_244 = arith.constant 7 : i32
      %add3A_245 = arith.addi %mul3A_243, %add3A_244 : i32
      %mul3A_246 = arith.constant 16 : i32
      %mul3A_247 = arith.muli %add3A_245, %mul3A_246 : i32
      %swap3A_248 = arith.index_cast %mul3A_247 : i32 to index
      %swap3A_249 = tpu.vector_load %arg10[%swap3A_248] {strides = array<i32>} : memref<16384xf32, #tpu.memory_space<vmem>>, vector<16xf32>,
      tpu.vector_store %arg10[%swap3A_248], %broadcast_in_dim3A_241 {strides = array<i32>} : memref<16384xf32, #tpu.memory_space<vmem>>, vector<16xf32>,
      %slice3A_250 = vector.extract_strided_slice %get3A_161 {offsets = [8], sizes = [1], strides = [1]} : vector<16xf32> to vector<1xf32>
      %squeeze3A_251 = vector.extract %slice3A_250[0] : f32 from vector<1xf32>
      %broadcast_in_dim3A_252 = vector.broadcast %squeeze3A_251 : f32 to vector<16xf32>
      %mul3A_253 = arith.constant 16 : i32
      %mul3A_254 = arith.muli %scan3A_157, %mul3A_253 : i32
      %add3A_255 = arith.constant 8 : i32
      %add3A_256 = arith.addi %mul3A_254, %add3A_255 : i32
      %mul3A_257 = arith.constant 16 : i32
      %mul3A_258 = arith.muli %add3A_256, %mul3A_257 : i32
      %swap3A_259 = arith.index_cast %mul3A_258 : i32 to index
      %swap3A_260 = tpu.vector_load %arg10[%swap3A_259] {strides = array<i32>} : memref<16384xf32, #tpu.memory_space<vmem>>, vector<16xf32>,
      tpu.vector_store %arg10[%swap3A_259], %broadcast_in_dim3A_252 {strides = array<i32>} : memref<16384xf32, #tpu.memory_space<vmem>>, vector<16xf32>,
      %slice3A_261 = vector.extract_strided_slice %get3A_161 {offsets = [9], sizes = [1], strides = [1]} : vector<16xf32> to vector<1xf32>
      %squeeze3A_262 = vector.extract %slice3A_261[0] : f32 from vector<1xf32>
      %broadcast_in_dim3A_263 = vector.broadcast %squeeze3A_262 : f32 to vector<16xf32>
      %mul3A_264 = arith.constant 16 : i32
      %mul3A_265 = arith.muli %scan3A_157, %mul3A_264 : i32
      %add3A_266 = arith.constant 9 : i32
      %add3A_267 = arith.addi %mul3A_265, %add3A_266 : i32
      %mul3A_268 = arith.constant 16 : i32
      %mul3A_269 = arith.muli %add3A_267, %mul3A_268 : i32
      %swap3A_270 = arith.index_cast %mul3A_269 : i32 to index
      %swap3A_271 = tpu.vector_load %arg10[%swap3A_270] {strides = array<i32>} : memref<16384xf32, #tpu.memory_space<vmem>>, vector<16xf32>,
      tpu.vector_store %arg10[%swap3A_270], %broadcast_in_dim3A_263 {strides = array<i32>} : memref<16384xf32, #tpu.memory_space<vmem>>, vector<16xf32>,
      %slice3A_272 = vector.extract_strided_slice %get3A_161 {offsets = [10], sizes = [1], strides = [1]} : vector<16xf32> to vector<1xf32>
      %squeeze3A_273 = vector.extract %slice3A_272[0] : f32 from vector<1xf32>
      %broadcast_in_dim3A_274 = vector.broadcast %squeeze3A_273 : f32 to vector<16xf32>
      %mul3A_275 = arith.constant 16 : i32
      %mul3A_276 = arith.muli %scan3A_157, %mul3A_275 : i32
      %add3A_277 = arith.constant 10 : i32
      %add3A_278 = arith.addi %mul3A_276, %add3A_277 : i32
      %mul3A_279 = arith.constant 16 : i32
      %mul3A_280 = arith.muli %add3A_278, %mul3A_279 : i32
      %swap3A_281 = arith.index_cast %mul3A_280 : i32 to index
      %swap3A_282 = tpu.vector_load %arg10[%swap3A_281] {strides = array<i32>} : memref<16384xf32, #tpu.memory_space<vmem>>, vector<16xf32>,
      tpu.vector_store %arg10[%swap3A_281], %broadcast_in_dim3A_274 {strides = array<i32>} : memref<16384xf32, #tpu.memory_space<vmem>>, vector<16xf32>,
      %slice3A_283 = vector.extract_strided_slice %get3A_161 {offsets = [11], sizes = [1], strides = [1]} : vector<16xf32> to vector<1xf32>
      %squeeze3A_284 = vector.extract %slice3A_283[0] : f32 from vector<1xf32>
      %broadcast_in_dim3A_285 = vector.broadcast %squeeze3A_284 : f32 to vector<16xf32>
      %mul3A_286 = arith.constant 16 : i32
      %mul3A_287 = arith.muli %scan3A_157, %mul3A_286 : i32
      %add3A_288 = arith.constant 11 : i32
      %add3A_289 = arith.addi %mul3A_287, %add3A_288 : i32
      %mul3A_290 = arith.constant 16 : i32
      %mul3A_291 = arith.muli %add3A_289, %mul3A_290 : i32
      %swap3A_292 = arith.index_cast %mul3A_291 : i32 to index
      %swap3A_293 = tpu.vector_load %arg10[%swap3A_292] {strides = array<i32>} : memref<16384xf32, #tpu.memory_space<vmem>>, vector<16xf32>,
      tpu.vector_store %arg10[%swap3A_292], %broadcast_in_dim3A_285 {strides = array<i32>} : memref<16384xf32, #tpu.memory_space<vmem>>, vector<16xf32>,
      %slice3A_294 = vector.extract_strided_slice %get3A_161 {offsets = [12], sizes = [1], strides = [1]} : vector<16xf32> to vector<1xf32>
      %squeeze3A_295 = vector.extract %slice3A_294[0] : f32 from vector<1xf32>
      %broadcast_in_dim3A_296 = vector.broadcast %squeeze3A_295 : f32 to vector<16xf32>
      %mul3A_297 = arith.constant 16 : i32
      %mul3A_298 = arith.muli %scan3A_157, %mul3A_297 : i32
      %add3A_299 = arith.constant 12 : i32
      %add3A_300 = arith.addi %mul3A_298, %add3A_299 : i32
      %mul3A_301 = arith.constant 16 : i32
      %mul3A_302 = arith.muli %add3A_300, %mul3A_301 : i32
      %swap3A_303 = arith.index_cast %mul3A_302 : i32 to index
      %swap3A_304 = tpu.vector_load %arg10[%swap3A_303] {strides = array<i32>} : memref<16384xf32, #tpu.memory_space<vmem>>, vector<16xf32>,
      tpu.vector_store %arg10[%swap3A_303], %broadcast_in_dim3A_296 {strides = array<i32>} : memref<16384xf32, #tpu.memory_space<vmem>>, vector<16xf32>,
      %slice3A_305 = vector.extract_strided_slice %get3A_161 {offsets = [13], sizes = [1], strides = [1]} : vector<16xf32> to vector<1xf32>
      %squeeze3A_306 = vector.extract %slice3A_305[0] : f32 from vector<1xf32>
      %broadcast_in_dim3A_307 = vector.broadcast %squeeze3A_306 : f32 to vector<16xf32>
      %mul3A_308 = arith.constant 16 : i32
      %mul3A_309 = arith.muli %scan3A_157, %mul3A_308 : i32
      %add3A_310 = arith.constant 13 : i32
      %add3A_311 = arith.addi %mul3A_309, %add3A_310 : i32
      %mul3A_312 = arith.constant 16 : i32
      %mul3A_313 = arith.muli %add3A_311, %mul3A_312 : i32
      %swap3A_314 = arith.index_cast %mul3A_313 : i32 to index
      %swap3A_315 = tpu.vector_load %arg10[%swap3A_314] {strides = array<i32>} : memref<16384xf32, #tpu.memory_space<vmem>>, vector<16xf32>,
      tpu.vector_store %arg10[%swap3A_314], %broadcast_in_dim3A_307 {strides = array<i32>} : memref<16384xf32, #tpu.memory_space<vmem>>, vector<16xf32>,
      %slice3A_316 = vector.extract_strided_slice %get3A_161 {offsets = [14], sizes = [1], strides = [1]} : vector<16xf32> to vector<1xf32>
      %squeeze3A_317 = vector.extract %slice3A_316[0] : f32 from vector<1xf32>
      %broadcast_in_dim3A_318 = vector.broadcast %squeeze3A_317 : f32 to vector<16xf32>
      %mul3A_319 = arith.constant 16 : i32
      %mul3A_320 = arith.muli %scan3A_157, %mul3A_319 : i32
      %add3A_321 = arith.constant 14 : i32
      %add3A_322 = arith.addi %mul3A_320, %add3A_321 : i32
      %mul3A_323 = arith.constant 16 : i32
      %mul3A_324 = arith.muli %add3A_322, %mul3A_323 : i32
      %swap3A_325 = arith.index_cast %mul3A_324 : i32 to index
      %swap3A_326 = tpu.vector_load %arg10[%swap3A_325] {strides = array<i32>} : memref<16384xf32, #tpu.memory_space<vmem>>, vector<16xf32>,
      tpu.vector_store %arg10[%swap3A_325], %broadcast_in_dim3A_318 {strides = array<i32>} : memref<16384xf32, #tpu.memory_space<vmem>>, vector<16xf32>,
      %slice3A_327 = vector.extract_strided_slice %get3A_161 {offsets = [15], sizes = [1], strides = [1]} : vector<16xf32> to vector<1xf32>
      %squeeze3A_328 = vector.extract %slice3A_327[0] : f32 from vector<1xf32>
      %broadcast_in_dim3A_329 = vector.broadcast %squeeze3A_328 : f32 to vector<16xf32>
      %mul3A_330 = arith.constant 16 : i32
      %mul3A_331 = arith.muli %scan3A_157, %mul3A_330 : i32
      %add3A_332 = arith.constant 15 : i32
      %add3A_333 = arith.addi %mul3A_331, %add3A_332 : i32
      %mul3A_334 = arith.constant 16 : i32
      %mul3A_335 = arith.muli %add3A_333, %mul3A_334 : i32
      %swap3A_336 = arith.index_cast %mul3A_335 : i32 to index
      %swap3A_337 = tpu.vector_load %arg10[%swap3A_336] {strides = array<i32>} : memref<16384xf32, #tpu.memory_space<vmem>>, vector<16xf32>,
      tpu.vector_store %arg10[%swap3A_336], %broadcast_in_dim3A_329 {strides = array<i32>} : memref<16384xf32, #tpu.memory_space<vmem>>, vector<16xf32>,
    }
    %scan3A_135 = arith.constant 63 : i32
    %get3A = arith.constant 0 : index
    %get3A_136 = tpu.vector_load %arg15[%get3A] {strides = array<i32>} : memref<16xf32, #tpu.memory_space<vmem>>, vector<16xf32>,
    %slice3A = vector.extract_strided_slice %get3A_136 {offsets = [0], sizes = [1], strides = [1]} : vector<16xf32> to vector<1xf32>
    %squeeze3A = vector.extract %slice3A[0] : f32 from vector<1xf32>
    %get3A_137 = arith.constant 0 : index
    %get3A_138 = tpu.vector_load %arg14[%get3A_137] {strides = array<i32>} : memref<112xf32, #tpu.memory_space<vmem>>, vector<16xf32>,
    %get3A_139 = arith.constant 16 : index
    %get3A_140 = tpu.vector_load %arg14[%get3A_139] {strides = array<i32>} : memref<112xf32, #tpu.memory_space<vmem>>, vector<16xf32>,
    %get3A_141 = arith.constant 32 : index
    %get3A_142 = tpu.vector_load %arg14[%get3A_141] {strides = array<i32>} : memref<112xf32, #tpu.memory_space<vmem>>, vector<16xf32>,
    %get3A_143 = arith.constant 48 : index
    %get3A_144 = tpu.vector_load %arg14[%get3A_143] {strides = array<i32>} : memref<112xf32, #tpu.memory_space<vmem>>, vector<16xf32>,
    %get3A_145 = arith.constant 64 : index
    %get3A_146 = tpu.vector_load %arg14[%get3A_145] {strides = array<i32>} : memref<112xf32, #tpu.memory_space<vmem>>, vector<16xf32>,
    %get3A_147 = arith.constant 80 : index
    %get3A_148 = tpu.vector_load %arg14[%get3A_147] {strides = array<i32>} : memref<112xf32, #tpu.memory_space<vmem>>, vector<16xf32>,
    %get3A_149 = arith.constant 96 : index
    %get3A_150 = tpu.vector_load %arg14[%get3A_149] {strides = array<i32>} : memref<112xf32, #tpu.memory_space<vmem>>, vector<16xf32>,
    %scan3A_151 = arith.constant 0 : i32
    %scan3A_152 = arith.constant 0 : i32
    %scan3A_153 = arith.constant 32 : i32
    %scan3A_154 = arith.addi %scan3A_152, %scan3A_153 : i32
    %scan3A_155 = arith.constant 1 : i32
    scf.for %scan3A_157 = %scan3A_152 to %scan3A_154 step %scan3A_155  : i32 {
      %jit3A = arith.constant 8 : i32
      %div3A = arith.divsi %scan3A_157, %jit3A : i32
      %sign3A = arith.constant 0 : i32
      %sign3A_158 = arith.cmpi sgt, %scan3A_157, %sign3A : i32
      %sign3A_159 = arith.extui %sign3A_158 : i1 to i32
      %sign3A_160 = arith.constant 0 : i32
      %sign3A_161 = arith.cmpi slt, %scan3A_157, %sign3A_160 : i32
      %sign3A_162 = arith.extui %sign3A_161 : i1 to i32
      %sign3A_163 = arith.subi %sign3A_159, %sign3A_162 : i32
      %sign3A_164 = arith.constant 0 : i32
      %sign3A_165 = arith.cmpi sgt, %jit3A, %sign3A_164 : i32
      %sign3A_166 = arith.extui %sign3A_165 : i1 to i32
      %sign3A_167 = arith.constant 0 : i32
      %sign3A_168 = arith.cmpi slt, %jit3A, %sign3A_167 : i32
      %sign3A_169 = arith.extui %sign3A_168 : i1 to i32
      %sign3A_170 = arith.subi %sign3A_166, %sign3A_169 : i32
      %ne3A = arith.cmpi ne, %sign3A_163, %sign3A_170 : i32
      %rem3A = arith.remsi %scan3A_157, %jit3A : i32
      %ne3A_171 = arith.constant 0 : i32
      %ne3A_172 = arith.cmpi ne, %rem3A, %ne3A_171 : i32
      %and3A_173 = arith.andi %ne3A, %ne3A_172 : i1
      %sub3A = arith.constant 1 : i32
      %sub3A_174 = arith.subi %div3A, %sub3A : i32
      %select_n3A = arith.select %and3A_173, %sub3A_174, %div3A : i32
      %jit3A_175 = arith.constant 8 : i32
      %eq3A = arith.constant 0 : i32
      %eq3A_176 = arith.cmpi eq, %jit3A_175, %eq3A : i32
      %jit3A_177 = arith.constant 1 : i32
      %select_n3A_178 = arith.select %eq3A_176, %jit3A_177, %jit3A_175 : i32
      %rem3A_179 = arith.remsi %scan3A_157, %select_n3A_178 : i32
      %ne3A_180 = arith.constant 0 : i32
      %ne3A_181 = arith.cmpi ne, %rem3A_179, %ne3A_180 : i32
      %lt3A_182 = arith.constant 0 : i32
      %lt3A_183 = arith.cmpi slt, %rem3A_179, %lt3A_182 : i32
      %lt3A_184 = arith.constant 0 : i32
      %lt3A_185 = arith.cmpi slt, %select_n3A_178, %lt3A_184 : i32
      %ne3A_186 = arith.xori %lt3A_183, %lt3A_185 : i1
      %and3A_187 = arith.andi %ne3A_186, %ne3A_181 : i1
      %add3A_188 = arith.addi %rem3A_179, %select_n3A_178 : i32
      %select_n3A_189 = arith.select %and3A_187, %add3A_188, %rem3A_179 : i32
      %eq3A_190 = arith.constant 0 : i32
      %eq3A_191 = arith.cmpi eq, %select_n3A_189, %eq3A_190 : i32
      %add3A_192 = arith.constant 1 : i32
      %add3A_193 = arith.addi %select_n3A, %add3A_192 : i32
      %lt3A_194 = arith.constant 4 : i32
      %lt3A_195 = arith.cmpi slt, %add3A_193, %lt3A_194 : i32
      %and3A_196 = arith.andi %eq3A_191, %lt3A_195 : i1
      %convert_element_type3A_197 = arith.extui %and3A_196 : i1 to i32
      %cond3A_198 = arith.constant 0 : i32
      %cond3A_199 = arith.cmpi ne, %convert_element_type3A_197, %cond3A_198 : i32
      scf.if %cond3A_199 {
        %add3A_2015 = arith.constant 1 : i32
        %add3A_2016 = arith.addi %select_n3A, %add3A_2015 : i32
        %mul3A_2017 = arith.constant 128 : i32
        %mul3A_2018 = arith.muli %add3A_2016, %mul3A_2017 : i32
        %add3A_2019 = arith.addi %mul3A_2, %mul3A_2018 : i32
        %and3A_2020 = arith.constant 1 : i32
        %and3A_2021 = arith.andi %add3A_2016, %and3A_2020 : i32
        %dma_start3A_2022 = arith.constant 0 : i32
        %dma_start3A_2023 = arith.constant 0 : i32
        %dma_start3A_2024 = tpu.memref_slice %arg8[%and3A_2021, %dma_start3A_2022, %dma_start3A_2023] : memref<2x100x128xi32, #tpu.memory_space<vmem>> -> memref<1x100x128xi32, #tpu.memory_space<vmem>>
        %dma_start3A_2025 = tpu.memref_squeeze %dma_start3A_2024 : memref<1x100x128xi32, #tpu.memory_space<vmem>> -> memref<100x128xi32, #tpu.memory_space<vmem>>
        %dma_start3A_2026 = arith.constant 0 : i32
        %dma_start3A_2027 = tpu.memref_slice %arg2[%dma_start3A_2026, %add3A_2019] : memref<100x16384xi32, #tpu.memory_space<hbm>> -> memref<100x128xi32, #tpu.memory_space<hbm>>
        %dma_start3A_2028 = arith.constant 0 : i32
        %dma_start3A_2029 = arith.constant 0 : i32
        %dma_start3A_2030 = tpu.memref_slice %arg8[%and3A_2021, %dma_start3A_2028, %dma_start3A_2029] : memref<2x100x128xi32, #tpu.memory_space<vmem>> -> memref<1x100x128xi32, #tpu.memory_space<vmem>>
        %dma_start3A_2031 = tpu.memref_squeeze %dma_start3A_2030 : memref<1x100x128xi32, #tpu.memory_space<vmem>> -> memref<100x128xi32, #tpu.memory_space<vmem>>
        %dma_start3A_2032 = arith.constant 0 : i32
        %dma_start3A_2033 = tpu.memref_slice %arg2[%dma_start3A_2032, %add3A_2019] : memref<100x16384xi32, #tpu.memory_space<hbm>> -> memref<100x128xi32, #tpu.memory_space<hbm>>
        tpu.enqueue_dma source(%dma_start3A_2033 : memref<100x128xi32, #tpu.memory_space<hbm>>) target(%dma_start3A_2031 : memref<100x128xi32, #tpu.memory_space<vmem>>) target_semaphore(%arg18 : memref<!tpu.dma_semaphore, #tpu.memory_space<semaphore_mem>>)
      } else {
      }
      %eq3A_200 = arith.constant 0 : i32
      %eq3A_201 = arith.cmpi eq, %select_n3A_189, %eq3A_200 : i32
      %convert_element_type3A_202 = arith.extui %eq3A_201 : i1 to i32
      %cond3A_203 = arith.constant 0 : i32
      %cond3A_204 = arith.cmpi ne, %convert_element_type3A_202, %cond3A_203 : i32
      scf.if %cond3A_204 {
        %dma_wait3A_2015 = arith.constant 0 : i32
        %dma_wait3A_2016 = arith.constant 0 : i32
        %dma_wait3A_2017 = arith.constant 0 : i32
        %dma_wait3A_2018 = tpu.memref_slice %arg8[%dma_wait3A_2015, %dma_wait3A_2016, %dma_wait3A_2017] : memref<2x100x128xi32, #tpu.memory_space<vmem>> -> memref<1x100x128xi32, #tpu.memory_space<vmem>>
        %dma_wait3A_2019 = tpu.memref_squeeze %dma_wait3A_2018 : memref<1x100x128xi32, #tpu.memory_space<vmem>> -> memref<100x128xi32, #tpu.memory_space<vmem>>
        %dma_wait3A_2020 = arith.constant 0 : i32
        %dma_wait3A_2021 = tpu.memref_slice %arg2[%dma_wait3A_2020, %mul3A_2] : memref<100x16384xi32, #tpu.memory_space<hbm>> -> memref<100x128xi32, #tpu.memory_space<hbm>>
        %dma_wait3A_2022 = arith.constant 0 : i32
        %dma_wait3A_2023 = arith.constant 0 : i32
        %dma_wait3A_2024 = tpu.memref_slice %arg8[%dma_wait3A_2015, %dma_wait3A_2022, %dma_wait3A_2023] : memref<2x100x128xi32, #tpu.memory_space<vmem>> -> memref<1x100x128xi32, #tpu.memory_space<vmem>>
        %dma_wait3A_2025 = tpu.memref_squeeze %dma_wait3A_2024 : memref<1x100x128xi32, #tpu.memory_space<vmem>> -> memref<100x128xi32, #tpu.memory_space<vmem>>
        %dma_wait3A_2026 = arith.constant 0 : i32
        %dma_wait3A_2027 = tpu.memref_slice %arg2[%dma_wait3A_2026, %mul3A_2] : memref<100x16384xi32, #tpu.memory_space<hbm>> -> memref<100x128xi32, #tpu.memory_space<hbm>>
        tpu.wait_dma2 semaphore(%arg18 : memref<!tpu.dma_semaphore, #tpu.memory_space<semaphore_mem>>) src(%dma_wait3A_2027 : memref<100x128xi32, #tpu.memory_space<hbm>>) dst(%dma_wait3A_2025 : memref<100x128xi32, #tpu.memory_space<vmem>>)
      } else {
      }
      %and3A_205 = arith.constant 1 : i32
      %and3A_206 = arith.andi %select_n3A, %and3A_205 : i32
      %mul3A_207 = arith.constant 16 : i32
      %mul3A_208 = arith.muli %select_n3A_189, %mul3A_207 : i32
      %broadcast_in_dim3A_209 = arith.constant 0.000000e+00 : f32
      %broadcast_in_dim3A_210 = vector.broadcast %broadcast_in_dim3A_209 : f32 to vector<16xf32>
      %get3A_211 = arith.constant 0 : i32
      %get3A_212 = arith.constant 0 : i32
      %get3A_213 = arith.constant 0 : i32
      %get3A_214 = tpu.memref_slice %arg8[%and3A_206, %get3A_212, %get3A_213] : memref<2x100x128xi32, #tpu.memory_space<vmem>> -> memref<1x100x128xi32, #tpu.memory_space<vmem>>
      %get3A_215 = tpu.memref_squeeze %get3A_214 : memref<1x100x128xi32, #tpu.memory_space<vmem>> -> memref<100x128xi32, #tpu.memory_space<vmem>>
      %get3A_216 = arith.index_cast %get3A_211 : i32 to index
      %get3A_217 = arith.index_cast %mul3A_208 : i32 to index
      %get3A_218 = tpu.vector_load %get3A_215[%get3A_216, %get3A_217] {strides = array<i32>} : memref<100x128xi32, #tpu.memory_space<vmem>>, vector<16xi32>,
      %shift_left3A = arith.constant 4 : i32
      %shift_left3A_219 = vector.broadcast %shift_left3A : i32 to vector<16xi32>
      %shift_left3A_220 = arith.shli %get3A_218, %shift_left3A_219 : vector<16xi32>
      %add3A_221 = arith.addi %shift_left3A_220, %iota3A : vector<16xi32>
      %gather3A = tpu.vector_load_idx %arg10[%add3A_221] : memref<16384xf32, #tpu.memory_space<vmem>>[vector<16xi32>], vector<16xf32>,
      %slice3A_222 = vector.extract_strided_slice %get3A_138 {offsets = [0], sizes = [1], strides = [1]} : vector<16xf32> to vector<1xf32>
      %squeeze3A_223 = vector.extract %slice3A_222[0] : f32 from vector<1xf32>
      %mul3A_224 = vector.broadcast %squeeze3A_223 : f32 to vector<16xf32>
      %mul3A_225 = arith.mulf %gather3A, %mul3A_224 : vector<16xf32>
      %add3A_226 = arith.addf %broadcast_in_dim3A_210, %mul3A_225 : vector<16xf32>
      %get3A_227 = arith.constant 1 : i32
      %get3A_228 = arith.constant 0 : i32
      %get3A_229 = arith.constant 0 : i32
      %get3A_230 = tpu.memref_slice %arg8[%and3A_206, %get3A_228, %get3A_229] : memref<2x100x128xi32, #tpu.memory_space<vmem>> -> memref<1x100x128xi32, #tpu.memory_space<vmem>>
      %get3A_231 = tpu.memref_squeeze %get3A_230 : memref<1x100x128xi32, #tpu.memory_space<vmem>> -> memref<100x128xi32, #tpu.memory_space<vmem>>
      %get3A_232 = arith.index_cast %get3A_227 : i32 to index
      %get3A_233 = arith.index_cast %mul3A_208 : i32 to index
      %get3A_234 = tpu.vector_load %get3A_231[%get3A_232, %get3A_233] {strides = array<i32>} : memref<100x128xi32, #tpu.memory_space<vmem>>, vector<16xi32>,
      %shift_left3A_235 = arith.constant 4 : i32
      %shift_left3A_236 = vector.broadcast %shift_left3A_235 : i32 to vector<16xi32>
      %shift_left3A_237 = arith.shli %get3A_234, %shift_left3A_236 : vector<16xi32>
      %add3A_238 = arith.addi %shift_left3A_237, %iota3A : vector<16xi32>
      %gather3A_239 = tpu.vector_load_idx %arg10[%add3A_238] : memref<16384xf32, #tpu.memory_space<vmem>>[vector<16xi32>], vector<16xf32>,
      %slice3A_240 = vector.extract_strided_slice %get3A_138 {offsets = [1], sizes = [1], strides = [1]} : vector<16xf32> to vector<1xf32>
      %squeeze3A_241 = vector.extract %slice3A_240[0] : f32 from vector<1xf32>
      %mul3A_242 = vector.broadcast %squeeze3A_241 : f32 to vector<16xf32>
      %mul3A_243 = arith.mulf %gather3A_239, %mul3A_242 : vector<16xf32>
      %add3A_244 = arith.addf %add3A_226, %mul3A_243 : vector<16xf32>
      %get3A_245 = arith.constant 2 : i32
      %get3A_246 = arith.constant 0 : i32
      %get3A_247 = arith.constant 0 : i32
      %get3A_248 = tpu.memref_slice %arg8[%and3A_206, %get3A_246, %get3A_247] : memref<2x100x128xi32, #tpu.memory_space<vmem>> -> memref<1x100x128xi32, #tpu.memory_space<vmem>>
      %get3A_249 = tpu.memref_squeeze %get3A_248 : memref<1x100x128xi32, #tpu.memory_space<vmem>> -> memref<100x128xi32, #tpu.memory_space<vmem>>
      %get3A_250 = arith.index_cast %get3A_245 : i32 to index
      %get3A_251 = arith.index_cast %mul3A_208 : i32 to index
      %get3A_252 = tpu.vector_load %get3A_249[%get3A_250, %get3A_251] {strides = array<i32>} : memref<100x128xi32, #tpu.memory_space<vmem>>, vector<16xi32>,
      %shift_left3A_253 = arith.constant 4 : i32
      %shift_left3A_254 = vector.broadcast %shift_left3A_253 : i32 to vector<16xi32>
      %shift_left3A_255 = arith.shli %get3A_252, %shift_left3A_254 : vector<16xi32>
      %add3A_256 = arith.addi %shift_left3A_255, %iota3A : vector<16xi32>
      %gather3A_257 = tpu.vector_load_idx %arg10[%add3A_256] : memref<16384xf32, #tpu.memory_space<vmem>>[vector<16xi32>], vector<16xf32>,
      %slice3A_258 = vector.extract_strided_slice %get3A_138 {offsets = [2], sizes = [1], strides = [1]} : vector<16xf32> to vector<1xf32>
      %squeeze3A_259 = vector.extract %slice3A_258[0] : f32 from vector<1xf32>
      %mul3A_260 = vector.broadcast %squeeze3A_259 : f32 to vector<16xf32>
      %mul3A_261 = arith.mulf %gather3A_257, %mul3A_260 : vector<16xf32>
      %add3A_262 = arith.addf %add3A_244, %mul3A_261 : vector<16xf32>
      %get3A_263 = arith.constant 3 : i32
      %get3A_264 = arith.constant 0 : i32
      %get3A_265 = arith.constant 0 : i32
      %get3A_266 = tpu.memref_slice %arg8[%and3A_206, %get3A_264, %get3A_265] : memref<2x100x128xi32, #tpu.memory_space<vmem>> -> memref<1x100x128xi32, #tpu.memory_space<vmem>>
      %get3A_267 = tpu.memref_squeeze %get3A_266 : memref<1x100x128xi32, #tpu.memory_space<vmem>> -> memref<100x128xi32, #tpu.memory_space<vmem>>
      %get3A_268 = arith.index_cast %get3A_263 : i32 to index
      %get3A_269 = arith.index_cast %mul3A_208 : i32 to index
      %get3A_270 = tpu.vector_load %get3A_267[%get3A_268, %get3A_269] {strides = array<i32>} : memref<100x128xi32, #tpu.memory_space<vmem>>, vector<16xi32>,
      %shift_left3A_271 = arith.constant 4 : i32
      %shift_left3A_272 = vector.broadcast %shift_left3A_271 : i32 to vector<16xi32>
      %shift_left3A_273 = arith.shli %get3A_270, %shift_left3A_272 : vector<16xi32>
      %add3A_274 = arith.addi %shift_left3A_273, %iota3A : vector<16xi32>
      %gather3A_275 = tpu.vector_load_idx %arg10[%add3A_274] : memref<16384xf32, #tpu.memory_space<vmem>>[vector<16xi32>], vector<16xf32>,
      %slice3A_276 = vector.extract_strided_slice %get3A_138 {offsets = [3], sizes = [1], strides = [1]} : vector<16xf32> to vector<1xf32>
      %squeeze3A_277 = vector.extract %slice3A_276[0] : f32 from vector<1xf32>
      %mul3A_278 = vector.broadcast %squeeze3A_277 : f32 to vector<16xf32>
      %mul3A_279 = arith.mulf %gather3A_275, %mul3A_278 : vector<16xf32>
      %add3A_280 = arith.addf %add3A_262, %mul3A_279 : vector<16xf32>
      %get3A_281 = arith.constant 4 : i32
      %get3A_282 = arith.constant 0 : i32
      %get3A_283 = arith.constant 0 : i32
      %get3A_284 = tpu.memref_slice %arg8[%and3A_206, %get3A_282, %get3A_283] : memref<2x100x128xi32, #tpu.memory_space<vmem>> -> memref<1x100x128xi32, #tpu.memory_space<vmem>>
      %get3A_285 = tpu.memref_squeeze %get3A_284 : memref<1x100x128xi32, #tpu.memory_space<vmem>> -> memref<100x128xi32, #tpu.memory_space<vmem>>
      %get3A_286 = arith.index_cast %get3A_281 : i32 to index
      %get3A_287 = arith.index_cast %mul3A_208 : i32 to index
      %get3A_288 = tpu.vector_load %get3A_285[%get3A_286, %get3A_287] {strides = array<i32>} : memref<100x128xi32, #tpu.memory_space<vmem>>, vector<16xi32>,
      %shift_left3A_289 = arith.constant 4 : i32
      %shift_left3A_290 = vector.broadcast %shift_left3A_289 : i32 to vector<16xi32>
      %shift_left3A_291 = arith.shli %get3A_288, %shift_left3A_290 : vector<16xi32>
      %add3A_292 = arith.addi %shift_left3A_291, %iota3A : vector<16xi32>
      %gather3A_293 = tpu.vector_load_idx %arg10[%add3A_292] : memref<16384xf32, #tpu.memory_space<vmem>>[vector<16xi32>], vector<16xf32>,
      %slice3A_294 = vector.extract_strided_slice %get3A_138 {offsets = [4], sizes = [1], strides = [1]} : vector<16xf32> to vector<1xf32>
      %squeeze3A_295 = vector.extract %slice3A_294[0] : f32 from vector<1xf32>
      %mul3A_296 = vector.broadcast %squeeze3A_295 : f32 to vector<16xf32>
      %mul3A_297 = arith.mulf %gather3A_293, %mul3A_296 : vector<16xf32>
      %add3A_298 = arith.addf %add3A_280, %mul3A_297 : vector<16xf32>
      %get3A_299 = arith.constant 5 : i32
      %get3A_300 = arith.constant 0 : i32
      %get3A_301 = arith.constant 0 : i32
      %get3A_302 = tpu.memref_slice %arg8[%and3A_206, %get3A_300, %get3A_301] : memref<2x100x128xi32, #tpu.memory_space<vmem>> -> memref<1x100x128xi32, #tpu.memory_space<vmem>>
      %get3A_303 = tpu.memref_squeeze %get3A_302 : memref<1x100x128xi32, #tpu.memory_space<vmem>> -> memref<100x128xi32, #tpu.memory_space<vmem>>
      %get3A_304 = arith.index_cast %get3A_299 : i32 to index
      %get3A_305 = arith.index_cast %mul3A_208 : i32 to index
      %get3A_306 = tpu.vector_load %get3A_303[%get3A_304, %get3A_305] {strides = array<i32>} : memref<100x128xi32, #tpu.memory_space<vmem>>, vector<16xi32>,
      %shift_left3A_307 = arith.constant 4 : i32
      %shift_left3A_308 = vector.broadcast %shift_left3A_307 : i32 to vector<16xi32>
      %shift_left3A_309 = arith.shli %get3A_306, %shift_left3A_308 : vector<16xi32>
      %add3A_310 = arith.addi %shift_left3A_309, %iota3A : vector<16xi32>
      %gather3A_311 = tpu.vector_load_idx %arg10[%add3A_310] : memref<16384xf32, #tpu.memory_space<vmem>>[vector<16xi32>], vector<16xf32>,
      %slice3A_312 = vector.extract_strided_slice %get3A_138 {offsets = [5], sizes = [1], strides = [1]} : vector<16xf32> to vector<1xf32>
      %squeeze3A_313 = vector.extract %slice3A_312[0] : f32 from vector<1xf32>
      %mul3A_314 = vector.broadcast %squeeze3A_313 : f32 to vector<16xf32>
      %mul3A_315 = arith.mulf %gather3A_311, %mul3A_314 : vector<16xf32>
      %add3A_316 = arith.addf %add3A_298, %mul3A_315 : vector<16xf32>
      %get3A_317 = arith.constant 6 : i32
      %get3A_318 = arith.constant 0 : i32
      %get3A_319 = arith.constant 0 : i32
      %get3A_320 = tpu.memref_slice %arg8[%and3A_206, %get3A_318, %get3A_319] : memref<2x100x128xi32, #tpu.memory_space<vmem>> -> memref<1x100x128xi32, #tpu.memory_space<vmem>>
      %get3A_321 = tpu.memref_squeeze %get3A_320 : memref<1x100x128xi32, #tpu.memory_space<vmem>> -> memref<100x128xi32, #tpu.memory_space<vmem>>
      %get3A_322 = arith.index_cast %get3A_317 : i32 to index
      %get3A_323 = arith.index_cast %mul3A_208 : i32 to index
      %get3A_324 = tpu.vector_load %get3A_321[%get3A_322, %get3A_323] {strides = array<i32>} : memref<100x128xi32, #tpu.memory_space<vmem>>, vector<16xi32>,
      %shift_left3A_325 = arith.constant 4 : i32
      %shift_left3A_326 = vector.broadcast %shift_left3A_325 : i32 to vector<16xi32>
      %shift_left3A_327 = arith.shli %get3A_324, %shift_left3A_326 : vector<16xi32>
      %add3A_328 = arith.addi %shift_left3A_327, %iota3A : vector<16xi32>
      %gather3A_329 = tpu.vector_load_idx %arg10[%add3A_328] : memref<16384xf32, #tpu.memory_space<vmem>>[vector<16xi32>], vector<16xf32>,
      %slice3A_330 = vector.extract_strided_slice %get3A_138 {offsets = [6], sizes = [1], strides = [1]} : vector<16xf32> to vector<1xf32>
      %squeeze3A_331 = vector.extract %slice3A_330[0] : f32 from vector<1xf32>
      %mul3A_332 = vector.broadcast %squeeze3A_331 : f32 to vector<16xf32>
      %mul3A_333 = arith.mulf %gather3A_329, %mul3A_332 : vector<16xf32>
      %add3A_334 = arith.addf %add3A_316, %mul3A_333 : vector<16xf32>
      %get3A_335 = arith.constant 7 : i32
      %get3A_336 = arith.constant 0 : i32
      %get3A_337 = arith.constant 0 : i32
      %get3A_338 = tpu.memref_slice %arg8[%and3A_206, %get3A_336, %get3A_337] : memref<2x100x128xi32, #tpu.memory_space<vmem>> -> memref<1x100x128xi32, #tpu.memory_space<vmem>>
      %get3A_339 = tpu.memref_squeeze %get3A_338 : memref<1x100x128xi32, #tpu.memory_space<vmem>> -> memref<100x128xi32, #tpu.memory_space<vmem>>
      %get3A_340 = arith.index_cast %get3A_335 : i32 to index
      %get3A_341 = arith.index_cast %mul3A_208 : i32 to index
      %get3A_342 = tpu.vector_load %get3A_339[%get3A_340, %get3A_341] {strides = array<i32>} : memref<100x128xi32, #tpu.memory_space<vmem>>, vector<16xi32>,
      %shift_left3A_343 = arith.constant 4 : i32
      %shift_left3A_344 = vector.broadcast %shift_left3A_343 : i32 to vector<16xi32>
      %shift_left3A_345 = arith.shli %get3A_342, %shift_left3A_344 : vector<16xi32>
      %add3A_346 = arith.addi %shift_left3A_345, %iota3A : vector<16xi32>
      %gather3A_347 = tpu.vector_load_idx %arg10[%add3A_346] : memref<16384xf32, #tpu.memory_space<vmem>>[vector<16xi32>], vector<16xf32>,
      %slice3A_348 = vector.extract_strided_slice %get3A_138 {offsets = [7], sizes = [1], strides = [1]} : vector<16xf32> to vector<1xf32>
      %squeeze3A_349 = vector.extract %slice3A_348[0] : f32 from vector<1xf32>
      %mul3A_350 = vector.broadcast %squeeze3A_349 : f32 to vector<16xf32>
      %mul3A_351 = arith.mulf %gather3A_347, %mul3A_350 : vector<16xf32>
      %add3A_352 = arith.addf %add3A_334, %mul3A_351 : vector<16xf32>
      %get3A_353 = arith.constant 8 : i32
      %get3A_354 = arith.constant 0 : i32
      %get3A_355 = arith.constant 0 : i32
      %get3A_356 = tpu.memref_slice %arg8[%and3A_206, %get3A_354, %get3A_355] : memref<2x100x128xi32, #tpu.memory_space<vmem>> -> memref<1x100x128xi32, #tpu.memory_space<vmem>>
      %get3A_357 = tpu.memref_squeeze %get3A_356 : memref<1x100x128xi32, #tpu.memory_space<vmem>> -> memref<100x128xi32, #tpu.memory_space<vmem>>
      %get3A_358 = arith.index_cast %get3A_353 : i32 to index
      %get3A_359 = arith.index_cast %mul3A_208 : i32 to index
      %get3A_360 = tpu.vector_load %get3A_357[%get3A_358, %get3A_359] {strides = array<i32>} : memref<100x128xi32, #tpu.memory_space<vmem>>, vector<16xi32>,
      %shift_left3A_361 = arith.constant 4 : i32
      %shift_left3A_362 = vector.broadcast %shift_left3A_361 : i32 to vector<16xi32>
      %shift_left3A_363 = arith.shli %get3A_360, %shift_left3A_362 : vector<16xi32>
      %add3A_364 = arith.addi %shift_left3A_363, %iota3A : vector<16xi32>
      %gather3A_365 = tpu.vector_load_idx %arg10[%add3A_364] : memref<16384xf32, #tpu.memory_space<vmem>>[vector<16xi32>], vector<16xf32>,
      %slice3A_366 = vector.extract_strided_slice %get3A_138 {offsets = [8], sizes = [1], strides = [1]} : vector<16xf32> to vector<1xf32>
      %squeeze3A_367 = vector.extract %slice3A_366[0] : f32 from vector<1xf32>
      %mul3A_368 = vector.broadcast %squeeze3A_367 : f32 to vector<16xf32>
      %mul3A_369 = arith.mulf %gather3A_365, %mul3A_368 : vector<16xf32>
      %add3A_370 = arith.addf %add3A_352, %mul3A_369 : vector<16xf32>
      %get3A_371 = arith.constant 9 : i32
      %get3A_372 = arith.constant 0 : i32
      %get3A_373 = arith.constant 0 : i32
      %get3A_374 = tpu.memref_slice %arg8[%and3A_206, %get3A_372, %get3A_373] : memref<2x100x128xi32, #tpu.memory_space<vmem>> -> memref<1x100x128xi32, #tpu.memory_space<vmem>>
      %get3A_375 = tpu.memref_squeeze %get3A_374 : memref<1x100x128xi32, #tpu.memory_space<vmem>> -> memref<100x128xi32, #tpu.memory_space<vmem>>
      %get3A_376 = arith.index_cast %get3A_371 : i32 to index
      %get3A_377 = arith.index_cast %mul3A_208 : i32 to index
      %get3A_378 = tpu.vector_load %get3A_375[%get3A_376, %get3A_377] {strides = array<i32>} : memref<100x128xi32, #tpu.memory_space<vmem>>, vector<16xi32>,
      %shift_left3A_379 = arith.constant 4 : i32
      %shift_left3A_380 = vector.broadcast %shift_left3A_379 : i32 to vector<16xi32>
      %shift_left3A_381 = arith.shli %get3A_378, %shift_left3A_380 : vector<16xi32>
      %add3A_382 = arith.addi %shift_left3A_381, %iota3A : vector<16xi32>
      %gather3A_383 = tpu.vector_load_idx %arg10[%add3A_382] : memref<16384xf32, #tpu.memory_space<vmem>>[vector<16xi32>], vector<16xf32>,
      %slice3A_384 = vector.extract_strided_slice %get3A_138 {offsets = [9], sizes = [1], strides = [1]} : vector<16xf32> to vector<1xf32>
      %squeeze3A_385 = vector.extract %slice3A_384[0] : f32 from vector<1xf32>
      %mul3A_386 = vector.broadcast %squeeze3A_385 : f32 to vector<16xf32>
      %mul3A_387 = arith.mulf %gather3A_383, %mul3A_386 : vector<16xf32>
      %add3A_388 = arith.addf %add3A_370, %mul3A_387 : vector<16xf32>
      %get3A_389 = arith.constant 10 : i32
      %get3A_390 = arith.constant 0 : i32
      %get3A_391 = arith.constant 0 : i32
      %get3A_392 = tpu.memref_slice %arg8[%and3A_206, %get3A_390, %get3A_391] : memref<2x100x128xi32, #tpu.memory_space<vmem>> -> memref<1x100x128xi32, #tpu.memory_space<vmem>>
      %get3A_393 = tpu.memref_squeeze %get3A_392 : memref<1x100x128xi32, #tpu.memory_space<vmem>> -> memref<100x128xi32, #tpu.memory_space<vmem>>
      %get3A_394 = arith.index_cast %get3A_389 : i32 to index
      %get3A_395 = arith.index_cast %mul3A_208 : i32 to index
      %get3A_396 = tpu.vector_load %get3A_393[%get3A_394, %get3A_395] {strides = array<i32>} : memref<100x128xi32, #tpu.memory_space<vmem>>, vector<16xi32>,
      %shift_left3A_397 = arith.constant 4 : i32
      %shift_left3A_398 = vector.broadcast %shift_left3A_397 : i32 to vector<16xi32>
      %shift_left3A_399 = arith.shli %get3A_396, %shift_left3A_398 : vector<16xi32>
      %add3A_400 = arith.addi %shift_left3A_399, %iota3A : vector<16xi32>
      %gather3A_401 = tpu.vector_load_idx %arg10[%add3A_400] : memref<16384xf32, #tpu.memory_space<vmem>>[vector<16xi32>], vector<16xf32>,
      %slice3A_402 = vector.extract_strided_slice %get3A_138 {offsets = [10], sizes = [1], strides = [1]} : vector<16xf32> to vector<1xf32>
      %squeeze3A_403 = vector.extract %slice3A_402[0] : f32 from vector<1xf32>
      %mul3A_404 = vector.broadcast %squeeze3A_403 : f32 to vector<16xf32>
      %mul3A_405 = arith.mulf %gather3A_401, %mul3A_404 : vector<16xf32>
      %add3A_406 = arith.addf %add3A_388, %mul3A_405 : vector<16xf32>
      %get3A_407 = arith.constant 11 : i32
      %get3A_408 = arith.constant 0 : i32
      %get3A_409 = arith.constant 0 : i32
      %get3A_410 = tpu.memref_slice %arg8[%and3A_206, %get3A_408, %get3A_409] : memref<2x100x128xi32, #tpu.memory_space<vmem>> -> memref<1x100x128xi32, #tpu.memory_space<vmem>>
      %get3A_411 = tpu.memref_squeeze %get3A_410 : memref<1x100x128xi32, #tpu.memory_space<vmem>> -> memref<100x128xi32, #tpu.memory_space<vmem>>
      %get3A_412 = arith.index_cast %get3A_407 : i32 to index
      %get3A_413 = arith.index_cast %mul3A_208 : i32 to index
      %get3A_414 = tpu.vector_load %get3A_411[%get3A_412, %get3A_413] {strides = array<i32>} : memref<100x128xi32, #tpu.memory_space<vmem>>, vector<16xi32>,
      %shift_left3A_415 = arith.constant 4 : i32
      %shift_left3A_416 = vector.broadcast %shift_left3A_415 : i32 to vector<16xi32>
      %shift_left3A_417 = arith.shli %get3A_414, %shift_left3A_416 : vector<16xi32>
      %add3A_418 = arith.addi %shift_left3A_417, %iota3A : vector<16xi32>
      %gather3A_419 = tpu.vector_load_idx %arg10[%add3A_418] : memref<16384xf32, #tpu.memory_space<vmem>>[vector<16xi32>], vector<16xf32>,
      %slice3A_420 = vector.extract_strided_slice %get3A_138 {offsets = [11], sizes = [1], strides = [1]} : vector<16xf32> to vector<1xf32>
      %squeeze3A_421 = vector.extract %slice3A_420[0] : f32 from vector<1xf32>
      %mul3A_422 = vector.broadcast %squeeze3A_421 : f32 to vector<16xf32>
      %mul3A_423 = arith.mulf %gather3A_419, %mul3A_422 : vector<16xf32>
      %add3A_424 = arith.addf %add3A_406, %mul3A_423 : vector<16xf32>
      %get3A_425 = arith.constant 12 : i32
      %get3A_426 = arith.constant 0 : i32
      %get3A_427 = arith.constant 0 : i32
      %get3A_428 = tpu.memref_slice %arg8[%and3A_206, %get3A_426, %get3A_427] : memref<2x100x128xi32, #tpu.memory_space<vmem>> -> memref<1x100x128xi32, #tpu.memory_space<vmem>>
      %get3A_429 = tpu.memref_squeeze %get3A_428 : memref<1x100x128xi32, #tpu.memory_space<vmem>> -> memref<100x128xi32, #tpu.memory_space<vmem>>
      %get3A_430 = arith.index_cast %get3A_425 : i32 to index
      %get3A_431 = arith.index_cast %mul3A_208 : i32 to index
      %get3A_432 = tpu.vector_load %get3A_429[%get3A_430, %get3A_431] {strides = array<i32>} : memref<100x128xi32, #tpu.memory_space<vmem>>, vector<16xi32>,
      %shift_left3A_433 = arith.constant 4 : i32
      %shift_left3A_434 = vector.broadcast %shift_left3A_433 : i32 to vector<16xi32>
      %shift_left3A_435 = arith.shli %get3A_432, %shift_left3A_434 : vector<16xi32>
      %add3A_436 = arith.addi %shift_left3A_435, %iota3A : vector<16xi32>
      %gather3A_437 = tpu.vector_load_idx %arg10[%add3A_436] : memref<16384xf32, #tpu.memory_space<vmem>>[vector<16xi32>], vector<16xf32>,
      %slice3A_438 = vector.extract_strided_slice %get3A_138 {offsets = [12], sizes = [1], strides = [1]} : vector<16xf32> to vector<1xf32>
      %squeeze3A_439 = vector.extract %slice3A_438[0] : f32 from vector<1xf32>
      %mul3A_440 = vector.broadcast %squeeze3A_439 : f32 to vector<16xf32>
      %mul3A_441 = arith.mulf %gather3A_437, %mul3A_440 : vector<16xf32>
      %add3A_442 = arith.addf %add3A_424, %mul3A_441 : vector<16xf32>
      %get3A_443 = arith.constant 13 : i32
      %get3A_444 = arith.constant 0 : i32
      %get3A_445 = arith.constant 0 : i32
      %get3A_446 = tpu.memref_slice %arg8[%and3A_206, %get3A_444, %get3A_445] : memref<2x100x128xi32, #tpu.memory_space<vmem>> -> memref<1x100x128xi32, #tpu.memory_space<vmem>>
      %get3A_447 = tpu.memref_squeeze %get3A_446 : memref<1x100x128xi32, #tpu.memory_space<vmem>> -> memref<100x128xi32, #tpu.memory_space<vmem>>
      %get3A_448 = arith.index_cast %get3A_443 : i32 to index
      %get3A_449 = arith.index_cast %mul3A_208 : i32 to index
      %get3A_450 = tpu.vector_load %get3A_447[%get3A_448, %get3A_449] {strides = array<i32>} : memref<100x128xi32, #tpu.memory_space<vmem>>, vector<16xi32>,
      %shift_left3A_451 = arith.constant 4 : i32
      %shift_left3A_452 = vector.broadcast %shift_left3A_451 : i32 to vector<16xi32>
      %shift_left3A_453 = arith.shli %get3A_450, %shift_left3A_452 : vector<16xi32>
      %add3A_454 = arith.addi %shift_left3A_453, %iota3A : vector<16xi32>
      %gather3A_455 = tpu.vector_load_idx %arg10[%add3A_454] : memref<16384xf32, #tpu.memory_space<vmem>>[vector<16xi32>], vector<16xf32>,
      %slice3A_456 = vector.extract_strided_slice %get3A_138 {offsets = [13], sizes = [1], strides = [1]} : vector<16xf32> to vector<1xf32>
      %squeeze3A_457 = vector.extract %slice3A_456[0] : f32 from vector<1xf32>
      %mul3A_458 = vector.broadcast %squeeze3A_457 : f32 to vector<16xf32>
      %mul3A_459 = arith.mulf %gather3A_455, %mul3A_458 : vector<16xf32>
      %add3A_460 = arith.addf %add3A_442, %mul3A_459 : vector<16xf32>
      %get3A_461 = arith.constant 14 : i32
      %get3A_462 = arith.constant 0 : i32
      %get3A_463 = arith.constant 0 : i32
      %get3A_464 = tpu.memref_slice %arg8[%and3A_206, %get3A_462, %get3A_463] : memref<2x100x128xi32, #tpu.memory_space<vmem>> -> memref<1x100x128xi32, #tpu.memory_space<vmem>>
      %get3A_465 = tpu.memref_squeeze %get3A_464 : memref<1x100x128xi32, #tpu.memory_space<vmem>> -> memref<100x128xi32, #tpu.memory_space<vmem>>
      %get3A_466 = arith.index_cast %get3A_461 : i32 to index
      %get3A_467 = arith.index_cast %mul3A_208 : i32 to index
      %get3A_468 = tpu.vector_load %get3A_465[%get3A_466, %get3A_467] {strides = array<i32>} : memref<100x128xi32, #tpu.memory_space<vmem>>, vector<16xi32>,
      %shift_left3A_469 = arith.constant 4 : i32
      %shift_left3A_470 = vector.broadcast %shift_left3A_469 : i32 to vector<16xi32>
      %shift_left3A_471 = arith.shli %get3A_468, %shift_left3A_470 : vector<16xi32>
      %add3A_472 = arith.addi %shift_left3A_471, %iota3A : vector<16xi32>
      %gather3A_473 = tpu.vector_load_idx %arg10[%add3A_472] : memref<16384xf32, #tpu.memory_space<vmem>>[vector<16xi32>], vector<16xf32>,
      %slice3A_474 = vector.extract_strided_slice %get3A_138 {offsets = [14], sizes = [1], strides = [1]} : vector<16xf32> to vector<1xf32>
      %squeeze3A_475 = vector.extract %slice3A_474[0] : f32 from vector<1xf32>
      %mul3A_476 = vector.broadcast %squeeze3A_475 : f32 to vector<16xf32>
      %mul3A_477 = arith.mulf %gather3A_473, %mul3A_476 : vector<16xf32>
      %add3A_478 = arith.addf %add3A_460, %mul3A_477 : vector<16xf32>
      %get3A_479 = arith.constant 15 : i32
      %get3A_480 = arith.constant 0 : i32
      %get3A_481 = arith.constant 0 : i32
      %get3A_482 = tpu.memref_slice %arg8[%and3A_206, %get3A_480, %get3A_481] : memref<2x100x128xi32, #tpu.memory_space<vmem>> -> memref<1x100x128xi32, #tpu.memory_space<vmem>>
      %get3A_483 = tpu.memref_squeeze %get3A_482 : memref<1x100x128xi32, #tpu.memory_space<vmem>> -> memref<100x128xi32, #tpu.memory_space<vmem>>
      %get3A_484 = arith.index_cast %get3A_479 : i32 to index
      %get3A_485 = arith.index_cast %mul3A_208 : i32 to index
      %get3A_486 = tpu.vector_load %get3A_483[%get3A_484, %get3A_485] {strides = array<i32>} : memref<100x128xi32, #tpu.memory_space<vmem>>, vector<16xi32>,
      %shift_left3A_487 = arith.constant 4 : i32
      %shift_left3A_488 = vector.broadcast %shift_left3A_487 : i32 to vector<16xi32>
      %shift_left3A_489 = arith.shli %get3A_486, %shift_left3A_488 : vector<16xi32>
      %add3A_490 = arith.addi %shift_left3A_489, %iota3A : vector<16xi32>
      %gather3A_491 = tpu.vector_load_idx %arg10[%add3A_490] : memref<16384xf32, #tpu.memory_space<vmem>>[vector<16xi32>], vector<16xf32>,
      %slice3A_492 = vector.extract_strided_slice %get3A_138 {offsets = [15], sizes = [1], strides = [1]} : vector<16xf32> to vector<1xf32>
      %squeeze3A_493 = vector.extract %slice3A_492[0] : f32 from vector<1xf32>
      %mul3A_494 = vector.broadcast %squeeze3A_493 : f32 to vector<16xf32>
      %mul3A_495 = arith.mulf %gather3A_491, %mul3A_494 : vector<16xf32>
      %add3A_496 = arith.addf %add3A_478, %mul3A_495 : vector<16xf32>
      %get3A_497 = arith.constant 16 : i32
      %get3A_498 = arith.constant 0 : i32
      %get3A_499 = arith.constant 0 : i32
      %get3A_500 = tpu.memref_slice %arg8[%and3A_206, %get3A_498, %get3A_499] : memref<2x100x128xi32, #tpu.memory_space<vmem>> -> memref<1x100x128xi32, #tpu.memory_space<vmem>>
      %get3A_501 = tpu.memref_squeeze %get3A_500 : memref<1x100x128xi32, #tpu.memory_space<vmem>> -> memref<100x128xi32, #tpu.memory_space<vmem>>
      %get3A_502 = arith.index_cast %get3A_497 : i32 to index
      %get3A_503 = arith.index_cast %mul3A_208 : i32 to index
      %get3A_504 = tpu.vector_load %get3A_501[%get3A_502, %get3A_503] {strides = array<i32>} : memref<100x128xi32, #tpu.memory_space<vmem>>, vector<16xi32>,
      %shift_left3A_505 = arith.constant 4 : i32
      %shift_left3A_506 = vector.broadcast %shift_left3A_505 : i32 to vector<16xi32>
      %shift_left3A_507 = arith.shli %get3A_504, %shift_left3A_506 : vector<16xi32>
      %add3A_508 = arith.addi %shift_left3A_507, %iota3A : vector<16xi32>
      %gather3A_509 = tpu.vector_load_idx %arg10[%add3A_508] : memref<16384xf32, #tpu.memory_space<vmem>>[vector<16xi32>], vector<16xf32>,
      %slice3A_510 = vector.extract_strided_slice %get3A_140 {offsets = [0], sizes = [1], strides = [1]} : vector<16xf32> to vector<1xf32>
      %squeeze3A_511 = vector.extract %slice3A_510[0] : f32 from vector<1xf32>
      %mul3A_512 = vector.broadcast %squeeze3A_511 : f32 to vector<16xf32>
      %mul3A_513 = arith.mulf %gather3A_509, %mul3A_512 : vector<16xf32>
      %add3A_514 = arith.addf %add3A_496, %mul3A_513 : vector<16xf32>
      %get3A_515 = arith.constant 17 : i32
      %get3A_516 = arith.constant 0 : i32
      %get3A_517 = arith.constant 0 : i32
      %get3A_518 = tpu.memref_slice %arg8[%and3A_206, %get3A_516, %get3A_517] : memref<2x100x128xi32, #tpu.memory_space<vmem>> -> memref<1x100x128xi32, #tpu.memory_space<vmem>>
      %get3A_519 = tpu.memref_squeeze %get3A_518 : memref<1x100x128xi32, #tpu.memory_space<vmem>> -> memref<100x128xi32, #tpu.memory_space<vmem>>
      %get3A_520 = arith.index_cast %get3A_515 : i32 to index
      %get3A_521 = arith.index_cast %mul3A_208 : i32 to index
      %get3A_522 = tpu.vector_load %get3A_519[%get3A_520, %get3A_521] {strides = array<i32>} : memref<100x128xi32, #tpu.memory_space<vmem>>, vector<16xi32>,
      %shift_left3A_523 = arith.constant 4 : i32
      %shift_left3A_524 = vector.broadcast %shift_left3A_523 : i32 to vector<16xi32>
      %shift_left3A_525 = arith.shli %get3A_522, %shift_left3A_524 : vector<16xi32>
      %add3A_526 = arith.addi %shift_left3A_525, %iota3A : vector<16xi32>
      %gather3A_527 = tpu.vector_load_idx %arg10[%add3A_526] : memref<16384xf32, #tpu.memory_space<vmem>>[vector<16xi32>], vector<16xf32>,
      %slice3A_528 = vector.extract_strided_slice %get3A_140 {offsets = [1], sizes = [1], strides = [1]} : vector<16xf32> to vector<1xf32>
      %squeeze3A_529 = vector.extract %slice3A_528[0] : f32 from vector<1xf32>
      %mul3A_530 = vector.broadcast %squeeze3A_529 : f32 to vector<16xf32>
      %mul3A_531 = arith.mulf %gather3A_527, %mul3A_530 : vector<16xf32>
      %add3A_532 = arith.addf %add3A_514, %mul3A_531 : vector<16xf32>
      %get3A_533 = arith.constant 18 : i32
      %get3A_534 = arith.constant 0 : i32
      %get3A_535 = arith.constant 0 : i32
      %get3A_536 = tpu.memref_slice %arg8[%and3A_206, %get3A_534, %get3A_535] : memref<2x100x128xi32, #tpu.memory_space<vmem>> -> memref<1x100x128xi32, #tpu.memory_space<vmem>>
      %get3A_537 = tpu.memref_squeeze %get3A_536 : memref<1x100x128xi32, #tpu.memory_space<vmem>> -> memref<100x128xi32, #tpu.memory_space<vmem>>
      %get3A_538 = arith.index_cast %get3A_533 : i32 to index
      %get3A_539 = arith.index_cast %mul3A_208 : i32 to index
      %get3A_540 = tpu.vector_load %get3A_537[%get3A_538, %get3A_539] {strides = array<i32>} : memref<100x128xi32, #tpu.memory_space<vmem>>, vector<16xi32>,
      %shift_left3A_541 = arith.constant 4 : i32
      %shift_left3A_542 = vector.broadcast %shift_left3A_541 : i32 to vector<16xi32>
      %shift_left3A_543 = arith.shli %get3A_540, %shift_left3A_542 : vector<16xi32>
      %add3A_544 = arith.addi %shift_left3A_543, %iota3A : vector<16xi32>
      %gather3A_545 = tpu.vector_load_idx %arg10[%add3A_544] : memref<16384xf32, #tpu.memory_space<vmem>>[vector<16xi32>], vector<16xf32>,
      %slice3A_546 = vector.extract_strided_slice %get3A_140 {offsets = [2], sizes = [1], strides = [1]} : vector<16xf32> to vector<1xf32>
      %squeeze3A_547 = vector.extract %slice3A_546[0] : f32 from vector<1xf32>
      %mul3A_548 = vector.broadcast %squeeze3A_547 : f32 to vector<16xf32>
      %mul3A_549 = arith.mulf %gather3A_545, %mul3A_548 : vector<16xf32>
      %add3A_550 = arith.addf %add3A_532, %mul3A_549 : vector<16xf32>
      %get3A_551 = arith.constant 19 : i32
      %get3A_552 = arith.constant 0 : i32
      %get3A_553 = arith.constant 0 : i32
      %get3A_554 = tpu.memref_slice %arg8[%and3A_206, %get3A_552, %get3A_553] : memref<2x100x128xi32, #tpu.memory_space<vmem>> -> memref<1x100x128xi32, #tpu.memory_space<vmem>>
      %get3A_555 = tpu.memref_squeeze %get3A_554 : memref<1x100x128xi32, #tpu.memory_space<vmem>> -> memref<100x128xi32, #tpu.memory_space<vmem>>
      %get3A_556 = arith.index_cast %get3A_551 : i32 to index
      %get3A_557 = arith.index_cast %mul3A_208 : i32 to index
      %get3A_558 = tpu.vector_load %get3A_555[%get3A_556, %get3A_557] {strides = array<i32>} : memref<100x128xi32, #tpu.memory_space<vmem>>, vector<16xi32>,
      %shift_left3A_559 = arith.constant 4 : i32
      %shift_left3A_560 = vector.broadcast %shift_left3A_559 : i32 to vector<16xi32>
      %shift_left3A_561 = arith.shli %get3A_558, %shift_left3A_560 : vector<16xi32>
      %add3A_562 = arith.addi %shift_left3A_561, %iota3A : vector<16xi32>
      %gather3A_563 = tpu.vector_load_idx %arg10[%add3A_562] : memref<16384xf32, #tpu.memory_space<vmem>>[vector<16xi32>], vector<16xf32>,
      %slice3A_564 = vector.extract_strided_slice %get3A_140 {offsets = [3], sizes = [1], strides = [1]} : vector<16xf32> to vector<1xf32>
      %squeeze3A_565 = vector.extract %slice3A_564[0] : f32 from vector<1xf32>
      %mul3A_566 = vector.broadcast %squeeze3A_565 : f32 to vector<16xf32>
      %mul3A_567 = arith.mulf %gather3A_563, %mul3A_566 : vector<16xf32>
      %add3A_568 = arith.addf %add3A_550, %mul3A_567 : vector<16xf32>
      %get3A_569 = arith.constant 20 : i32
      %get3A_570 = arith.constant 0 : i32
      %get3A_571 = arith.constant 0 : i32
      %get3A_572 = tpu.memref_slice %arg8[%and3A_206, %get3A_570, %get3A_571] : memref<2x100x128xi32, #tpu.memory_space<vmem>> -> memref<1x100x128xi32, #tpu.memory_space<vmem>>
      %get3A_573 = tpu.memref_squeeze %get3A_572 : memref<1x100x128xi32, #tpu.memory_space<vmem>> -> memref<100x128xi32, #tpu.memory_space<vmem>>
      %get3A_574 = arith.index_cast %get3A_569 : i32 to index
      %get3A_575 = arith.index_cast %mul3A_208 : i32 to index
      %get3A_576 = tpu.vector_load %get3A_573[%get3A_574, %get3A_575] {strides = array<i32>} : memref<100x128xi32, #tpu.memory_space<vmem>>, vector<16xi32>,
      %shift_left3A_577 = arith.constant 4 : i32
      %shift_left3A_578 = vector.broadcast %shift_left3A_577 : i32 to vector<16xi32>
      %shift_left3A_579 = arith.shli %get3A_576, %shift_left3A_578 : vector<16xi32>
      %add3A_580 = arith.addi %shift_left3A_579, %iota3A : vector<16xi32>
      %gather3A_581 = tpu.vector_load_idx %arg10[%add3A_580] : memref<16384xf32, #tpu.memory_space<vmem>>[vector<16xi32>], vector<16xf32>,
      %slice3A_582 = vector.extract_strided_slice %get3A_140 {offsets = [4], sizes = [1], strides = [1]} : vector<16xf32> to vector<1xf32>
      %squeeze3A_583 = vector.extract %slice3A_582[0] : f32 from vector<1xf32>
      %mul3A_584 = vector.broadcast %squeeze3A_583 : f32 to vector<16xf32>
      %mul3A_585 = arith.mulf %gather3A_581, %mul3A_584 : vector<16xf32>
      %add3A_586 = arith.addf %add3A_568, %mul3A_585 : vector<16xf32>
      %get3A_587 = arith.constant 21 : i32
      %get3A_588 = arith.constant 0 : i32
      %get3A_589 = arith.constant 0 : i32
      %get3A_590 = tpu.memref_slice %arg8[%and3A_206, %get3A_588, %get3A_589] : memref<2x100x128xi32, #tpu.memory_space<vmem>> -> memref<1x100x128xi32, #tpu.memory_space<vmem>>
      %get3A_591 = tpu.memref_squeeze %get3A_590 : memref<1x100x128xi32, #tpu.memory_space<vmem>> -> memref<100x128xi32, #tpu.memory_space<vmem>>
      %get3A_592 = arith.index_cast %get3A_587 : i32 to index
      %get3A_593 = arith.index_cast %mul3A_208 : i32 to index
      %get3A_594 = tpu.vector_load %get3A_591[%get3A_592, %get3A_593] {strides = array<i32>} : memref<100x128xi32, #tpu.memory_space<vmem>>, vector<16xi32>,
      %shift_left3A_595 = arith.constant 4 : i32
      %shift_left3A_596 = vector.broadcast %shift_left3A_595 : i32 to vector<16xi32>
      %shift_left3A_597 = arith.shli %get3A_594, %shift_left3A_596 : vector<16xi32>
      %add3A_598 = arith.addi %shift_left3A_597, %iota3A : vector<16xi32>
      %gather3A_599 = tpu.vector_load_idx %arg10[%add3A_598] : memref<16384xf32, #tpu.memory_space<vmem>>[vector<16xi32>], vector<16xf32>,
      %slice3A_600 = vector.extract_strided_slice %get3A_140 {offsets = [5], sizes = [1], strides = [1]} : vector<16xf32> to vector<1xf32>
      %squeeze3A_601 = vector.extract %slice3A_600[0] : f32 from vector<1xf32>
      %mul3A_602 = vector.broadcast %squeeze3A_601 : f32 to vector<16xf32>
      %mul3A_603 = arith.mulf %gather3A_599, %mul3A_602 : vector<16xf32>
      %add3A_604 = arith.addf %add3A_586, %mul3A_603 : vector<16xf32>
      %get3A_605 = arith.constant 22 : i32
      %get3A_606 = arith.constant 0 : i32
      %get3A_607 = arith.constant 0 : i32
      %get3A_608 = tpu.memref_slice %arg8[%and3A_206, %get3A_606, %get3A_607] : memref<2x100x128xi32, #tpu.memory_space<vmem>> -> memref<1x100x128xi32, #tpu.memory_space<vmem>>
      %get3A_609 = tpu.memref_squeeze %get3A_608 : memref<1x100x128xi32, #tpu.memory_space<vmem>> -> memref<100x128xi32, #tpu.memory_space<vmem>>
      %get3A_610 = arith.index_cast %get3A_605 : i32 to index
      %get3A_611 = arith.index_cast %mul3A_208 : i32 to index
      %get3A_612 = tpu.vector_load %get3A_609[%get3A_610, %get3A_611] {strides = array<i32>} : memref<100x128xi32, #tpu.memory_space<vmem>>, vector<16xi32>,
      %shift_left3A_613 = arith.constant 4 : i32
      %shift_left3A_614 = vector.broadcast %shift_left3A_613 : i32 to vector<16xi32>
      %shift_left3A_615 = arith.shli %get3A_612, %shift_left3A_614 : vector<16xi32>
      %add3A_616 = arith.addi %shift_left3A_615, %iota3A : vector<16xi32>
      %gather3A_617 = tpu.vector_load_idx %arg10[%add3A_616] : memref<16384xf32, #tpu.memory_space<vmem>>[vector<16xi32>], vector<16xf32>,
      %slice3A_618 = vector.extract_strided_slice %get3A_140 {offsets = [6], sizes = [1], strides = [1]} : vector<16xf32> to vector<1xf32>
      %squeeze3A_619 = vector.extract %slice3A_618[0] : f32 from vector<1xf32>
      %mul3A_620 = vector.broadcast %squeeze3A_619 : f32 to vector<16xf32>
      %mul3A_621 = arith.mulf %gather3A_617, %mul3A_620 : vector<16xf32>
      %add3A_622 = arith.addf %add3A_604, %mul3A_621 : vector<16xf32>
      %get3A_623 = arith.constant 23 : i32
      %get3A_624 = arith.constant 0 : i32
      %get3A_625 = arith.constant 0 : i32
      %get3A_626 = tpu.memref_slice %arg8[%and3A_206, %get3A_624, %get3A_625] : memref<2x100x128xi32, #tpu.memory_space<vmem>> -> memref<1x100x128xi32, #tpu.memory_space<vmem>>
      %get3A_627 = tpu.memref_squeeze %get3A_626 : memref<1x100x128xi32, #tpu.memory_space<vmem>> -> memref<100x128xi32, #tpu.memory_space<vmem>>
      %get3A_628 = arith.index_cast %get3A_623 : i32 to index
      %get3A_629 = arith.index_cast %mul3A_208 : i32 to index
      %get3A_630 = tpu.vector_load %get3A_627[%get3A_628, %get3A_629] {strides = array<i32>} : memref<100x128xi32, #tpu.memory_space<vmem>>, vector<16xi32>,
      %shift_left3A_631 = arith.constant 4 : i32
      %shift_left3A_632 = vector.broadcast %shift_left3A_631 : i32 to vector<16xi32>
      %shift_left3A_633 = arith.shli %get3A_630, %shift_left3A_632 : vector<16xi32>
      %add3A_634 = arith.addi %shift_left3A_633, %iota3A : vector<16xi32>
      %gather3A_635 = tpu.vector_load_idx %arg10[%add3A_634] : memref<16384xf32, #tpu.memory_space<vmem>>[vector<16xi32>], vector<16xf32>,
      %slice3A_636 = vector.extract_strided_slice %get3A_140 {offsets = [7], sizes = [1], strides = [1]} : vector<16xf32> to vector<1xf32>
      %squeeze3A_637 = vector.extract %slice3A_636[0] : f32 from vector<1xf32>
      %mul3A_638 = vector.broadcast %squeeze3A_637 : f32 to vector<16xf32>
      %mul3A_639 = arith.mulf %gather3A_635, %mul3A_638 : vector<16xf32>
      %add3A_640 = arith.addf %add3A_622, %mul3A_639 : vector<16xf32>
      %get3A_641 = arith.constant 24 : i32
      %get3A_642 = arith.constant 0 : i32
      %get3A_643 = arith.constant 0 : i32
      %get3A_644 = tpu.memref_slice %arg8[%and3A_206, %get3A_642, %get3A_643] : memref<2x100x128xi32, #tpu.memory_space<vmem>> -> memref<1x100x128xi32, #tpu.memory_space<vmem>>
      %get3A_645 = tpu.memref_squeeze %get3A_644 : memref<1x100x128xi32, #tpu.memory_space<vmem>> -> memref<100x128xi32, #tpu.memory_space<vmem>>
      %get3A_646 = arith.index_cast %get3A_641 : i32 to index
      %get3A_647 = arith.index_cast %mul3A_208 : i32 to index
      %get3A_648 = tpu.vector_load %get3A_645[%get3A_646, %get3A_647] {strides = array<i32>} : memref<100x128xi32, #tpu.memory_space<vmem>>, vector<16xi32>,
      %shift_left3A_649 = arith.constant 4 : i32
      %shift_left3A_650 = vector.broadcast %shift_left3A_649 : i32 to vector<16xi32>
      %shift_left3A_651 = arith.shli %get3A_648, %shift_left3A_650 : vector<16xi32>
      %add3A_652 = arith.addi %shift_left3A_651, %iota3A : vector<16xi32>
      %gather3A_653 = tpu.vector_load_idx %arg10[%add3A_652] : memref<16384xf32, #tpu.memory_space<vmem>>[vector<16xi32>], vector<16xf32>,
      %slice3A_654 = vector.extract_strided_slice %get3A_140 {offsets = [8], sizes = [1], strides = [1]} : vector<16xf32> to vector<1xf32>
      %squeeze3A_655 = vector.extract %slice3A_654[0] : f32 from vector<1xf32>
      %mul3A_656 = vector.broadcast %squeeze3A_655 : f32 to vector<16xf32>
      %mul3A_657 = arith.mulf %gather3A_653, %mul3A_656 : vector<16xf32>
      %add3A_658 = arith.addf %add3A_640, %mul3A_657 : vector<16xf32>
      %get3A_659 = arith.constant 25 : i32
      %get3A_660 = arith.constant 0 : i32
      %get3A_661 = arith.constant 0 : i32
      %get3A_662 = tpu.memref_slice %arg8[%and3A_206, %get3A_660, %get3A_661] : memref<2x100x128xi32, #tpu.memory_space<vmem>> -> memref<1x100x128xi32, #tpu.memory_space<vmem>>
      %get3A_663 = tpu.memref_squeeze %get3A_662 : memref<1x100x128xi32, #tpu.memory_space<vmem>> -> memref<100x128xi32, #tpu.memory_space<vmem>>
      %get3A_664 = arith.index_cast %get3A_659 : i32 to index
      %get3A_665 = arith.index_cast %mul3A_208 : i32 to index
      %get3A_666 = tpu.vector_load %get3A_663[%get3A_664, %get3A_665] {strides = array<i32>} : memref<100x128xi32, #tpu.memory_space<vmem>>, vector<16xi32>,
      %shift_left3A_667 = arith.constant 4 : i32
      %shift_left3A_668 = vector.broadcast %shift_left3A_667 : i32 to vector<16xi32>
      %shift_left3A_669 = arith.shli %get3A_666, %shift_left3A_668 : vector<16xi32>
      %add3A_670 = arith.addi %shift_left3A_669, %iota3A : vector<16xi32>
      %gather3A_671 = tpu.vector_load_idx %arg10[%add3A_670] : memref<16384xf32, #tpu.memory_space<vmem>>[vector<16xi32>], vector<16xf32>,
      %slice3A_672 = vector.extract_strided_slice %get3A_140 {offsets = [9], sizes = [1], strides = [1]} : vector<16xf32> to vector<1xf32>
      %squeeze3A_673 = vector.extract %slice3A_672[0] : f32 from vector<1xf32>
      %mul3A_674 = vector.broadcast %squeeze3A_673 : f32 to vector<16xf32>
      %mul3A_675 = arith.mulf %gather3A_671, %mul3A_674 : vector<16xf32>
      %add3A_676 = arith.addf %add3A_658, %mul3A_675 : vector<16xf32>
      %get3A_677 = arith.constant 26 : i32
      %get3A_678 = arith.constant 0 : i32
      %get3A_679 = arith.constant 0 : i32
      %get3A_680 = tpu.memref_slice %arg8[%and3A_206, %get3A_678, %get3A_679] : memref<2x100x128xi32, #tpu.memory_space<vmem>> -> memref<1x100x128xi32, #tpu.memory_space<vmem>>
      %get3A_681 = tpu.memref_squeeze %get3A_680 : memref<1x100x128xi32, #tpu.memory_space<vmem>> -> memref<100x128xi32, #tpu.memory_space<vmem>>
      %get3A_682 = arith.index_cast %get3A_677 : i32 to index
      %get3A_683 = arith.index_cast %mul3A_208 : i32 to index
      %get3A_684 = tpu.vector_load %get3A_681[%get3A_682, %get3A_683] {strides = array<i32>} : memref<100x128xi32, #tpu.memory_space<vmem>>, vector<16xi32>,
      %shift_left3A_685 = arith.constant 4 : i32
      %shift_left3A_686 = vector.broadcast %shift_left3A_685 : i32 to vector<16xi32>
      %shift_left3A_687 = arith.shli %get3A_684, %shift_left3A_686 : vector<16xi32>
      %add3A_688 = arith.addi %shift_left3A_687, %iota3A : vector<16xi32>
      %gather3A_689 = tpu.vector_load_idx %arg10[%add3A_688] : memref<16384xf32, #tpu.memory_space<vmem>>[vector<16xi32>], vector<16xf32>,
      %slice3A_690 = vector.extract_strided_slice %get3A_140 {offsets = [10], sizes = [1], strides = [1]} : vector<16xf32> to vector<1xf32>
      %squeeze3A_691 = vector.extract %slice3A_690[0] : f32 from vector<1xf32>
      %mul3A_692 = vector.broadcast %squeeze3A_691 : f32 to vector<16xf32>
      %mul3A_693 = arith.mulf %gather3A_689, %mul3A_692 : vector<16xf32>
      %add3A_694 = arith.addf %add3A_676, %mul3A_693 : vector<16xf32>
      %get3A_695 = arith.constant 27 : i32
      %get3A_696 = arith.constant 0 : i32
      %get3A_697 = arith.constant 0 : i32
      %get3A_698 = tpu.memref_slice %arg8[%and3A_206, %get3A_696, %get3A_697] : memref<2x100x128xi32, #tpu.memory_space<vmem>> -> memref<1x100x128xi32, #tpu.memory_space<vmem>>
      %get3A_699 = tpu.memref_squeeze %get3A_698 : memref<1x100x128xi32, #tpu.memory_space<vmem>> -> memref<100x128xi32, #tpu.memory_space<vmem>>
      %get3A_700 = arith.index_cast %get3A_695 : i32 to index
      %get3A_701 = arith.index_cast %mul3A_208 : i32 to index
      %get3A_702 = tpu.vector_load %get3A_699[%get3A_700, %get3A_701] {strides = array<i32>} : memref<100x128xi32, #tpu.memory_space<vmem>>, vector<16xi32>,
      %shift_left3A_703 = arith.constant 4 : i32
      %shift_left3A_704 = vector.broadcast %shift_left3A_703 : i32 to vector<16xi32>
      %shift_left3A_705 = arith.shli %get3A_702, %shift_left3A_704 : vector<16xi32>
      %add3A_706 = arith.addi %shift_left3A_705, %iota3A : vector<16xi32>
      %gather3A_707 = tpu.vector_load_idx %arg10[%add3A_706] : memref<16384xf32, #tpu.memory_space<vmem>>[vector<16xi32>], vector<16xf32>,
      %slice3A_708 = vector.extract_strided_slice %get3A_140 {offsets = [11], sizes = [1], strides = [1]} : vector<16xf32> to vector<1xf32>
      %squeeze3A_709 = vector.extract %slice3A_708[0] : f32 from vector<1xf32>
      %mul3A_710 = vector.broadcast %squeeze3A_709 : f32 to vector<16xf32>
      %mul3A_711 = arith.mulf %gather3A_707, %mul3A_710 : vector<16xf32>
      %add3A_712 = arith.addf %add3A_694, %mul3A_711 : vector<16xf32>
      %get3A_713 = arith.constant 28 : i32
      %get3A_714 = arith.constant 0 : i32
      %get3A_715 = arith.constant 0 : i32
      %get3A_716 = tpu.memref_slice %arg8[%and3A_206, %get3A_714, %get3A_715] : memref<2x100x128xi32, #tpu.memory_space<vmem>> -> memref<1x100x128xi32, #tpu.memory_space<vmem>>
      %get3A_717 = tpu.memref_squeeze %get3A_716 : memref<1x100x128xi32, #tpu.memory_space<vmem>> -> memref<100x128xi32, #tpu.memory_space<vmem>>
      %get3A_718 = arith.index_cast %get3A_713 : i32 to index
      %get3A_719 = arith.index_cast %mul3A_208 : i32 to index
      %get3A_720 = tpu.vector_load %get3A_717[%get3A_718, %get3A_719] {strides = array<i32>} : memref<100x128xi32, #tpu.memory_space<vmem>>, vector<16xi32>,
      %shift_left3A_721 = arith.constant 4 : i32
      %shift_left3A_722 = vector.broadcast %shift_left3A_721 : i32 to vector<16xi32>
      %shift_left3A_723 = arith.shli %get3A_720, %shift_left3A_722 : vector<16xi32>
      %add3A_724 = arith.addi %shift_left3A_723, %iota3A : vector<16xi32>
      %gather3A_725 = tpu.vector_load_idx %arg10[%add3A_724] : memref<16384xf32, #tpu.memory_space<vmem>>[vector<16xi32>], vector<16xf32>,
      %slice3A_726 = vector.extract_strided_slice %get3A_140 {offsets = [12], sizes = [1], strides = [1]} : vector<16xf32> to vector<1xf32>
      %squeeze3A_727 = vector.extract %slice3A_726[0] : f32 from vector<1xf32>
      %mul3A_728 = vector.broadcast %squeeze3A_727 : f32 to vector<16xf32>
      %mul3A_729 = arith.mulf %gather3A_725, %mul3A_728 : vector<16xf32>
      %add3A_730 = arith.addf %add3A_712, %mul3A_729 : vector<16xf32>
      %get3A_731 = arith.constant 29 : i32
      %get3A_732 = arith.constant 0 : i32
      %get3A_733 = arith.constant 0 : i32
      %get3A_734 = tpu.memref_slice %arg8[%and3A_206, %get3A_732, %get3A_733] : memref<2x100x128xi32, #tpu.memory_space<vmem>> -> memref<1x100x128xi32, #tpu.memory_space<vmem>>
      %get3A_735 = tpu.memref_squeeze %get3A_734 : memref<1x100x128xi32, #tpu.memory_space<vmem>> -> memref<100x128xi32, #tpu.memory_space<vmem>>
      %get3A_736 = arith.index_cast %get3A_731 : i32 to index
      %get3A_737 = arith.index_cast %mul3A_208 : i32 to index
      %get3A_738 = tpu.vector_load %get3A_735[%get3A_736, %get3A_737] {strides = array<i32>} : memref<100x128xi32, #tpu.memory_space<vmem>>, vector<16xi32>,
      %shift_left3A_739 = arith.constant 4 : i32
      %shift_left3A_740 = vector.broadcast %shift_left3A_739 : i32 to vector<16xi32>
      %shift_left3A_741 = arith.shli %get3A_738, %shift_left3A_740 : vector<16xi32>
      %add3A_742 = arith.addi %shift_left3A_741, %iota3A : vector<16xi32>
      %gather3A_743 = tpu.vector_load_idx %arg10[%add3A_742] : memref<16384xf32, #tpu.memory_space<vmem>>[vector<16xi32>], vector<16xf32>,
      %slice3A_744 = vector.extract_strided_slice %get3A_140 {offsets = [13], sizes = [1], strides = [1]} : vector<16xf32> to vector<1xf32>
      %squeeze3A_745 = vector.extract %slice3A_744[0] : f32 from vector<1xf32>
      %mul3A_746 = vector.broadcast %squeeze3A_745 : f32 to vector<16xf32>
      %mul3A_747 = arith.mulf %gather3A_743, %mul3A_746 : vector<16xf32>
      %add3A_748 = arith.addf %add3A_730, %mul3A_747 : vector<16xf32>
      %get3A_749 = arith.constant 30 : i32
      %get3A_750 = arith.constant 0 : i32
      %get3A_751 = arith.constant 0 : i32
      %get3A_752 = tpu.memref_slice %arg8[%and3A_206, %get3A_750, %get3A_751] : memref<2x100x128xi32, #tpu.memory_space<vmem>> -> memref<1x100x128xi32, #tpu.memory_space<vmem>>
      %get3A_753 = tpu.memref_squeeze %get3A_752 : memref<1x100x128xi32, #tpu.memory_space<vmem>> -> memref<100x128xi32, #tpu.memory_space<vmem>>
      %get3A_754 = arith.index_cast %get3A_749 : i32 to index
      %get3A_755 = arith.index_cast %mul3A_208 : i32 to index
      %get3A_756 = tpu.vector_load %get3A_753[%get3A_754, %get3A_755] {strides = array<i32>} : memref<100x128xi32, #tpu.memory_space<vmem>>, vector<16xi32>,
      %shift_left3A_757 = arith.constant 4 : i32
      %shift_left3A_758 = vector.broadcast %shift_left3A_757 : i32 to vector<16xi32>
      %shift_left3A_759 = arith.shli %get3A_756, %shift_left3A_758 : vector<16xi32>
      %add3A_760 = arith.addi %shift_left3A_759, %iota3A : vector<16xi32>
      %gather3A_761 = tpu.vector_load_idx %arg10[%add3A_760] : memref<16384xf32, #tpu.memory_space<vmem>>[vector<16xi32>], vector<16xf32>,
      %slice3A_762 = vector.extract_strided_slice %get3A_140 {offsets = [14], sizes = [1], strides = [1]} : vector<16xf32> to vector<1xf32>
      %squeeze3A_763 = vector.extract %slice3A_762[0] : f32 from vector<1xf32>
      %mul3A_764 = vector.broadcast %squeeze3A_763 : f32 to vector<16xf32>
      %mul3A_765 = arith.mulf %gather3A_761, %mul3A_764 : vector<16xf32>
      %add3A_766 = arith.addf %add3A_748, %mul3A_765 : vector<16xf32>
      %get3A_767 = arith.constant 31 : i32
      %get3A_768 = arith.constant 0 : i32
      %get3A_769 = arith.constant 0 : i32
      %get3A_770 = tpu.memref_slice %arg8[%and3A_206, %get3A_768, %get3A_769] : memref<2x100x128xi32, #tpu.memory_space<vmem>> -> memref<1x100x128xi32, #tpu.memory_space<vmem>>
      %get3A_771 = tpu.memref_squeeze %get3A_770 : memref<1x100x128xi32, #tpu.memory_space<vmem>> -> memref<100x128xi32, #tpu.memory_space<vmem>>
      %get3A_772 = arith.index_cast %get3A_767 : i32 to index
      %get3A_773 = arith.index_cast %mul3A_208 : i32 to index
      %get3A_774 = tpu.vector_load %get3A_771[%get3A_772, %get3A_773] {strides = array<i32>} : memref<100x128xi32, #tpu.memory_space<vmem>>, vector<16xi32>,
      %shift_left3A_775 = arith.constant 4 : i32
      %shift_left3A_776 = vector.broadcast %shift_left3A_775 : i32 to vector<16xi32>
      %shift_left3A_777 = arith.shli %get3A_774, %shift_left3A_776 : vector<16xi32>
      %add3A_778 = arith.addi %shift_left3A_777, %iota3A : vector<16xi32>
      %gather3A_779 = tpu.vector_load_idx %arg10[%add3A_778] : memref<16384xf32, #tpu.memory_space<vmem>>[vector<16xi32>], vector<16xf32>,
      %slice3A_780 = vector.extract_strided_slice %get3A_140 {offsets = [15], sizes = [1], strides = [1]} : vector<16xf32> to vector<1xf32>
      %squeeze3A_781 = vector.extract %slice3A_780[0] : f32 from vector<1xf32>
      %mul3A_782 = vector.broadcast %squeeze3A_781 : f32 to vector<16xf32>
      %mul3A_783 = arith.mulf %gather3A_779, %mul3A_782 : vector<16xf32>
      %add3A_784 = arith.addf %add3A_766, %mul3A_783 : vector<16xf32>
      %get3A_785 = arith.constant 32 : i32
      %get3A_786 = arith.constant 0 : i32
      %get3A_787 = arith.constant 0 : i32
      %get3A_788 = tpu.memref_slice %arg8[%and3A_206, %get3A_786, %get3A_787] : memref<2x100x128xi32, #tpu.memory_space<vmem>> -> memref<1x100x128xi32, #tpu.memory_space<vmem>>
      %get3A_789 = tpu.memref_squeeze %get3A_788 : memref<1x100x128xi32, #tpu.memory_space<vmem>> -> memref<100x128xi32, #tpu.memory_space<vmem>>
      %get3A_790 = arith.index_cast %get3A_785 : i32 to index
      %get3A_791 = arith.index_cast %mul3A_208 : i32 to index
      %get3A_792 = tpu.vector_load %get3A_789[%get3A_790, %get3A_791] {strides = array<i32>} : memref<100x128xi32, #tpu.memory_space<vmem>>, vector<16xi32>,
      %shift_left3A_793 = arith.constant 4 : i32
      %shift_left3A_794 = vector.broadcast %shift_left3A_793 : i32 to vector<16xi32>
      %shift_left3A_795 = arith.shli %get3A_792, %shift_left3A_794 : vector<16xi32>
      %add3A_796 = arith.addi %shift_left3A_795, %iota3A : vector<16xi32>
      %gather3A_797 = tpu.vector_load_idx %arg10[%add3A_796] : memref<16384xf32, #tpu.memory_space<vmem>>[vector<16xi32>], vector<16xf32>,
      %slice3A_798 = vector.extract_strided_slice %get3A_142 {offsets = [0], sizes = [1], strides = [1]} : vector<16xf32> to vector<1xf32>
      %squeeze3A_799 = vector.extract %slice3A_798[0] : f32 from vector<1xf32>
      %mul3A_800 = vector.broadcast %squeeze3A_799 : f32 to vector<16xf32>
      %mul3A_801 = arith.mulf %gather3A_797, %mul3A_800 : vector<16xf32>
      %add3A_802 = arith.addf %add3A_784, %mul3A_801 : vector<16xf32>
      %get3A_803 = arith.constant 33 : i32
      %get3A_804 = arith.constant 0 : i32
      %get3A_805 = arith.constant 0 : i32
      %get3A_806 = tpu.memref_slice %arg8[%and3A_206, %get3A_804, %get3A_805] : memref<2x100x128xi32, #tpu.memory_space<vmem>> -> memref<1x100x128xi32, #tpu.memory_space<vmem>>
      %get3A_807 = tpu.memref_squeeze %get3A_806 : memref<1x100x128xi32, #tpu.memory_space<vmem>> -> memref<100x128xi32, #tpu.memory_space<vmem>>
      %get3A_808 = arith.index_cast %get3A_803 : i32 to index
      %get3A_809 = arith.index_cast %mul3A_208 : i32 to index
      %get3A_810 = tpu.vector_load %get3A_807[%get3A_808, %get3A_809] {strides = array<i32>} : memref<100x128xi32, #tpu.memory_space<vmem>>, vector<16xi32>,
      %shift_left3A_811 = arith.constant 4 : i32
      %shift_left3A_812 = vector.broadcast %shift_left3A_811 : i32 to vector<16xi32>
      %shift_left3A_813 = arith.shli %get3A_810, %shift_left3A_812 : vector<16xi32>
      %add3A_814 = arith.addi %shift_left3A_813, %iota3A : vector<16xi32>
      %gather3A_815 = tpu.vector_load_idx %arg10[%add3A_814] : memref<16384xf32, #tpu.memory_space<vmem>>[vector<16xi32>], vector<16xf32>,
      %slice3A_816 = vector.extract_strided_slice %get3A_142 {offsets = [1], sizes = [1], strides = [1]} : vector<16xf32> to vector<1xf32>
      %squeeze3A_817 = vector.extract %slice3A_816[0] : f32 from vector<1xf32>
      %mul3A_818 = vector.broadcast %squeeze3A_817 : f32 to vector<16xf32>
      %mul3A_819 = arith.mulf %gather3A_815, %mul3A_818 : vector<16xf32>
      %add3A_820 = arith.addf %add3A_802, %mul3A_819 : vector<16xf32>
      %get3A_821 = arith.constant 34 : i32
      %get3A_822 = arith.constant 0 : i32
      %get3A_823 = arith.constant 0 : i32
      %get3A_824 = tpu.memref_slice %arg8[%and3A_206, %get3A_822, %get3A_823] : memref<2x100x128xi32, #tpu.memory_space<vmem>> -> memref<1x100x128xi32, #tpu.memory_space<vmem>>
      %get3A_825 = tpu.memref_squeeze %get3A_824 : memref<1x100x128xi32, #tpu.memory_space<vmem>> -> memref<100x128xi32, #tpu.memory_space<vmem>>
      %get3A_826 = arith.index_cast %get3A_821 : i32 to index
      %get3A_827 = arith.index_cast %mul3A_208 : i32 to index
      %get3A_828 = tpu.vector_load %get3A_825[%get3A_826, %get3A_827] {strides = array<i32>} : memref<100x128xi32, #tpu.memory_space<vmem>>, vector<16xi32>,
      %shift_left3A_829 = arith.constant 4 : i32
      %shift_left3A_830 = vector.broadcast %shift_left3A_829 : i32 to vector<16xi32>
      %shift_left3A_831 = arith.shli %get3A_828, %shift_left3A_830 : vector<16xi32>
      %add3A_832 = arith.addi %shift_left3A_831, %iota3A : vector<16xi32>
      %gather3A_833 = tpu.vector_load_idx %arg10[%add3A_832] : memref<16384xf32, #tpu.memory_space<vmem>>[vector<16xi32>], vector<16xf32>,
      %slice3A_834 = vector.extract_strided_slice %get3A_142 {offsets = [2], sizes = [1], strides = [1]} : vector<16xf32> to vector<1xf32>
      %squeeze3A_835 = vector.extract %slice3A_834[0] : f32 from vector<1xf32>
      %mul3A_836 = vector.broadcast %squeeze3A_835 : f32 to vector<16xf32>
      %mul3A_837 = arith.mulf %gather3A_833, %mul3A_836 : vector<16xf32>
      %add3A_838 = arith.addf %add3A_820, %mul3A_837 : vector<16xf32>
      %get3A_839 = arith.constant 35 : i32
      %get3A_840 = arith.constant 0 : i32
      %get3A_841 = arith.constant 0 : i32
      %get3A_842 = tpu.memref_slice %arg8[%and3A_206, %get3A_840, %get3A_841] : memref<2x100x128xi32, #tpu.memory_space<vmem>> -> memref<1x100x128xi32, #tpu.memory_space<vmem>>
      %get3A_843 = tpu.memref_squeeze %get3A_842 : memref<1x100x128xi32, #tpu.memory_space<vmem>> -> memref<100x128xi32, #tpu.memory_space<vmem>>
      %get3A_844 = arith.index_cast %get3A_839 : i32 to index
      %get3A_845 = arith.index_cast %mul3A_208 : i32 to index
      %get3A_846 = tpu.vector_load %get3A_843[%get3A_844, %get3A_845] {strides = array<i32>} : memref<100x128xi32, #tpu.memory_space<vmem>>, vector<16xi32>,
      %shift_left3A_847 = arith.constant 4 : i32
      %shift_left3A_848 = vector.broadcast %shift_left3A_847 : i32 to vector<16xi32>
      %shift_left3A_849 = arith.shli %get3A_846, %shift_left3A_848 : vector<16xi32>
      %add3A_850 = arith.addi %shift_left3A_849, %iota3A : vector<16xi32>
      %gather3A_851 = tpu.vector_load_idx %arg10[%add3A_850] : memref<16384xf32, #tpu.memory_space<vmem>>[vector<16xi32>], vector<16xf32>,
      %slice3A_852 = vector.extract_strided_slice %get3A_142 {offsets = [3], sizes = [1], strides = [1]} : vector<16xf32> to vector<1xf32>
      %squeeze3A_853 = vector.extract %slice3A_852[0] : f32 from vector<1xf32>
      %mul3A_854 = vector.broadcast %squeeze3A_853 : f32 to vector<16xf32>
      %mul3A_855 = arith.mulf %gather3A_851, %mul3A_854 : vector<16xf32>
      %add3A_856 = arith.addf %add3A_838, %mul3A_855 : vector<16xf32>
      %get3A_857 = arith.constant 36 : i32
      %get3A_858 = arith.constant 0 : i32
      %get3A_859 = arith.constant 0 : i32
      %get3A_860 = tpu.memref_slice %arg8[%and3A_206, %get3A_858, %get3A_859] : memref<2x100x128xi32, #tpu.memory_space<vmem>> -> memref<1x100x128xi32, #tpu.memory_space<vmem>>
      %get3A_861 = tpu.memref_squeeze %get3A_860 : memref<1x100x128xi32, #tpu.memory_space<vmem>> -> memref<100x128xi32, #tpu.memory_space<vmem>>
      %get3A_862 = arith.index_cast %get3A_857 : i32 to index
      %get3A_863 = arith.index_cast %mul3A_208 : i32 to index
      %get3A_864 = tpu.vector_load %get3A_861[%get3A_862, %get3A_863] {strides = array<i32>} : memref<100x128xi32, #tpu.memory_space<vmem>>, vector<16xi32>,
      %shift_left3A_865 = arith.constant 4 : i32
      %shift_left3A_866 = vector.broadcast %shift_left3A_865 : i32 to vector<16xi32>
      %shift_left3A_867 = arith.shli %get3A_864, %shift_left3A_866 : vector<16xi32>
      %add3A_868 = arith.addi %shift_left3A_867, %iota3A : vector<16xi32>
      %gather3A_869 = tpu.vector_load_idx %arg10[%add3A_868] : memref<16384xf32, #tpu.memory_space<vmem>>[vector<16xi32>], vector<16xf32>,
      %slice3A_870 = vector.extract_strided_slice %get3A_142 {offsets = [4], sizes = [1], strides = [1]} : vector<16xf32> to vector<1xf32>
      %squeeze3A_871 = vector.extract %slice3A_870[0] : f32 from vector<1xf32>
      %mul3A_872 = vector.broadcast %squeeze3A_871 : f32 to vector<16xf32>
      %mul3A_873 = arith.mulf %gather3A_869, %mul3A_872 : vector<16xf32>
      %add3A_874 = arith.addf %add3A_856, %mul3A_873 : vector<16xf32>
      %get3A_875 = arith.constant 37 : i32
      %get3A_876 = arith.constant 0 : i32
      %get3A_877 = arith.constant 0 : i32
      %get3A_878 = tpu.memref_slice %arg8[%and3A_206, %get3A_876, %get3A_877] : memref<2x100x128xi32, #tpu.memory_space<vmem>> -> memref<1x100x128xi32, #tpu.memory_space<vmem>>
      %get3A_879 = tpu.memref_squeeze %get3A_878 : memref<1x100x128xi32, #tpu.memory_space<vmem>> -> memref<100x128xi32, #tpu.memory_space<vmem>>
      %get3A_880 = arith.index_cast %get3A_875 : i32 to index
      %get3A_881 = arith.index_cast %mul3A_208 : i32 to index
      %get3A_882 = tpu.vector_load %get3A_879[%get3A_880, %get3A_881] {strides = array<i32>} : memref<100x128xi32, #tpu.memory_space<vmem>>, vector<16xi32>,
      %shift_left3A_883 = arith.constant 4 : i32
      %shift_left3A_884 = vector.broadcast %shift_left3A_883 : i32 to vector<16xi32>
      %shift_left3A_885 = arith.shli %get3A_882, %shift_left3A_884 : vector<16xi32>
      %add3A_886 = arith.addi %shift_left3A_885, %iota3A : vector<16xi32>
      %gather3A_887 = tpu.vector_load_idx %arg10[%add3A_886] : memref<16384xf32, #tpu.memory_space<vmem>>[vector<16xi32>], vector<16xf32>,
      %slice3A_888 = vector.extract_strided_slice %get3A_142 {offsets = [5], sizes = [1], strides = [1]} : vector<16xf32> to vector<1xf32>
      %squeeze3A_889 = vector.extract %slice3A_888[0] : f32 from vector<1xf32>
      %mul3A_890 = vector.broadcast %squeeze3A_889 : f32 to vector<16xf32>
      %mul3A_891 = arith.mulf %gather3A_887, %mul3A_890 : vector<16xf32>
      %add3A_892 = arith.addf %add3A_874, %mul3A_891 : vector<16xf32>
      %get3A_893 = arith.constant 38 : i32
      %get3A_894 = arith.constant 0 : i32
      %get3A_895 = arith.constant 0 : i32
      %get3A_896 = tpu.memref_slice %arg8[%and3A_206, %get3A_894, %get3A_895] : memref<2x100x128xi32, #tpu.memory_space<vmem>> -> memref<1x100x128xi32, #tpu.memory_space<vmem>>
      %get3A_897 = tpu.memref_squeeze %get3A_896 : memref<1x100x128xi32, #tpu.memory_space<vmem>> -> memref<100x128xi32, #tpu.memory_space<vmem>>
      %get3A_898 = arith.index_cast %get3A_893 : i32 to index
      %get3A_899 = arith.index_cast %mul3A_208 : i32 to index
      %get3A_900 = tpu.vector_load %get3A_897[%get3A_898, %get3A_899] {strides = array<i32>} : memref<100x128xi32, #tpu.memory_space<vmem>>, vector<16xi32>,
      %shift_left3A_901 = arith.constant 4 : i32
      %shift_left3A_902 = vector.broadcast %shift_left3A_901 : i32 to vector<16xi32>
      %shift_left3A_903 = arith.shli %get3A_900, %shift_left3A_902 : vector<16xi32>
      %add3A_904 = arith.addi %shift_left3A_903, %iota3A : vector<16xi32>
      %gather3A_905 = tpu.vector_load_idx %arg10[%add3A_904] : memref<16384xf32, #tpu.memory_space<vmem>>[vector<16xi32>], vector<16xf32>,
      %slice3A_906 = vector.extract_strided_slice %get3A_142 {offsets = [6], sizes = [1], strides = [1]} : vector<16xf32> to vector<1xf32>
      %squeeze3A_907 = vector.extract %slice3A_906[0] : f32 from vector<1xf32>
      %mul3A_908 = vector.broadcast %squeeze3A_907 : f32 to vector<16xf32>
      %mul3A_909 = arith.mulf %gather3A_905, %mul3A_908 : vector<16xf32>
      %add3A_910 = arith.addf %add3A_892, %mul3A_909 : vector<16xf32>
      %get3A_911 = arith.constant 39 : i32
      %get3A_912 = arith.constant 0 : i32
      %get3A_913 = arith.constant 0 : i32
      %get3A_914 = tpu.memref_slice %arg8[%and3A_206, %get3A_912, %get3A_913] : memref<2x100x128xi32, #tpu.memory_space<vmem>> -> memref<1x100x128xi32, #tpu.memory_space<vmem>>
      %get3A_915 = tpu.memref_squeeze %get3A_914 : memref<1x100x128xi32, #tpu.memory_space<vmem>> -> memref<100x128xi32, #tpu.memory_space<vmem>>
      %get3A_916 = arith.index_cast %get3A_911 : i32 to index
      %get3A_917 = arith.index_cast %mul3A_208 : i32 to index
      %get3A_918 = tpu.vector_load %get3A_915[%get3A_916, %get3A_917] {strides = array<i32>} : memref<100x128xi32, #tpu.memory_space<vmem>>, vector<16xi32>,
      %shift_left3A_919 = arith.constant 4 : i32
      %shift_left3A_920 = vector.broadcast %shift_left3A_919 : i32 to vector<16xi32>
      %shift_left3A_921 = arith.shli %get3A_918, %shift_left3A_920 : vector<16xi32>
      %add3A_922 = arith.addi %shift_left3A_921, %iota3A : vector<16xi32>
      %gather3A_923 = tpu.vector_load_idx %arg10[%add3A_922] : memref<16384xf32, #tpu.memory_space<vmem>>[vector<16xi32>], vector<16xf32>,
      %slice3A_924 = vector.extract_strided_slice %get3A_142 {offsets = [7], sizes = [1], strides = [1]} : vector<16xf32> to vector<1xf32>
      %squeeze3A_925 = vector.extract %slice3A_924[0] : f32 from vector<1xf32>
      %mul3A_926 = vector.broadcast %squeeze3A_925 : f32 to vector<16xf32>
      %mul3A_927 = arith.mulf %gather3A_923, %mul3A_926 : vector<16xf32>
      %add3A_928 = arith.addf %add3A_910, %mul3A_927 : vector<16xf32>
      %get3A_929 = arith.constant 40 : i32
      %get3A_930 = arith.constant 0 : i32
      %get3A_931 = arith.constant 0 : i32
      %get3A_932 = tpu.memref_slice %arg8[%and3A_206, %get3A_930, %get3A_931] : memref<2x100x128xi32, #tpu.memory_space<vmem>> -> memref<1x100x128xi32, #tpu.memory_space<vmem>>
      %get3A_933 = tpu.memref_squeeze %get3A_932 : memref<1x100x128xi32, #tpu.memory_space<vmem>> -> memref<100x128xi32, #tpu.memory_space<vmem>>
      %get3A_934 = arith.index_cast %get3A_929 : i32 to index
      %get3A_935 = arith.index_cast %mul3A_208 : i32 to index
      %get3A_936 = tpu.vector_load %get3A_933[%get3A_934, %get3A_935] {strides = array<i32>} : memref<100x128xi32, #tpu.memory_space<vmem>>, vector<16xi32>,
      %shift_left3A_937 = arith.constant 4 : i32
      %shift_left3A_938 = vector.broadcast %shift_left3A_937 : i32 to vector<16xi32>
      %shift_left3A_939 = arith.shli %get3A_936, %shift_left3A_938 : vector<16xi32>
      %add3A_940 = arith.addi %shift_left3A_939, %iota3A : vector<16xi32>
      %gather3A_941 = tpu.vector_load_idx %arg10[%add3A_940] : memref<16384xf32, #tpu.memory_space<vmem>>[vector<16xi32>], vector<16xf32>,
      %slice3A_942 = vector.extract_strided_slice %get3A_142 {offsets = [8], sizes = [1], strides = [1]} : vector<16xf32> to vector<1xf32>
      %squeeze3A_943 = vector.extract %slice3A_942[0] : f32 from vector<1xf32>
      %mul3A_944 = vector.broadcast %squeeze3A_943 : f32 to vector<16xf32>
      %mul3A_945 = arith.mulf %gather3A_941, %mul3A_944 : vector<16xf32>
      %add3A_946 = arith.addf %add3A_928, %mul3A_945 : vector<16xf32>
      %get3A_947 = arith.constant 41 : i32
      %get3A_948 = arith.constant 0 : i32
      %get3A_949 = arith.constant 0 : i32
      %get3A_950 = tpu.memref_slice %arg8[%and3A_206, %get3A_948, %get3A_949] : memref<2x100x128xi32, #tpu.memory_space<vmem>> -> memref<1x100x128xi32, #tpu.memory_space<vmem>>
      %get3A_951 = tpu.memref_squeeze %get3A_950 : memref<1x100x128xi32, #tpu.memory_space<vmem>> -> memref<100x128xi32, #tpu.memory_space<vmem>>
      %get3A_952 = arith.index_cast %get3A_947 : i32 to index
      %get3A_953 = arith.index_cast %mul3A_208 : i32 to index
      %get3A_954 = tpu.vector_load %get3A_951[%get3A_952, %get3A_953] {strides = array<i32>} : memref<100x128xi32, #tpu.memory_space<vmem>>, vector<16xi32>,
      %shift_left3A_955 = arith.constant 4 : i32
      %shift_left3A_956 = vector.broadcast %shift_left3A_955 : i32 to vector<16xi32>
      %shift_left3A_957 = arith.shli %get3A_954, %shift_left3A_956 : vector<16xi32>
      %add3A_958 = arith.addi %shift_left3A_957, %iota3A : vector<16xi32>
      %gather3A_959 = tpu.vector_load_idx %arg10[%add3A_958] : memref<16384xf32, #tpu.memory_space<vmem>>[vector<16xi32>], vector<16xf32>,
      %slice3A_960 = vector.extract_strided_slice %get3A_142 {offsets = [9], sizes = [1], strides = [1]} : vector<16xf32> to vector<1xf32>
      %squeeze3A_961 = vector.extract %slice3A_960[0] : f32 from vector<1xf32>
      %mul3A_962 = vector.broadcast %squeeze3A_961 : f32 to vector<16xf32>
      %mul3A_963 = arith.mulf %gather3A_959, %mul3A_962 : vector<16xf32>
      %add3A_964 = arith.addf %add3A_946, %mul3A_963 : vector<16xf32>
      %get3A_965 = arith.constant 42 : i32
      %get3A_966 = arith.constant 0 : i32
      %get3A_967 = arith.constant 0 : i32
      %get3A_968 = tpu.memref_slice %arg8[%and3A_206, %get3A_966, %get3A_967] : memref<2x100x128xi32, #tpu.memory_space<vmem>> -> memref<1x100x128xi32, #tpu.memory_space<vmem>>
      %get3A_969 = tpu.memref_squeeze %get3A_968 : memref<1x100x128xi32, #tpu.memory_space<vmem>> -> memref<100x128xi32, #tpu.memory_space<vmem>>
      %get3A_970 = arith.index_cast %get3A_965 : i32 to index
      %get3A_971 = arith.index_cast %mul3A_208 : i32 to index
      %get3A_972 = tpu.vector_load %get3A_969[%get3A_970, %get3A_971] {strides = array<i32>} : memref<100x128xi32, #tpu.memory_space<vmem>>, vector<16xi32>,
      %shift_left3A_973 = arith.constant 4 : i32
      %shift_left3A_974 = vector.broadcast %shift_left3A_973 : i32 to vector<16xi32>
      %shift_left3A_975 = arith.shli %get3A_972, %shift_left3A_974 : vector<16xi32>
      %add3A_976 = arith.addi %shift_left3A_975, %iota3A : vector<16xi32>
      %gather3A_977 = tpu.vector_load_idx %arg10[%add3A_976] : memref<16384xf32, #tpu.memory_space<vmem>>[vector<16xi32>], vector<16xf32>,
      %slice3A_978 = vector.extract_strided_slice %get3A_142 {offsets = [10], sizes = [1], strides = [1]} : vector<16xf32> to vector<1xf32>
      %squeeze3A_979 = vector.extract %slice3A_978[0] : f32 from vector<1xf32>
      %mul3A_980 = vector.broadcast %squeeze3A_979 : f32 to vector<16xf32>
      %mul3A_981 = arith.mulf %gather3A_977, %mul3A_980 : vector<16xf32>
      %add3A_982 = arith.addf %add3A_964, %mul3A_981 : vector<16xf32>
      %get3A_983 = arith.constant 43 : i32
      %get3A_984 = arith.constant 0 : i32
      %get3A_985 = arith.constant 0 : i32
      %get3A_986 = tpu.memref_slice %arg8[%and3A_206, %get3A_984, %get3A_985] : memref<2x100x128xi32, #tpu.memory_space<vmem>> -> memref<1x100x128xi32, #tpu.memory_space<vmem>>
      %get3A_987 = tpu.memref_squeeze %get3A_986 : memref<1x100x128xi32, #tpu.memory_space<vmem>> -> memref<100x128xi32, #tpu.memory_space<vmem>>
      %get3A_988 = arith.index_cast %get3A_983 : i32 to index
      %get3A_989 = arith.index_cast %mul3A_208 : i32 to index
      %get3A_990 = tpu.vector_load %get3A_987[%get3A_988, %get3A_989] {strides = array<i32>} : memref<100x128xi32, #tpu.memory_space<vmem>>, vector<16xi32>,
      %shift_left3A_991 = arith.constant 4 : i32
      %shift_left3A_992 = vector.broadcast %shift_left3A_991 : i32 to vector<16xi32>
      %shift_left3A_993 = arith.shli %get3A_990, %shift_left3A_992 : vector<16xi32>
      %add3A_994 = arith.addi %shift_left3A_993, %iota3A : vector<16xi32>
      %gather3A_995 = tpu.vector_load_idx %arg10[%add3A_994] : memref<16384xf32, #tpu.memory_space<vmem>>[vector<16xi32>], vector<16xf32>,
      %slice3A_996 = vector.extract_strided_slice %get3A_142 {offsets = [11], sizes = [1], strides = [1]} : vector<16xf32> to vector<1xf32>
      %squeeze3A_997 = vector.extract %slice3A_996[0] : f32 from vector<1xf32>
      %mul3A_998 = vector.broadcast %squeeze3A_997 : f32 to vector<16xf32>
      %mul3A_999 = arith.mulf %gather3A_995, %mul3A_998 : vector<16xf32>
      %add3A_1000 = arith.addf %add3A_982, %mul3A_999 : vector<16xf32>
      %get3A_1001 = arith.constant 44 : i32
      %get3A_1002 = arith.constant 0 : i32
      %get3A_1003 = arith.constant 0 : i32
      %get3A_1004 = tpu.memref_slice %arg8[%and3A_206, %get3A_1002, %get3A_1003] : memref<2x100x128xi32, #tpu.memory_space<vmem>> -> memref<1x100x128xi32, #tpu.memory_space<vmem>>
      %get3A_1005 = tpu.memref_squeeze %get3A_1004 : memref<1x100x128xi32, #tpu.memory_space<vmem>> -> memref<100x128xi32, #tpu.memory_space<vmem>>
      %get3A_1006 = arith.index_cast %get3A_1001 : i32 to index
      %get3A_1007 = arith.index_cast %mul3A_208 : i32 to index
      %get3A_1008 = tpu.vector_load %get3A_1005[%get3A_1006, %get3A_1007] {strides = array<i32>} : memref<100x128xi32, #tpu.memory_space<vmem>>, vector<16xi32>,
      %shift_left3A_1009 = arith.constant 4 : i32
      %shift_left3A_1010 = vector.broadcast %shift_left3A_1009 : i32 to vector<16xi32>
      %shift_left3A_1011 = arith.shli %get3A_1008, %shift_left3A_1010 : vector<16xi32>
      %add3A_1012 = arith.addi %shift_left3A_1011, %iota3A : vector<16xi32>
      %gather3A_1013 = tpu.vector_load_idx %arg10[%add3A_1012] : memref<16384xf32, #tpu.memory_space<vmem>>[vector<16xi32>], vector<16xf32>,
      %slice3A_1014 = vector.extract_strided_slice %get3A_142 {offsets = [12], sizes = [1], strides = [1]} : vector<16xf32> to vector<1xf32>
      %squeeze3A_1015 = vector.extract %slice3A_1014[0] : f32 from vector<1xf32>
      %mul3A_1016 = vector.broadcast %squeeze3A_1015 : f32 to vector<16xf32>
      %mul3A_1017 = arith.mulf %gather3A_1013, %mul3A_1016 : vector<16xf32>
      %add3A_1018 = arith.addf %add3A_1000, %mul3A_1017 : vector<16xf32>
      %get3A_1019 = arith.constant 45 : i32
      %get3A_1020 = arith.constant 0 : i32
      %get3A_1021 = arith.constant 0 : i32
      %get3A_1022 = tpu.memref_slice %arg8[%and3A_206, %get3A_1020, %get3A_1021] : memref<2x100x128xi32, #tpu.memory_space<vmem>> -> memref<1x100x128xi32, #tpu.memory_space<vmem>>
      %get3A_1023 = tpu.memref_squeeze %get3A_1022 : memref<1x100x128xi32, #tpu.memory_space<vmem>> -> memref<100x128xi32, #tpu.memory_space<vmem>>
      %get3A_1024 = arith.index_cast %get3A_1019 : i32 to index
      %get3A_1025 = arith.index_cast %mul3A_208 : i32 to index
      %get3A_1026 = tpu.vector_load %get3A_1023[%get3A_1024, %get3A_1025] {strides = array<i32>} : memref<100x128xi32, #tpu.memory_space<vmem>>, vector<16xi32>,
      %shift_left3A_1027 = arith.constant 4 : i32
      %shift_left3A_1028 = vector.broadcast %shift_left3A_1027 : i32 to vector<16xi32>
      %shift_left3A_1029 = arith.shli %get3A_1026, %shift_left3A_1028 : vector<16xi32>
      %add3A_1030 = arith.addi %shift_left3A_1029, %iota3A : vector<16xi32>
      %gather3A_1031 = tpu.vector_load_idx %arg10[%add3A_1030] : memref<16384xf32, #tpu.memory_space<vmem>>[vector<16xi32>], vector<16xf32>,
      %slice3A_1032 = vector.extract_strided_slice %get3A_142 {offsets = [13], sizes = [1], strides = [1]} : vector<16xf32> to vector<1xf32>
      %squeeze3A_1033 = vector.extract %slice3A_1032[0] : f32 from vector<1xf32>
      %mul3A_1034 = vector.broadcast %squeeze3A_1033 : f32 to vector<16xf32>
      %mul3A_1035 = arith.mulf %gather3A_1031, %mul3A_1034 : vector<16xf32>
      %add3A_1036 = arith.addf %add3A_1018, %mul3A_1035 : vector<16xf32>
      %get3A_1037 = arith.constant 46 : i32
      %get3A_1038 = arith.constant 0 : i32
      %get3A_1039 = arith.constant 0 : i32
      %get3A_1040 = tpu.memref_slice %arg8[%and3A_206, %get3A_1038, %get3A_1039] : memref<2x100x128xi32, #tpu.memory_space<vmem>> -> memref<1x100x128xi32, #tpu.memory_space<vmem>>
      %get3A_1041 = tpu.memref_squeeze %get3A_1040 : memref<1x100x128xi32, #tpu.memory_space<vmem>> -> memref<100x128xi32, #tpu.memory_space<vmem>>
      %get3A_1042 = arith.index_cast %get3A_1037 : i32 to index
      %get3A_1043 = arith.index_cast %mul3A_208 : i32 to index
      %get3A_1044 = tpu.vector_load %get3A_1041[%get3A_1042, %get3A_1043] {strides = array<i32>} : memref<100x128xi32, #tpu.memory_space<vmem>>, vector<16xi32>,
      %shift_left3A_1045 = arith.constant 4 : i32
      %shift_left3A_1046 = vector.broadcast %shift_left3A_1045 : i32 to vector<16xi32>
      %shift_left3A_1047 = arith.shli %get3A_1044, %shift_left3A_1046 : vector<16xi32>
      %add3A_1048 = arith.addi %shift_left3A_1047, %iota3A : vector<16xi32>
      %gather3A_1049 = tpu.vector_load_idx %arg10[%add3A_1048] : memref<16384xf32, #tpu.memory_space<vmem>>[vector<16xi32>], vector<16xf32>,
      %slice3A_1050 = vector.extract_strided_slice %get3A_142 {offsets = [14], sizes = [1], strides = [1]} : vector<16xf32> to vector<1xf32>
      %squeeze3A_1051 = vector.extract %slice3A_1050[0] : f32 from vector<1xf32>
      %mul3A_1052 = vector.broadcast %squeeze3A_1051 : f32 to vector<16xf32>
      %mul3A_1053 = arith.mulf %gather3A_1049, %mul3A_1052 : vector<16xf32>
      %add3A_1054 = arith.addf %add3A_1036, %mul3A_1053 : vector<16xf32>
      %get3A_1055 = arith.constant 47 : i32
      %get3A_1056 = arith.constant 0 : i32
      %get3A_1057 = arith.constant 0 : i32
      %get3A_1058 = tpu.memref_slice %arg8[%and3A_206, %get3A_1056, %get3A_1057] : memref<2x100x128xi32, #tpu.memory_space<vmem>> -> memref<1x100x128xi32, #tpu.memory_space<vmem>>
      %get3A_1059 = tpu.memref_squeeze %get3A_1058 : memref<1x100x128xi32, #tpu.memory_space<vmem>> -> memref<100x128xi32, #tpu.memory_space<vmem>>
      %get3A_1060 = arith.index_cast %get3A_1055 : i32 to index
      %get3A_1061 = arith.index_cast %mul3A_208 : i32 to index
      %get3A_1062 = tpu.vector_load %get3A_1059[%get3A_1060, %get3A_1061] {strides = array<i32>} : memref<100x128xi32, #tpu.memory_space<vmem>>, vector<16xi32>,
      %shift_left3A_1063 = arith.constant 4 : i32
      %shift_left3A_1064 = vector.broadcast %shift_left3A_1063 : i32 to vector<16xi32>
      %shift_left3A_1065 = arith.shli %get3A_1062, %shift_left3A_1064 : vector<16xi32>
      %add3A_1066 = arith.addi %shift_left3A_1065, %iota3A : vector<16xi32>
      %gather3A_1067 = tpu.vector_load_idx %arg10[%add3A_1066] : memref<16384xf32, #tpu.memory_space<vmem>>[vector<16xi32>], vector<16xf32>,
      %slice3A_1068 = vector.extract_strided_slice %get3A_142 {offsets = [15], sizes = [1], strides = [1]} : vector<16xf32> to vector<1xf32>
      %squeeze3A_1069 = vector.extract %slice3A_1068[0] : f32 from vector<1xf32>
      %mul3A_1070 = vector.broadcast %squeeze3A_1069 : f32 to vector<16xf32>
      %mul3A_1071 = arith.mulf %gather3A_1067, %mul3A_1070 : vector<16xf32>
      %add3A_1072 = arith.addf %add3A_1054, %mul3A_1071 : vector<16xf32>
      %get3A_1073 = arith.constant 48 : i32
      %get3A_1074 = arith.constant 0 : i32
      %get3A_1075 = arith.constant 0 : i32
      %get3A_1076 = tpu.memref_slice %arg8[%and3A_206, %get3A_1074, %get3A_1075] : memref<2x100x128xi32, #tpu.memory_space<vmem>> -> memref<1x100x128xi32, #tpu.memory_space<vmem>>
      %get3A_1077 = tpu.memref_squeeze %get3A_1076 : memref<1x100x128xi32, #tpu.memory_space<vmem>> -> memref<100x128xi32, #tpu.memory_space<vmem>>
      %get3A_1078 = arith.index_cast %get3A_1073 : i32 to index
      %get3A_1079 = arith.index_cast %mul3A_208 : i32 to index
      %get3A_1080 = tpu.vector_load %get3A_1077[%get3A_1078, %get3A_1079] {strides = array<i32>} : memref<100x128xi32, #tpu.memory_space<vmem>>, vector<16xi32>,
      %shift_left3A_1081 = arith.constant 4 : i32
      %shift_left3A_1082 = vector.broadcast %shift_left3A_1081 : i32 to vector<16xi32>
      %shift_left3A_1083 = arith.shli %get3A_1080, %shift_left3A_1082 : vector<16xi32>
      %add3A_1084 = arith.addi %shift_left3A_1083, %iota3A : vector<16xi32>
      %gather3A_1085 = tpu.vector_load_idx %arg10[%add3A_1084] : memref<16384xf32, #tpu.memory_space<vmem>>[vector<16xi32>], vector<16xf32>,
      %slice3A_1086 = vector.extract_strided_slice %get3A_144 {offsets = [0], sizes = [1], strides = [1]} : vector<16xf32> to vector<1xf32>
      %squeeze3A_1087 = vector.extract %slice3A_1086[0] : f32 from vector<1xf32>
      %mul3A_1088 = vector.broadcast %squeeze3A_1087 : f32 to vector<16xf32>
      %mul3A_1089 = arith.mulf %gather3A_1085, %mul3A_1088 : vector<16xf32>
      %add3A_1090 = arith.addf %add3A_1072, %mul3A_1089 : vector<16xf32>
      %get3A_1091 = arith.constant 49 : i32
      %get3A_1092 = arith.constant 0 : i32
      %get3A_1093 = arith.constant 0 : i32
      %get3A_1094 = tpu.memref_slice %arg8[%and3A_206, %get3A_1092, %get3A_1093] : memref<2x100x128xi32, #tpu.memory_space<vmem>> -> memref<1x100x128xi32, #tpu.memory_space<vmem>>
      %get3A_1095 = tpu.memref_squeeze %get3A_1094 : memref<1x100x128xi32, #tpu.memory_space<vmem>> -> memref<100x128xi32, #tpu.memory_space<vmem>>
      %get3A_1096 = arith.index_cast %get3A_1091 : i32 to index
      %get3A_1097 = arith.index_cast %mul3A_208 : i32 to index
      %get3A_1098 = tpu.vector_load %get3A_1095[%get3A_1096, %get3A_1097] {strides = array<i32>} : memref<100x128xi32, #tpu.memory_space<vmem>>, vector<16xi32>,
      %shift_left3A_1099 = arith.constant 4 : i32
      %shift_left3A_1100 = vector.broadcast %shift_left3A_1099 : i32 to vector<16xi32>
      %shift_left3A_1101 = arith.shli %get3A_1098, %shift_left3A_1100 : vector<16xi32>
      %add3A_1102 = arith.addi %shift_left3A_1101, %iota3A : vector<16xi32>
      %gather3A_1103 = tpu.vector_load_idx %arg10[%add3A_1102] : memref<16384xf32, #tpu.memory_space<vmem>>[vector<16xi32>], vector<16xf32>,
      %slice3A_1104 = vector.extract_strided_slice %get3A_144 {offsets = [1], sizes = [1], strides = [1]} : vector<16xf32> to vector<1xf32>
      %squeeze3A_1105 = vector.extract %slice3A_1104[0] : f32 from vector<1xf32>
      %mul3A_1106 = vector.broadcast %squeeze3A_1105 : f32 to vector<16xf32>
      %mul3A_1107 = arith.mulf %gather3A_1103, %mul3A_1106 : vector<16xf32>
      %add3A_1108 = arith.addf %add3A_1090, %mul3A_1107 : vector<16xf32>
      %get3A_1109 = arith.constant 50 : i32
      %get3A_1110 = arith.constant 0 : i32
      %get3A_1111 = arith.constant 0 : i32
      %get3A_1112 = tpu.memref_slice %arg8[%and3A_206, %get3A_1110, %get3A_1111] : memref<2x100x128xi32, #tpu.memory_space<vmem>> -> memref<1x100x128xi32, #tpu.memory_space<vmem>>
      %get3A_1113 = tpu.memref_squeeze %get3A_1112 : memref<1x100x128xi32, #tpu.memory_space<vmem>> -> memref<100x128xi32, #tpu.memory_space<vmem>>
      %get3A_1114 = arith.index_cast %get3A_1109 : i32 to index
      %get3A_1115 = arith.index_cast %mul3A_208 : i32 to index
      %get3A_1116 = tpu.vector_load %get3A_1113[%get3A_1114, %get3A_1115] {strides = array<i32>} : memref<100x128xi32, #tpu.memory_space<vmem>>, vector<16xi32>,
      %shift_left3A_1117 = arith.constant 4 : i32
      %shift_left3A_1118 = vector.broadcast %shift_left3A_1117 : i32 to vector<16xi32>
      %shift_left3A_1119 = arith.shli %get3A_1116, %shift_left3A_1118 : vector<16xi32>
      %add3A_1120 = arith.addi %shift_left3A_1119, %iota3A : vector<16xi32>
      %gather3A_1121 = tpu.vector_load_idx %arg10[%add3A_1120] : memref<16384xf32, #tpu.memory_space<vmem>>[vector<16xi32>], vector<16xf32>,
      %slice3A_1122 = vector.extract_strided_slice %get3A_144 {offsets = [2], sizes = [1], strides = [1]} : vector<16xf32> to vector<1xf32>
      %squeeze3A_1123 = vector.extract %slice3A_1122[0] : f32 from vector<1xf32>
      %mul3A_1124 = vector.broadcast %squeeze3A_1123 : f32 to vector<16xf32>
      %mul3A_1125 = arith.mulf %gather3A_1121, %mul3A_1124 : vector<16xf32>
      %add3A_1126 = arith.addf %add3A_1108, %mul3A_1125 : vector<16xf32>
      %get3A_1127 = arith.constant 51 : i32
      %get3A_1128 = arith.constant 0 : i32
      %get3A_1129 = arith.constant 0 : i32
      %get3A_1130 = tpu.memref_slice %arg8[%and3A_206, %get3A_1128, %get3A_1129] : memref<2x100x128xi32, #tpu.memory_space<vmem>> -> memref<1x100x128xi32, #tpu.memory_space<vmem>>
      %get3A_1131 = tpu.memref_squeeze %get3A_1130 : memref<1x100x128xi32, #tpu.memory_space<vmem>> -> memref<100x128xi32, #tpu.memory_space<vmem>>
      %get3A_1132 = arith.index_cast %get3A_1127 : i32 to index
      %get3A_1133 = arith.index_cast %mul3A_208 : i32 to index
      %get3A_1134 = tpu.vector_load %get3A_1131[%get3A_1132, %get3A_1133] {strides = array<i32>} : memref<100x128xi32, #tpu.memory_space<vmem>>, vector<16xi32>,
      %shift_left3A_1135 = arith.constant 4 : i32
      %shift_left3A_1136 = vector.broadcast %shift_left3A_1135 : i32 to vector<16xi32>
      %shift_left3A_1137 = arith.shli %get3A_1134, %shift_left3A_1136 : vector<16xi32>
      %add3A_1138 = arith.addi %shift_left3A_1137, %iota3A : vector<16xi32>
      %gather3A_1139 = tpu.vector_load_idx %arg10[%add3A_1138] : memref<16384xf32, #tpu.memory_space<vmem>>[vector<16xi32>], vector<16xf32>,
      %slice3A_1140 = vector.extract_strided_slice %get3A_144 {offsets = [3], sizes = [1], strides = [1]} : vector<16xf32> to vector<1xf32>
      %squeeze3A_1141 = vector.extract %slice3A_1140[0] : f32 from vector<1xf32>
      %mul3A_1142 = vector.broadcast %squeeze3A_1141 : f32 to vector<16xf32>
      %mul3A_1143 = arith.mulf %gather3A_1139, %mul3A_1142 : vector<16xf32>
      %add3A_1144 = arith.addf %add3A_1126, %mul3A_1143 : vector<16xf32>
      %get3A_1145 = arith.constant 52 : i32
      %get3A_1146 = arith.constant 0 : i32
      %get3A_1147 = arith.constant 0 : i32
      %get3A_1148 = tpu.memref_slice %arg8[%and3A_206, %get3A_1146, %get3A_1147] : memref<2x100x128xi32, #tpu.memory_space<vmem>> -> memref<1x100x128xi32, #tpu.memory_space<vmem>>
      %get3A_1149 = tpu.memref_squeeze %get3A_1148 : memref<1x100x128xi32, #tpu.memory_space<vmem>> -> memref<100x128xi32, #tpu.memory_space<vmem>>
      %get3A_1150 = arith.index_cast %get3A_1145 : i32 to index
      %get3A_1151 = arith.index_cast %mul3A_208 : i32 to index
      %get3A_1152 = tpu.vector_load %get3A_1149[%get3A_1150, %get3A_1151] {strides = array<i32>} : memref<100x128xi32, #tpu.memory_space<vmem>>, vector<16xi32>,
      %shift_left3A_1153 = arith.constant 4 : i32
      %shift_left3A_1154 = vector.broadcast %shift_left3A_1153 : i32 to vector<16xi32>
      %shift_left3A_1155 = arith.shli %get3A_1152, %shift_left3A_1154 : vector<16xi32>
      %add3A_1156 = arith.addi %shift_left3A_1155, %iota3A : vector<16xi32>
      %gather3A_1157 = tpu.vector_load_idx %arg10[%add3A_1156] : memref<16384xf32, #tpu.memory_space<vmem>>[vector<16xi32>], vector<16xf32>,
      %slice3A_1158 = vector.extract_strided_slice %get3A_144 {offsets = [4], sizes = [1], strides = [1]} : vector<16xf32> to vector<1xf32>
      %squeeze3A_1159 = vector.extract %slice3A_1158[0] : f32 from vector<1xf32>
      %mul3A_1160 = vector.broadcast %squeeze3A_1159 : f32 to vector<16xf32>
      %mul3A_1161 = arith.mulf %gather3A_1157, %mul3A_1160 : vector<16xf32>
      %add3A_1162 = arith.addf %add3A_1144, %mul3A_1161 : vector<16xf32>
      %get3A_1163 = arith.constant 53 : i32
      %get3A_1164 = arith.constant 0 : i32
      %get3A_1165 = arith.constant 0 : i32
      %get3A_1166 = tpu.memref_slice %arg8[%and3A_206, %get3A_1164, %get3A_1165] : memref<2x100x128xi32, #tpu.memory_space<vmem>> -> memref<1x100x128xi32, #tpu.memory_space<vmem>>
      %get3A_1167 = tpu.memref_squeeze %get3A_1166 : memref<1x100x128xi32, #tpu.memory_space<vmem>> -> memref<100x128xi32, #tpu.memory_space<vmem>>
      %get3A_1168 = arith.index_cast %get3A_1163 : i32 to index
      %get3A_1169 = arith.index_cast %mul3A_208 : i32 to index
      %get3A_1170 = tpu.vector_load %get3A_1167[%get3A_1168, %get3A_1169] {strides = array<i32>} : memref<100x128xi32, #tpu.memory_space<vmem>>, vector<16xi32>,
      %shift_left3A_1171 = arith.constant 4 : i32
      %shift_left3A_1172 = vector.broadcast %shift_left3A_1171 : i32 to vector<16xi32>
      %shift_left3A_1173 = arith.shli %get3A_1170, %shift_left3A_1172 : vector<16xi32>
      %add3A_1174 = arith.addi %shift_left3A_1173, %iota3A : vector<16xi32>
      %gather3A_1175 = tpu.vector_load_idx %arg10[%add3A_1174] : memref<16384xf32, #tpu.memory_space<vmem>>[vector<16xi32>], vector<16xf32>,
      %slice3A_1176 = vector.extract_strided_slice %get3A_144 {offsets = [5], sizes = [1], strides = [1]} : vector<16xf32> to vector<1xf32>
      %squeeze3A_1177 = vector.extract %slice3A_1176[0] : f32 from vector<1xf32>
      %mul3A_1178 = vector.broadcast %squeeze3A_1177 : f32 to vector<16xf32>
      %mul3A_1179 = arith.mulf %gather3A_1175, %mul3A_1178 : vector<16xf32>
      %add3A_1180 = arith.addf %add3A_1162, %mul3A_1179 : vector<16xf32>
      %get3A_1181 = arith.constant 54 : i32
      %get3A_1182 = arith.constant 0 : i32
      %get3A_1183 = arith.constant 0 : i32
      %get3A_1184 = tpu.memref_slice %arg8[%and3A_206, %get3A_1182, %get3A_1183] : memref<2x100x128xi32, #tpu.memory_space<vmem>> -> memref<1x100x128xi32, #tpu.memory_space<vmem>>
      %get3A_1185 = tpu.memref_squeeze %get3A_1184 : memref<1x100x128xi32, #tpu.memory_space<vmem>> -> memref<100x128xi32, #tpu.memory_space<vmem>>
      %get3A_1186 = arith.index_cast %get3A_1181 : i32 to index
      %get3A_1187 = arith.index_cast %mul3A_208 : i32 to index
      %get3A_1188 = tpu.vector_load %get3A_1185[%get3A_1186, %get3A_1187] {strides = array<i32>} : memref<100x128xi32, #tpu.memory_space<vmem>>, vector<16xi32>,
      %shift_left3A_1189 = arith.constant 4 : i32
      %shift_left3A_1190 = vector.broadcast %shift_left3A_1189 : i32 to vector<16xi32>
      %shift_left3A_1191 = arith.shli %get3A_1188, %shift_left3A_1190 : vector<16xi32>
      %add3A_1192 = arith.addi %shift_left3A_1191, %iota3A : vector<16xi32>
      %gather3A_1193 = tpu.vector_load_idx %arg10[%add3A_1192] : memref<16384xf32, #tpu.memory_space<vmem>>[vector<16xi32>], vector<16xf32>,
      %slice3A_1194 = vector.extract_strided_slice %get3A_144 {offsets = [6], sizes = [1], strides = [1]} : vector<16xf32> to vector<1xf32>
      %squeeze3A_1195 = vector.extract %slice3A_1194[0] : f32 from vector<1xf32>
      %mul3A_1196 = vector.broadcast %squeeze3A_1195 : f32 to vector<16xf32>
      %mul3A_1197 = arith.mulf %gather3A_1193, %mul3A_1196 : vector<16xf32>
      %add3A_1198 = arith.addf %add3A_1180, %mul3A_1197 : vector<16xf32>
      %get3A_1199 = arith.constant 55 : i32
      %get3A_1200 = arith.constant 0 : i32
      %get3A_1201 = arith.constant 0 : i32
      %get3A_1202 = tpu.memref_slice %arg8[%and3A_206, %get3A_1200, %get3A_1201] : memref<2x100x128xi32, #tpu.memory_space<vmem>> -> memref<1x100x128xi32, #tpu.memory_space<vmem>>
      %get3A_1203 = tpu.memref_squeeze %get3A_1202 : memref<1x100x128xi32, #tpu.memory_space<vmem>> -> memref<100x128xi32, #tpu.memory_space<vmem>>
      %get3A_1204 = arith.index_cast %get3A_1199 : i32 to index
      %get3A_1205 = arith.index_cast %mul3A_208 : i32 to index
      %get3A_1206 = tpu.vector_load %get3A_1203[%get3A_1204, %get3A_1205] {strides = array<i32>} : memref<100x128xi32, #tpu.memory_space<vmem>>, vector<16xi32>,
      %shift_left3A_1207 = arith.constant 4 : i32
      %shift_left3A_1208 = vector.broadcast %shift_left3A_1207 : i32 to vector<16xi32>
      %shift_left3A_1209 = arith.shli %get3A_1206, %shift_left3A_1208 : vector<16xi32>
      %add3A_1210 = arith.addi %shift_left3A_1209, %iota3A : vector<16xi32>
      %gather3A_1211 = tpu.vector_load_idx %arg10[%add3A_1210] : memref<16384xf32, #tpu.memory_space<vmem>>[vector<16xi32>], vector<16xf32>,
      %slice3A_1212 = vector.extract_strided_slice %get3A_144 {offsets = [7], sizes = [1], strides = [1]} : vector<16xf32> to vector<1xf32>
      %squeeze3A_1213 = vector.extract %slice3A_1212[0] : f32 from vector<1xf32>
      %mul3A_1214 = vector.broadcast %squeeze3A_1213 : f32 to vector<16xf32>
      %mul3A_1215 = arith.mulf %gather3A_1211, %mul3A_1214 : vector<16xf32>
      %add3A_1216 = arith.addf %add3A_1198, %mul3A_1215 : vector<16xf32>
      %get3A_1217 = arith.constant 56 : i32
      %get3A_1218 = arith.constant 0 : i32
      %get3A_1219 = arith.constant 0 : i32
      %get3A_1220 = tpu.memref_slice %arg8[%and3A_206, %get3A_1218, %get3A_1219] : memref<2x100x128xi32, #tpu.memory_space<vmem>> -> memref<1x100x128xi32, #tpu.memory_space<vmem>>
      %get3A_1221 = tpu.memref_squeeze %get3A_1220 : memref<1x100x128xi32, #tpu.memory_space<vmem>> -> memref<100x128xi32, #tpu.memory_space<vmem>>
      %get3A_1222 = arith.index_cast %get3A_1217 : i32 to index
      %get3A_1223 = arith.index_cast %mul3A_208 : i32 to index
      %get3A_1224 = tpu.vector_load %get3A_1221[%get3A_1222, %get3A_1223] {strides = array<i32>} : memref<100x128xi32, #tpu.memory_space<vmem>>, vector<16xi32>,
      %shift_left3A_1225 = arith.constant 4 : i32
      %shift_left3A_1226 = vector.broadcast %shift_left3A_1225 : i32 to vector<16xi32>
      %shift_left3A_1227 = arith.shli %get3A_1224, %shift_left3A_1226 : vector<16xi32>
      %add3A_1228 = arith.addi %shift_left3A_1227, %iota3A : vector<16xi32>
      %gather3A_1229 = tpu.vector_load_idx %arg10[%add3A_1228] : memref<16384xf32, #tpu.memory_space<vmem>>[vector<16xi32>], vector<16xf32>,
      %slice3A_1230 = vector.extract_strided_slice %get3A_144 {offsets = [8], sizes = [1], strides = [1]} : vector<16xf32> to vector<1xf32>
      %squeeze3A_1231 = vector.extract %slice3A_1230[0] : f32 from vector<1xf32>
      %mul3A_1232 = vector.broadcast %squeeze3A_1231 : f32 to vector<16xf32>
      %mul3A_1233 = arith.mulf %gather3A_1229, %mul3A_1232 : vector<16xf32>
      %add3A_1234 = arith.addf %add3A_1216, %mul3A_1233 : vector<16xf32>
      %get3A_1235 = arith.constant 57 : i32
      %get3A_1236 = arith.constant 0 : i32
      %get3A_1237 = arith.constant 0 : i32
      %get3A_1238 = tpu.memref_slice %arg8[%and3A_206, %get3A_1236, %get3A_1237] : memref<2x100x128xi32, #tpu.memory_space<vmem>> -> memref<1x100x128xi32, #tpu.memory_space<vmem>>
      %get3A_1239 = tpu.memref_squeeze %get3A_1238 : memref<1x100x128xi32, #tpu.memory_space<vmem>> -> memref<100x128xi32, #tpu.memory_space<vmem>>
      %get3A_1240 = arith.index_cast %get3A_1235 : i32 to index
      %get3A_1241 = arith.index_cast %mul3A_208 : i32 to index
      %get3A_1242 = tpu.vector_load %get3A_1239[%get3A_1240, %get3A_1241] {strides = array<i32>} : memref<100x128xi32, #tpu.memory_space<vmem>>, vector<16xi32>,
      %shift_left3A_1243 = arith.constant 4 : i32
      %shift_left3A_1244 = vector.broadcast %shift_left3A_1243 : i32 to vector<16xi32>
      %shift_left3A_1245 = arith.shli %get3A_1242, %shift_left3A_1244 : vector<16xi32>
      %add3A_1246 = arith.addi %shift_left3A_1245, %iota3A : vector<16xi32>
      %gather3A_1247 = tpu.vector_load_idx %arg10[%add3A_1246] : memref<16384xf32, #tpu.memory_space<vmem>>[vector<16xi32>], vector<16xf32>,
      %slice3A_1248 = vector.extract_strided_slice %get3A_144 {offsets = [9], sizes = [1], strides = [1]} : vector<16xf32> to vector<1xf32>
      %squeeze3A_1249 = vector.extract %slice3A_1248[0] : f32 from vector<1xf32>
      %mul3A_1250 = vector.broadcast %squeeze3A_1249 : f32 to vector<16xf32>
      %mul3A_1251 = arith.mulf %gather3A_1247, %mul3A_1250 : vector<16xf32>
      %add3A_1252 = arith.addf %add3A_1234, %mul3A_1251 : vector<16xf32>
      %get3A_1253 = arith.constant 58 : i32
      %get3A_1254 = arith.constant 0 : i32
      %get3A_1255 = arith.constant 0 : i32
      %get3A_1256 = tpu.memref_slice %arg8[%and3A_206, %get3A_1254, %get3A_1255] : memref<2x100x128xi32, #tpu.memory_space<vmem>> -> memref<1x100x128xi32, #tpu.memory_space<vmem>>
      %get3A_1257 = tpu.memref_squeeze %get3A_1256 : memref<1x100x128xi32, #tpu.memory_space<vmem>> -> memref<100x128xi32, #tpu.memory_space<vmem>>
      %get3A_1258 = arith.index_cast %get3A_1253 : i32 to index
      %get3A_1259 = arith.index_cast %mul3A_208 : i32 to index
      %get3A_1260 = tpu.vector_load %get3A_1257[%get3A_1258, %get3A_1259] {strides = array<i32>} : memref<100x128xi32, #tpu.memory_space<vmem>>, vector<16xi32>,
      %shift_left3A_1261 = arith.constant 4 : i32
      %shift_left3A_1262 = vector.broadcast %shift_left3A_1261 : i32 to vector<16xi32>
      %shift_left3A_1263 = arith.shli %get3A_1260, %shift_left3A_1262 : vector<16xi32>
      %add3A_1264 = arith.addi %shift_left3A_1263, %iota3A : vector<16xi32>
      %gather3A_1265 = tpu.vector_load_idx %arg10[%add3A_1264] : memref<16384xf32, #tpu.memory_space<vmem>>[vector<16xi32>], vector<16xf32>,
      %slice3A_1266 = vector.extract_strided_slice %get3A_144 {offsets = [10], sizes = [1], strides = [1]} : vector<16xf32> to vector<1xf32>
      %squeeze3A_1267 = vector.extract %slice3A_1266[0] : f32 from vector<1xf32>
      %mul3A_1268 = vector.broadcast %squeeze3A_1267 : f32 to vector<16xf32>
      %mul3A_1269 = arith.mulf %gather3A_1265, %mul3A_1268 : vector<16xf32>
      %add3A_1270 = arith.addf %add3A_1252, %mul3A_1269 : vector<16xf32>
      %get3A_1271 = arith.constant 59 : i32
      %get3A_1272 = arith.constant 0 : i32
      %get3A_1273 = arith.constant 0 : i32
      %get3A_1274 = tpu.memref_slice %arg8[%and3A_206, %get3A_1272, %get3A_1273] : memref<2x100x128xi32, #tpu.memory_space<vmem>> -> memref<1x100x128xi32, #tpu.memory_space<vmem>>
      %get3A_1275 = tpu.memref_squeeze %get3A_1274 : memref<1x100x128xi32, #tpu.memory_space<vmem>> -> memref<100x128xi32, #tpu.memory_space<vmem>>
      %get3A_1276 = arith.index_cast %get3A_1271 : i32 to index
      %get3A_1277 = arith.index_cast %mul3A_208 : i32 to index
      %get3A_1278 = tpu.vector_load %get3A_1275[%get3A_1276, %get3A_1277] {strides = array<i32>} : memref<100x128xi32, #tpu.memory_space<vmem>>, vector<16xi32>,
      %shift_left3A_1279 = arith.constant 4 : i32
      %shift_left3A_1280 = vector.broadcast %shift_left3A_1279 : i32 to vector<16xi32>
      %shift_left3A_1281 = arith.shli %get3A_1278, %shift_left3A_1280 : vector<16xi32>
      %add3A_1282 = arith.addi %shift_left3A_1281, %iota3A : vector<16xi32>
      %gather3A_1283 = tpu.vector_load_idx %arg10[%add3A_1282] : memref<16384xf32, #tpu.memory_space<vmem>>[vector<16xi32>], vector<16xf32>,
      %slice3A_1284 = vector.extract_strided_slice %get3A_144 {offsets = [11], sizes = [1], strides = [1]} : vector<16xf32> to vector<1xf32>
      %squeeze3A_1285 = vector.extract %slice3A_1284[0] : f32 from vector<1xf32>
      %mul3A_1286 = vector.broadcast %squeeze3A_1285 : f32 to vector<16xf32>
      %mul3A_1287 = arith.mulf %gather3A_1283, %mul3A_1286 : vector<16xf32>
      %add3A_1288 = arith.addf %add3A_1270, %mul3A_1287 : vector<16xf32>
      %get3A_1289 = arith.constant 60 : i32
      %get3A_1290 = arith.constant 0 : i32
      %get3A_1291 = arith.constant 0 : i32
      %get3A_1292 = tpu.memref_slice %arg8[%and3A_206, %get3A_1290, %get3A_1291] : memref<2x100x128xi32, #tpu.memory_space<vmem>> -> memref<1x100x128xi32, #tpu.memory_space<vmem>>
      %get3A_1293 = tpu.memref_squeeze %get3A_1292 : memref<1x100x128xi32, #tpu.memory_space<vmem>> -> memref<100x128xi32, #tpu.memory_space<vmem>>
      %get3A_1294 = arith.index_cast %get3A_1289 : i32 to index
      %get3A_1295 = arith.index_cast %mul3A_208 : i32 to index
      %get3A_1296 = tpu.vector_load %get3A_1293[%get3A_1294, %get3A_1295] {strides = array<i32>} : memref<100x128xi32, #tpu.memory_space<vmem>>, vector<16xi32>,
      %shift_left3A_1297 = arith.constant 4 : i32
      %shift_left3A_1298 = vector.broadcast %shift_left3A_1297 : i32 to vector<16xi32>
      %shift_left3A_1299 = arith.shli %get3A_1296, %shift_left3A_1298 : vector<16xi32>
      %add3A_1300 = arith.addi %shift_left3A_1299, %iota3A : vector<16xi32>
      %gather3A_1301 = tpu.vector_load_idx %arg10[%add3A_1300] : memref<16384xf32, #tpu.memory_space<vmem>>[vector<16xi32>], vector<16xf32>,
      %slice3A_1302 = vector.extract_strided_slice %get3A_144 {offsets = [12], sizes = [1], strides = [1]} : vector<16xf32> to vector<1xf32>
      %squeeze3A_1303 = vector.extract %slice3A_1302[0] : f32 from vector<1xf32>
      %mul3A_1304 = vector.broadcast %squeeze3A_1303 : f32 to vector<16xf32>
      %mul3A_1305 = arith.mulf %gather3A_1301, %mul3A_1304 : vector<16xf32>
      %add3A_1306 = arith.addf %add3A_1288, %mul3A_1305 : vector<16xf32>
      %get3A_1307 = arith.constant 61 : i32
      %get3A_1308 = arith.constant 0 : i32
      %get3A_1309 = arith.constant 0 : i32
      %get3A_1310 = tpu.memref_slice %arg8[%and3A_206, %get3A_1308, %get3A_1309] : memref<2x100x128xi32, #tpu.memory_space<vmem>> -> memref<1x100x128xi32, #tpu.memory_space<vmem>>
      %get3A_1311 = tpu.memref_squeeze %get3A_1310 : memref<1x100x128xi32, #tpu.memory_space<vmem>> -> memref<100x128xi32, #tpu.memory_space<vmem>>
      %get3A_1312 = arith.index_cast %get3A_1307 : i32 to index
      %get3A_1313 = arith.index_cast %mul3A_208 : i32 to index
      %get3A_1314 = tpu.vector_load %get3A_1311[%get3A_1312, %get3A_1313] {strides = array<i32>} : memref<100x128xi32, #tpu.memory_space<vmem>>, vector<16xi32>,
      %shift_left3A_1315 = arith.constant 4 : i32
      %shift_left3A_1316 = vector.broadcast %shift_left3A_1315 : i32 to vector<16xi32>
      %shift_left3A_1317 = arith.shli %get3A_1314, %shift_left3A_1316 : vector<16xi32>
      %add3A_1318 = arith.addi %shift_left3A_1317, %iota3A : vector<16xi32>
      %gather3A_1319 = tpu.vector_load_idx %arg10[%add3A_1318] : memref<16384xf32, #tpu.memory_space<vmem>>[vector<16xi32>], vector<16xf32>,
      %slice3A_1320 = vector.extract_strided_slice %get3A_144 {offsets = [13], sizes = [1], strides = [1]} : vector<16xf32> to vector<1xf32>
      %squeeze3A_1321 = vector.extract %slice3A_1320[0] : f32 from vector<1xf32>
      %mul3A_1322 = vector.broadcast %squeeze3A_1321 : f32 to vector<16xf32>
      %mul3A_1323 = arith.mulf %gather3A_1319, %mul3A_1322 : vector<16xf32>
      %add3A_1324 = arith.addf %add3A_1306, %mul3A_1323 : vector<16xf32>
      %get3A_1325 = arith.constant 62 : i32
      %get3A_1326 = arith.constant 0 : i32
      %get3A_1327 = arith.constant 0 : i32
      %get3A_1328 = tpu.memref_slice %arg8[%and3A_206, %get3A_1326, %get3A_1327] : memref<2x100x128xi32, #tpu.memory_space<vmem>> -> memref<1x100x128xi32, #tpu.memory_space<vmem>>
      %get3A_1329 = tpu.memref_squeeze %get3A_1328 : memref<1x100x128xi32, #tpu.memory_space<vmem>> -> memref<100x128xi32, #tpu.memory_space<vmem>>
      %get3A_1330 = arith.index_cast %get3A_1325 : i32 to index
      %get3A_1331 = arith.index_cast %mul3A_208 : i32 to index
      %get3A_1332 = tpu.vector_load %get3A_1329[%get3A_1330, %get3A_1331] {strides = array<i32>} : memref<100x128xi32, #tpu.memory_space<vmem>>, vector<16xi32>,
      %shift_left3A_1333 = arith.constant 4 : i32
      %shift_left3A_1334 = vector.broadcast %shift_left3A_1333 : i32 to vector<16xi32>
      %shift_left3A_1335 = arith.shli %get3A_1332, %shift_left3A_1334 : vector<16xi32>
      %add3A_1336 = arith.addi %shift_left3A_1335, %iota3A : vector<16xi32>
      %gather3A_1337 = tpu.vector_load_idx %arg10[%add3A_1336] : memref<16384xf32, #tpu.memory_space<vmem>>[vector<16xi32>], vector<16xf32>,
      %slice3A_1338 = vector.extract_strided_slice %get3A_144 {offsets = [14], sizes = [1], strides = [1]} : vector<16xf32> to vector<1xf32>
      %squeeze3A_1339 = vector.extract %slice3A_1338[0] : f32 from vector<1xf32>
      %mul3A_1340 = vector.broadcast %squeeze3A_1339 : f32 to vector<16xf32>
      %mul3A_1341 = arith.mulf %gather3A_1337, %mul3A_1340 : vector<16xf32>
      %add3A_1342 = arith.addf %add3A_1324, %mul3A_1341 : vector<16xf32>
      %get3A_1343 = arith.constant 63 : i32
      %get3A_1344 = arith.constant 0 : i32
      %get3A_1345 = arith.constant 0 : i32
      %get3A_1346 = tpu.memref_slice %arg8[%and3A_206, %get3A_1344, %get3A_1345] : memref<2x100x128xi32, #tpu.memory_space<vmem>> -> memref<1x100x128xi32, #tpu.memory_space<vmem>>
      %get3A_1347 = tpu.memref_squeeze %get3A_1346 : memref<1x100x128xi32, #tpu.memory_space<vmem>> -> memref<100x128xi32, #tpu.memory_space<vmem>>
      %get3A_1348 = arith.index_cast %get3A_1343 : i32 to index
      %get3A_1349 = arith.index_cast %mul3A_208 : i32 to index
      %get3A_1350 = tpu.vector_load %get3A_1347[%get3A_1348, %get3A_1349] {strides = array<i32>} : memref<100x128xi32, #tpu.memory_space<vmem>>, vector<16xi32>,
      %shift_left3A_1351 = arith.constant 4 : i32
      %shift_left3A_1352 = vector.broadcast %shift_left3A_1351 : i32 to vector<16xi32>
      %shift_left3A_1353 = arith.shli %get3A_1350, %shift_left3A_1352 : vector<16xi32>
      %add3A_1354 = arith.addi %shift_left3A_1353, %iota3A : vector<16xi32>
      %gather3A_1355 = tpu.vector_load_idx %arg10[%add3A_1354] : memref<16384xf32, #tpu.memory_space<vmem>>[vector<16xi32>], vector<16xf32>,
      %slice3A_1356 = vector.extract_strided_slice %get3A_144 {offsets = [15], sizes = [1], strides = [1]} : vector<16xf32> to vector<1xf32>
      %squeeze3A_1357 = vector.extract %slice3A_1356[0] : f32 from vector<1xf32>
      %mul3A_1358 = vector.broadcast %squeeze3A_1357 : f32 to vector<16xf32>
      %mul3A_1359 = arith.mulf %gather3A_1355, %mul3A_1358 : vector<16xf32>
      %add3A_1360 = arith.addf %add3A_1342, %mul3A_1359 : vector<16xf32>
      %get3A_1361 = arith.constant 64 : i32
      %get3A_1362 = arith.constant 0 : i32
      %get3A_1363 = arith.constant 0 : i32
      %get3A_1364 = tpu.memref_slice %arg8[%and3A_206, %get3A_1362, %get3A_1363] : memref<2x100x128xi32, #tpu.memory_space<vmem>> -> memref<1x100x128xi32, #tpu.memory_space<vmem>>
      %get3A_1365 = tpu.memref_squeeze %get3A_1364 : memref<1x100x128xi32, #tpu.memory_space<vmem>> -> memref<100x128xi32, #tpu.memory_space<vmem>>
      %get3A_1366 = arith.index_cast %get3A_1361 : i32 to index
      %get3A_1367 = arith.index_cast %mul3A_208 : i32 to index
      %get3A_1368 = tpu.vector_load %get3A_1365[%get3A_1366, %get3A_1367] {strides = array<i32>} : memref<100x128xi32, #tpu.memory_space<vmem>>, vector<16xi32>,
      %shift_left3A_1369 = arith.constant 4 : i32
      %shift_left3A_1370 = vector.broadcast %shift_left3A_1369 : i32 to vector<16xi32>
      %shift_left3A_1371 = arith.shli %get3A_1368, %shift_left3A_1370 : vector<16xi32>
      %add3A_1372 = arith.addi %shift_left3A_1371, %iota3A : vector<16xi32>
      %gather3A_1373 = tpu.vector_load_idx %arg10[%add3A_1372] : memref<16384xf32, #tpu.memory_space<vmem>>[vector<16xi32>], vector<16xf32>,
      %slice3A_1374 = vector.extract_strided_slice %get3A_146 {offsets = [0], sizes = [1], strides = [1]} : vector<16xf32> to vector<1xf32>
      %squeeze3A_1375 = vector.extract %slice3A_1374[0] : f32 from vector<1xf32>
      %mul3A_1376 = vector.broadcast %squeeze3A_1375 : f32 to vector<16xf32>
      %mul3A_1377 = arith.mulf %gather3A_1373, %mul3A_1376 : vector<16xf32>
      %add3A_1378 = arith.addf %add3A_1360, %mul3A_1377 : vector<16xf32>
      %get3A_1379 = arith.constant 65 : i32
      %get3A_1380 = arith.constant 0 : i32
      %get3A_1381 = arith.constant 0 : i32
      %get3A_1382 = tpu.memref_slice %arg8[%and3A_206, %get3A_1380, %get3A_1381] : memref<2x100x128xi32, #tpu.memory_space<vmem>> -> memref<1x100x128xi32, #tpu.memory_space<vmem>>
      %get3A_1383 = tpu.memref_squeeze %get3A_1382 : memref<1x100x128xi32, #tpu.memory_space<vmem>> -> memref<100x128xi32, #tpu.memory_space<vmem>>
      %get3A_1384 = arith.index_cast %get3A_1379 : i32 to index
      %get3A_1385 = arith.index_cast %mul3A_208 : i32 to index
      %get3A_1386 = tpu.vector_load %get3A_1383[%get3A_1384, %get3A_1385] {strides = array<i32>} : memref<100x128xi32, #tpu.memory_space<vmem>>, vector<16xi32>,
      %shift_left3A_1387 = arith.constant 4 : i32
      %shift_left3A_1388 = vector.broadcast %shift_left3A_1387 : i32 to vector<16xi32>
      %shift_left3A_1389 = arith.shli %get3A_1386, %shift_left3A_1388 : vector<16xi32>
      %add3A_1390 = arith.addi %shift_left3A_1389, %iota3A : vector<16xi32>
      %gather3A_1391 = tpu.vector_load_idx %arg10[%add3A_1390] : memref<16384xf32, #tpu.memory_space<vmem>>[vector<16xi32>], vector<16xf32>,
      %slice3A_1392 = vector.extract_strided_slice %get3A_146 {offsets = [1], sizes = [1], strides = [1]} : vector<16xf32> to vector<1xf32>
      %squeeze3A_1393 = vector.extract %slice3A_1392[0] : f32 from vector<1xf32>
      %mul3A_1394 = vector.broadcast %squeeze3A_1393 : f32 to vector<16xf32>
      %mul3A_1395 = arith.mulf %gather3A_1391, %mul3A_1394 : vector<16xf32>
      %add3A_1396 = arith.addf %add3A_1378, %mul3A_1395 : vector<16xf32>
      %get3A_1397 = arith.constant 66 : i32
      %get3A_1398 = arith.constant 0 : i32
      %get3A_1399 = arith.constant 0 : i32
      %get3A_1400 = tpu.memref_slice %arg8[%and3A_206, %get3A_1398, %get3A_1399] : memref<2x100x128xi32, #tpu.memory_space<vmem>> -> memref<1x100x128xi32, #tpu.memory_space<vmem>>
      %get3A_1401 = tpu.memref_squeeze %get3A_1400 : memref<1x100x128xi32, #tpu.memory_space<vmem>> -> memref<100x128xi32, #tpu.memory_space<vmem>>
      %get3A_1402 = arith.index_cast %get3A_1397 : i32 to index
      %get3A_1403 = arith.index_cast %mul3A_208 : i32 to index
      %get3A_1404 = tpu.vector_load %get3A_1401[%get3A_1402, %get3A_1403] {strides = array<i32>} : memref<100x128xi32, #tpu.memory_space<vmem>>, vector<16xi32>,
      %shift_left3A_1405 = arith.constant 4 : i32
      %shift_left3A_1406 = vector.broadcast %shift_left3A_1405 : i32 to vector<16xi32>
      %shift_left3A_1407 = arith.shli %get3A_1404, %shift_left3A_1406 : vector<16xi32>
      %add3A_1408 = arith.addi %shift_left3A_1407, %iota3A : vector<16xi32>
      %gather3A_1409 = tpu.vector_load_idx %arg10[%add3A_1408] : memref<16384xf32, #tpu.memory_space<vmem>>[vector<16xi32>], vector<16xf32>,
      %slice3A_1410 = vector.extract_strided_slice %get3A_146 {offsets = [2], sizes = [1], strides = [1]} : vector<16xf32> to vector<1xf32>
      %squeeze3A_1411 = vector.extract %slice3A_1410[0] : f32 from vector<1xf32>
      %mul3A_1412 = vector.broadcast %squeeze3A_1411 : f32 to vector<16xf32>
      %mul3A_1413 = arith.mulf %gather3A_1409, %mul3A_1412 : vector<16xf32>
      %add3A_1414 = arith.addf %add3A_1396, %mul3A_1413 : vector<16xf32>
      %get3A_1415 = arith.constant 67 : i32
      %get3A_1416 = arith.constant 0 : i32
      %get3A_1417 = arith.constant 0 : i32
      %get3A_1418 = tpu.memref_slice %arg8[%and3A_206, %get3A_1416, %get3A_1417] : memref<2x100x128xi32, #tpu.memory_space<vmem>> -> memref<1x100x128xi32, #tpu.memory_space<vmem>>
      %get3A_1419 = tpu.memref_squeeze %get3A_1418 : memref<1x100x128xi32, #tpu.memory_space<vmem>> -> memref<100x128xi32, #tpu.memory_space<vmem>>
      %get3A_1420 = arith.index_cast %get3A_1415 : i32 to index
      %get3A_1421 = arith.index_cast %mul3A_208 : i32 to index
      %get3A_1422 = tpu.vector_load %get3A_1419[%get3A_1420, %get3A_1421] {strides = array<i32>} : memref<100x128xi32, #tpu.memory_space<vmem>>, vector<16xi32>,
      %shift_left3A_1423 = arith.constant 4 : i32
      %shift_left3A_1424 = vector.broadcast %shift_left3A_1423 : i32 to vector<16xi32>
      %shift_left3A_1425 = arith.shli %get3A_1422, %shift_left3A_1424 : vector<16xi32>
      %add3A_1426 = arith.addi %shift_left3A_1425, %iota3A : vector<16xi32>
      %gather3A_1427 = tpu.vector_load_idx %arg10[%add3A_1426] : memref<16384xf32, #tpu.memory_space<vmem>>[vector<16xi32>], vector<16xf32>,
      %slice3A_1428 = vector.extract_strided_slice %get3A_146 {offsets = [3], sizes = [1], strides = [1]} : vector<16xf32> to vector<1xf32>
      %squeeze3A_1429 = vector.extract %slice3A_1428[0] : f32 from vector<1xf32>
      %mul3A_1430 = vector.broadcast %squeeze3A_1429 : f32 to vector<16xf32>
      %mul3A_1431 = arith.mulf %gather3A_1427, %mul3A_1430 : vector<16xf32>
      %add3A_1432 = arith.addf %add3A_1414, %mul3A_1431 : vector<16xf32>
      %get3A_1433 = arith.constant 68 : i32
      %get3A_1434 = arith.constant 0 : i32
      %get3A_1435 = arith.constant 0 : i32
      %get3A_1436 = tpu.memref_slice %arg8[%and3A_206, %get3A_1434, %get3A_1435] : memref<2x100x128xi32, #tpu.memory_space<vmem>> -> memref<1x100x128xi32, #tpu.memory_space<vmem>>
      %get3A_1437 = tpu.memref_squeeze %get3A_1436 : memref<1x100x128xi32, #tpu.memory_space<vmem>> -> memref<100x128xi32, #tpu.memory_space<vmem>>
      %get3A_1438 = arith.index_cast %get3A_1433 : i32 to index
      %get3A_1439 = arith.index_cast %mul3A_208 : i32 to index
      %get3A_1440 = tpu.vector_load %get3A_1437[%get3A_1438, %get3A_1439] {strides = array<i32>} : memref<100x128xi32, #tpu.memory_space<vmem>>, vector<16xi32>,
      %shift_left3A_1441 = arith.constant 4 : i32
      %shift_left3A_1442 = vector.broadcast %shift_left3A_1441 : i32 to vector<16xi32>
      %shift_left3A_1443 = arith.shli %get3A_1440, %shift_left3A_1442 : vector<16xi32>
      %add3A_1444 = arith.addi %shift_left3A_1443, %iota3A : vector<16xi32>
      %gather3A_1445 = tpu.vector_load_idx %arg10[%add3A_1444] : memref<16384xf32, #tpu.memory_space<vmem>>[vector<16xi32>], vector<16xf32>,
      %slice3A_1446 = vector.extract_strided_slice %get3A_146 {offsets = [4], sizes = [1], strides = [1]} : vector<16xf32> to vector<1xf32>
      %squeeze3A_1447 = vector.extract %slice3A_1446[0] : f32 from vector<1xf32>
      %mul3A_1448 = vector.broadcast %squeeze3A_1447 : f32 to vector<16xf32>
      %mul3A_1449 = arith.mulf %gather3A_1445, %mul3A_1448 : vector<16xf32>
      %add3A_1450 = arith.addf %add3A_1432, %mul3A_1449 : vector<16xf32>
      %get3A_1451 = arith.constant 69 : i32
      %get3A_1452 = arith.constant 0 : i32
      %get3A_1453 = arith.constant 0 : i32
      %get3A_1454 = tpu.memref_slice %arg8[%and3A_206, %get3A_1452, %get3A_1453] : memref<2x100x128xi32, #tpu.memory_space<vmem>> -> memref<1x100x128xi32, #tpu.memory_space<vmem>>
      %get3A_1455 = tpu.memref_squeeze %get3A_1454 : memref<1x100x128xi32, #tpu.memory_space<vmem>> -> memref<100x128xi32, #tpu.memory_space<vmem>>
      %get3A_1456 = arith.index_cast %get3A_1451 : i32 to index
      %get3A_1457 = arith.index_cast %mul3A_208 : i32 to index
      %get3A_1458 = tpu.vector_load %get3A_1455[%get3A_1456, %get3A_1457] {strides = array<i32>} : memref<100x128xi32, #tpu.memory_space<vmem>>, vector<16xi32>,
      %shift_left3A_1459 = arith.constant 4 : i32
      %shift_left3A_1460 = vector.broadcast %shift_left3A_1459 : i32 to vector<16xi32>
      %shift_left3A_1461 = arith.shli %get3A_1458, %shift_left3A_1460 : vector<16xi32>
      %add3A_1462 = arith.addi %shift_left3A_1461, %iota3A : vector<16xi32>
      %gather3A_1463 = tpu.vector_load_idx %arg10[%add3A_1462] : memref<16384xf32, #tpu.memory_space<vmem>>[vector<16xi32>], vector<16xf32>,
      %slice3A_1464 = vector.extract_strided_slice %get3A_146 {offsets = [5], sizes = [1], strides = [1]} : vector<16xf32> to vector<1xf32>
      %squeeze3A_1465 = vector.extract %slice3A_1464[0] : f32 from vector<1xf32>
      %mul3A_1466 = vector.broadcast %squeeze3A_1465 : f32 to vector<16xf32>
      %mul3A_1467 = arith.mulf %gather3A_1463, %mul3A_1466 : vector<16xf32>
      %add3A_1468 = arith.addf %add3A_1450, %mul3A_1467 : vector<16xf32>
      %get3A_1469 = arith.constant 70 : i32
      %get3A_1470 = arith.constant 0 : i32
      %get3A_1471 = arith.constant 0 : i32
      %get3A_1472 = tpu.memref_slice %arg8[%and3A_206, %get3A_1470, %get3A_1471] : memref<2x100x128xi32, #tpu.memory_space<vmem>> -> memref<1x100x128xi32, #tpu.memory_space<vmem>>
      %get3A_1473 = tpu.memref_squeeze %get3A_1472 : memref<1x100x128xi32, #tpu.memory_space<vmem>> -> memref<100x128xi32, #tpu.memory_space<vmem>>
      %get3A_1474 = arith.index_cast %get3A_1469 : i32 to index
      %get3A_1475 = arith.index_cast %mul3A_208 : i32 to index
      %get3A_1476 = tpu.vector_load %get3A_1473[%get3A_1474, %get3A_1475] {strides = array<i32>} : memref<100x128xi32, #tpu.memory_space<vmem>>, vector<16xi32>,
      %shift_left3A_1477 = arith.constant 4 : i32
      %shift_left3A_1478 = vector.broadcast %shift_left3A_1477 : i32 to vector<16xi32>
      %shift_left3A_1479 = arith.shli %get3A_1476, %shift_left3A_1478 : vector<16xi32>
      %add3A_1480 = arith.addi %shift_left3A_1479, %iota3A : vector<16xi32>
      %gather3A_1481 = tpu.vector_load_idx %arg10[%add3A_1480] : memref<16384xf32, #tpu.memory_space<vmem>>[vector<16xi32>], vector<16xf32>,
      %slice3A_1482 = vector.extract_strided_slice %get3A_146 {offsets = [6], sizes = [1], strides = [1]} : vector<16xf32> to vector<1xf32>
      %squeeze3A_1483 = vector.extract %slice3A_1482[0] : f32 from vector<1xf32>
      %mul3A_1484 = vector.broadcast %squeeze3A_1483 : f32 to vector<16xf32>
      %mul3A_1485 = arith.mulf %gather3A_1481, %mul3A_1484 : vector<16xf32>
      %add3A_1486 = arith.addf %add3A_1468, %mul3A_1485 : vector<16xf32>
      %get3A_1487 = arith.constant 71 : i32
      %get3A_1488 = arith.constant 0 : i32
      %get3A_1489 = arith.constant 0 : i32
      %get3A_1490 = tpu.memref_slice %arg8[%and3A_206, %get3A_1488, %get3A_1489] : memref<2x100x128xi32, #tpu.memory_space<vmem>> -> memref<1x100x128xi32, #tpu.memory_space<vmem>>
      %get3A_1491 = tpu.memref_squeeze %get3A_1490 : memref<1x100x128xi32, #tpu.memory_space<vmem>> -> memref<100x128xi32, #tpu.memory_space<vmem>>
      %get3A_1492 = arith.index_cast %get3A_1487 : i32 to index
      %get3A_1493 = arith.index_cast %mul3A_208 : i32 to index
      %get3A_1494 = tpu.vector_load %get3A_1491[%get3A_1492, %get3A_1493] {strides = array<i32>} : memref<100x128xi32, #tpu.memory_space<vmem>>, vector<16xi32>,
      %shift_left3A_1495 = arith.constant 4 : i32
      %shift_left3A_1496 = vector.broadcast %shift_left3A_1495 : i32 to vector<16xi32>
      %shift_left3A_1497 = arith.shli %get3A_1494, %shift_left3A_1496 : vector<16xi32>
      %add3A_1498 = arith.addi %shift_left3A_1497, %iota3A : vector<16xi32>
      %gather3A_1499 = tpu.vector_load_idx %arg10[%add3A_1498] : memref<16384xf32, #tpu.memory_space<vmem>>[vector<16xi32>], vector<16xf32>,
      %slice3A_1500 = vector.extract_strided_slice %get3A_146 {offsets = [7], sizes = [1], strides = [1]} : vector<16xf32> to vector<1xf32>
      %squeeze3A_1501 = vector.extract %slice3A_1500[0] : f32 from vector<1xf32>
      %mul3A_1502 = vector.broadcast %squeeze3A_1501 : f32 to vector<16xf32>
      %mul3A_1503 = arith.mulf %gather3A_1499, %mul3A_1502 : vector<16xf32>
      %add3A_1504 = arith.addf %add3A_1486, %mul3A_1503 : vector<16xf32>
      %get3A_1505 = arith.constant 72 : i32
      %get3A_1506 = arith.constant 0 : i32
      %get3A_1507 = arith.constant 0 : i32
      %get3A_1508 = tpu.memref_slice %arg8[%and3A_206, %get3A_1506, %get3A_1507] : memref<2x100x128xi32, #tpu.memory_space<vmem>> -> memref<1x100x128xi32, #tpu.memory_space<vmem>>
      %get3A_1509 = tpu.memref_squeeze %get3A_1508 : memref<1x100x128xi32, #tpu.memory_space<vmem>> -> memref<100x128xi32, #tpu.memory_space<vmem>>
      %get3A_1510 = arith.index_cast %get3A_1505 : i32 to index
      %get3A_1511 = arith.index_cast %mul3A_208 : i32 to index
      %get3A_1512 = tpu.vector_load %get3A_1509[%get3A_1510, %get3A_1511] {strides = array<i32>} : memref<100x128xi32, #tpu.memory_space<vmem>>, vector<16xi32>,
      %shift_left3A_1513 = arith.constant 4 : i32
      %shift_left3A_1514 = vector.broadcast %shift_left3A_1513 : i32 to vector<16xi32>
      %shift_left3A_1515 = arith.shli %get3A_1512, %shift_left3A_1514 : vector<16xi32>
      %add3A_1516 = arith.addi %shift_left3A_1515, %iota3A : vector<16xi32>
      %gather3A_1517 = tpu.vector_load_idx %arg10[%add3A_1516] : memref<16384xf32, #tpu.memory_space<vmem>>[vector<16xi32>], vector<16xf32>,
      %slice3A_1518 = vector.extract_strided_slice %get3A_146 {offsets = [8], sizes = [1], strides = [1]} : vector<16xf32> to vector<1xf32>
      %squeeze3A_1519 = vector.extract %slice3A_1518[0] : f32 from vector<1xf32>
      %mul3A_1520 = vector.broadcast %squeeze3A_1519 : f32 to vector<16xf32>
      %mul3A_1521 = arith.mulf %gather3A_1517, %mul3A_1520 : vector<16xf32>
      %add3A_1522 = arith.addf %add3A_1504, %mul3A_1521 : vector<16xf32>
      %get3A_1523 = arith.constant 73 : i32
      %get3A_1524 = arith.constant 0 : i32
      %get3A_1525 = arith.constant 0 : i32
      %get3A_1526 = tpu.memref_slice %arg8[%and3A_206, %get3A_1524, %get3A_1525] : memref<2x100x128xi32, #tpu.memory_space<vmem>> -> memref<1x100x128xi32, #tpu.memory_space<vmem>>
      %get3A_1527 = tpu.memref_squeeze %get3A_1526 : memref<1x100x128xi32, #tpu.memory_space<vmem>> -> memref<100x128xi32, #tpu.memory_space<vmem>>
      %get3A_1528 = arith.index_cast %get3A_1523 : i32 to index
      %get3A_1529 = arith.index_cast %mul3A_208 : i32 to index
      %get3A_1530 = tpu.vector_load %get3A_1527[%get3A_1528, %get3A_1529] {strides = array<i32>} : memref<100x128xi32, #tpu.memory_space<vmem>>, vector<16xi32>,
      %shift_left3A_1531 = arith.constant 4 : i32
      %shift_left3A_1532 = vector.broadcast %shift_left3A_1531 : i32 to vector<16xi32>
      %shift_left3A_1533 = arith.shli %get3A_1530, %shift_left3A_1532 : vector<16xi32>
      %add3A_1534 = arith.addi %shift_left3A_1533, %iota3A : vector<16xi32>
      %gather3A_1535 = tpu.vector_load_idx %arg10[%add3A_1534] : memref<16384xf32, #tpu.memory_space<vmem>>[vector<16xi32>], vector<16xf32>,
      %slice3A_1536 = vector.extract_strided_slice %get3A_146 {offsets = [9], sizes = [1], strides = [1]} : vector<16xf32> to vector<1xf32>
      %squeeze3A_1537 = vector.extract %slice3A_1536[0] : f32 from vector<1xf32>
      %mul3A_1538 = vector.broadcast %squeeze3A_1537 : f32 to vector<16xf32>
      %mul3A_1539 = arith.mulf %gather3A_1535, %mul3A_1538 : vector<16xf32>
      %add3A_1540 = arith.addf %add3A_1522, %mul3A_1539 : vector<16xf32>
      %get3A_1541 = arith.constant 74 : i32
      %get3A_1542 = arith.constant 0 : i32
      %get3A_1543 = arith.constant 0 : i32
      %get3A_1544 = tpu.memref_slice %arg8[%and3A_206, %get3A_1542, %get3A_1543] : memref<2x100x128xi32, #tpu.memory_space<vmem>> -> memref<1x100x128xi32, #tpu.memory_space<vmem>>
      %get3A_1545 = tpu.memref_squeeze %get3A_1544 : memref<1x100x128xi32, #tpu.memory_space<vmem>> -> memref<100x128xi32, #tpu.memory_space<vmem>>
      %get3A_1546 = arith.index_cast %get3A_1541 : i32 to index
      %get3A_1547 = arith.index_cast %mul3A_208 : i32 to index
      %get3A_1548 = tpu.vector_load %get3A_1545[%get3A_1546, %get3A_1547] {strides = array<i32>} : memref<100x128xi32, #tpu.memory_space<vmem>>, vector<16xi32>,
      %shift_left3A_1549 = arith.constant 4 : i32
      %shift_left3A_1550 = vector.broadcast %shift_left3A_1549 : i32 to vector<16xi32>
      %shift_left3A_1551 = arith.shli %get3A_1548, %shift_left3A_1550 : vector<16xi32>
      %add3A_1552 = arith.addi %shift_left3A_1551, %iota3A : vector<16xi32>
      %gather3A_1553 = tpu.vector_load_idx %arg10[%add3A_1552] : memref<16384xf32, #tpu.memory_space<vmem>>[vector<16xi32>], vector<16xf32>,
      %slice3A_1554 = vector.extract_strided_slice %get3A_146 {offsets = [10], sizes = [1], strides = [1]} : vector<16xf32> to vector<1xf32>
      %squeeze3A_1555 = vector.extract %slice3A_1554[0] : f32 from vector<1xf32>
      %mul3A_1556 = vector.broadcast %squeeze3A_1555 : f32 to vector<16xf32>
      %mul3A_1557 = arith.mulf %gather3A_1553, %mul3A_1556 : vector<16xf32>
      %add3A_1558 = arith.addf %add3A_1540, %mul3A_1557 : vector<16xf32>
      %get3A_1559 = arith.constant 75 : i32
      %get3A_1560 = arith.constant 0 : i32
      %get3A_1561 = arith.constant 0 : i32
      %get3A_1562 = tpu.memref_slice %arg8[%and3A_206, %get3A_1560, %get3A_1561] : memref<2x100x128xi32, #tpu.memory_space<vmem>> -> memref<1x100x128xi32, #tpu.memory_space<vmem>>
      %get3A_1563 = tpu.memref_squeeze %get3A_1562 : memref<1x100x128xi32, #tpu.memory_space<vmem>> -> memref<100x128xi32, #tpu.memory_space<vmem>>
      %get3A_1564 = arith.index_cast %get3A_1559 : i32 to index
      %get3A_1565 = arith.index_cast %mul3A_208 : i32 to index
      %get3A_1566 = tpu.vector_load %get3A_1563[%get3A_1564, %get3A_1565] {strides = array<i32>} : memref<100x128xi32, #tpu.memory_space<vmem>>, vector<16xi32>,
      %shift_left3A_1567 = arith.constant 4 : i32
      %shift_left3A_1568 = vector.broadcast %shift_left3A_1567 : i32 to vector<16xi32>
      %shift_left3A_1569 = arith.shli %get3A_1566, %shift_left3A_1568 : vector<16xi32>
      %add3A_1570 = arith.addi %shift_left3A_1569, %iota3A : vector<16xi32>
      %gather3A_1571 = tpu.vector_load_idx %arg10[%add3A_1570] : memref<16384xf32, #tpu.memory_space<vmem>>[vector<16xi32>], vector<16xf32>,
      %slice3A_1572 = vector.extract_strided_slice %get3A_146 {offsets = [11], sizes = [1], strides = [1]} : vector<16xf32> to vector<1xf32>
      %squeeze3A_1573 = vector.extract %slice3A_1572[0] : f32 from vector<1xf32>
      %mul3A_1574 = vector.broadcast %squeeze3A_1573 : f32 to vector<16xf32>
      %mul3A_1575 = arith.mulf %gather3A_1571, %mul3A_1574 : vector<16xf32>
      %add3A_1576 = arith.addf %add3A_1558, %mul3A_1575 : vector<16xf32>
      %get3A_1577 = arith.constant 76 : i32
      %get3A_1578 = arith.constant 0 : i32
      %get3A_1579 = arith.constant 0 : i32
      %get3A_1580 = tpu.memref_slice %arg8[%and3A_206, %get3A_1578, %get3A_1579] : memref<2x100x128xi32, #tpu.memory_space<vmem>> -> memref<1x100x128xi32, #tpu.memory_space<vmem>>
      %get3A_1581 = tpu.memref_squeeze %get3A_1580 : memref<1x100x128xi32, #tpu.memory_space<vmem>> -> memref<100x128xi32, #tpu.memory_space<vmem>>
      %get3A_1582 = arith.index_cast %get3A_1577 : i32 to index
      %get3A_1583 = arith.index_cast %mul3A_208 : i32 to index
      %get3A_1584 = tpu.vector_load %get3A_1581[%get3A_1582, %get3A_1583] {strides = array<i32>} : memref<100x128xi32, #tpu.memory_space<vmem>>, vector<16xi32>,
      %shift_left3A_1585 = arith.constant 4 : i32
      %shift_left3A_1586 = vector.broadcast %shift_left3A_1585 : i32 to vector<16xi32>
      %shift_left3A_1587 = arith.shli %get3A_1584, %shift_left3A_1586 : vector<16xi32>
      %add3A_1588 = arith.addi %shift_left3A_1587, %iota3A : vector<16xi32>
      %gather3A_1589 = tpu.vector_load_idx %arg10[%add3A_1588] : memref<16384xf32, #tpu.memory_space<vmem>>[vector<16xi32>], vector<16xf32>,
      %slice3A_1590 = vector.extract_strided_slice %get3A_146 {offsets = [12], sizes = [1], strides = [1]} : vector<16xf32> to vector<1xf32>
      %squeeze3A_1591 = vector.extract %slice3A_1590[0] : f32 from vector<1xf32>
      %mul3A_1592 = vector.broadcast %squeeze3A_1591 : f32 to vector<16xf32>
      %mul3A_1593 = arith.mulf %gather3A_1589, %mul3A_1592 : vector<16xf32>
      %add3A_1594 = arith.addf %add3A_1576, %mul3A_1593 : vector<16xf32>
      %get3A_1595 = arith.constant 77 : i32
      %get3A_1596 = arith.constant 0 : i32
      %get3A_1597 = arith.constant 0 : i32
      %get3A_1598 = tpu.memref_slice %arg8[%and3A_206, %get3A_1596, %get3A_1597] : memref<2x100x128xi32, #tpu.memory_space<vmem>> -> memref<1x100x128xi32, #tpu.memory_space<vmem>>
      %get3A_1599 = tpu.memref_squeeze %get3A_1598 : memref<1x100x128xi32, #tpu.memory_space<vmem>> -> memref<100x128xi32, #tpu.memory_space<vmem>>
      %get3A_1600 = arith.index_cast %get3A_1595 : i32 to index
      %get3A_1601 = arith.index_cast %mul3A_208 : i32 to index
      %get3A_1602 = tpu.vector_load %get3A_1599[%get3A_1600, %get3A_1601] {strides = array<i32>} : memref<100x128xi32, #tpu.memory_space<vmem>>, vector<16xi32>,
      %shift_left3A_1603 = arith.constant 4 : i32
      %shift_left3A_1604 = vector.broadcast %shift_left3A_1603 : i32 to vector<16xi32>
      %shift_left3A_1605 = arith.shli %get3A_1602, %shift_left3A_1604 : vector<16xi32>
      %add3A_1606 = arith.addi %shift_left3A_1605, %iota3A : vector<16xi32>
      %gather3A_1607 = tpu.vector_load_idx %arg10[%add3A_1606] : memref<16384xf32, #tpu.memory_space<vmem>>[vector<16xi32>], vector<16xf32>,
      %slice3A_1608 = vector.extract_strided_slice %get3A_146 {offsets = [13], sizes = [1], strides = [1]} : vector<16xf32> to vector<1xf32>
      %squeeze3A_1609 = vector.extract %slice3A_1608[0] : f32 from vector<1xf32>
      %mul3A_1610 = vector.broadcast %squeeze3A_1609 : f32 to vector<16xf32>
      %mul3A_1611 = arith.mulf %gather3A_1607, %mul3A_1610 : vector<16xf32>
      %add3A_1612 = arith.addf %add3A_1594, %mul3A_1611 : vector<16xf32>
      %get3A_1613 = arith.constant 78 : i32
      %get3A_1614 = arith.constant 0 : i32
      %get3A_1615 = arith.constant 0 : i32
      %get3A_1616 = tpu.memref_slice %arg8[%and3A_206, %get3A_1614, %get3A_1615] : memref<2x100x128xi32, #tpu.memory_space<vmem>> -> memref<1x100x128xi32, #tpu.memory_space<vmem>>
      %get3A_1617 = tpu.memref_squeeze %get3A_1616 : memref<1x100x128xi32, #tpu.memory_space<vmem>> -> memref<100x128xi32, #tpu.memory_space<vmem>>
      %get3A_1618 = arith.index_cast %get3A_1613 : i32 to index
      %get3A_1619 = arith.index_cast %mul3A_208 : i32 to index
      %get3A_1620 = tpu.vector_load %get3A_1617[%get3A_1618, %get3A_1619] {strides = array<i32>} : memref<100x128xi32, #tpu.memory_space<vmem>>, vector<16xi32>,
      %shift_left3A_1621 = arith.constant 4 : i32
      %shift_left3A_1622 = vector.broadcast %shift_left3A_1621 : i32 to vector<16xi32>
      %shift_left3A_1623 = arith.shli %get3A_1620, %shift_left3A_1622 : vector<16xi32>
      %add3A_1624 = arith.addi %shift_left3A_1623, %iota3A : vector<16xi32>
      %gather3A_1625 = tpu.vector_load_idx %arg10[%add3A_1624] : memref<16384xf32, #tpu.memory_space<vmem>>[vector<16xi32>], vector<16xf32>,
      %slice3A_1626 = vector.extract_strided_slice %get3A_146 {offsets = [14], sizes = [1], strides = [1]} : vector<16xf32> to vector<1xf32>
      %squeeze3A_1627 = vector.extract %slice3A_1626[0] : f32 from vector<1xf32>
      %mul3A_1628 = vector.broadcast %squeeze3A_1627 : f32 to vector<16xf32>
      %mul3A_1629 = arith.mulf %gather3A_1625, %mul3A_1628 : vector<16xf32>
      %add3A_1630 = arith.addf %add3A_1612, %mul3A_1629 : vector<16xf32>
      %get3A_1631 = arith.constant 79 : i32
      %get3A_1632 = arith.constant 0 : i32
      %get3A_1633 = arith.constant 0 : i32
      %get3A_1634 = tpu.memref_slice %arg8[%and3A_206, %get3A_1632, %get3A_1633] : memref<2x100x128xi32, #tpu.memory_space<vmem>> -> memref<1x100x128xi32, #tpu.memory_space<vmem>>
      %get3A_1635 = tpu.memref_squeeze %get3A_1634 : memref<1x100x128xi32, #tpu.memory_space<vmem>> -> memref<100x128xi32, #tpu.memory_space<vmem>>
      %get3A_1636 = arith.index_cast %get3A_1631 : i32 to index
      %get3A_1637 = arith.index_cast %mul3A_208 : i32 to index
      %get3A_1638 = tpu.vector_load %get3A_1635[%get3A_1636, %get3A_1637] {strides = array<i32>} : memref<100x128xi32, #tpu.memory_space<vmem>>, vector<16xi32>,
      %shift_left3A_1639 = arith.constant 4 : i32
      %shift_left3A_1640 = vector.broadcast %shift_left3A_1639 : i32 to vector<16xi32>
      %shift_left3A_1641 = arith.shli %get3A_1638, %shift_left3A_1640 : vector<16xi32>
      %add3A_1642 = arith.addi %shift_left3A_1641, %iota3A : vector<16xi32>
      %gather3A_1643 = tpu.vector_load_idx %arg10[%add3A_1642] : memref<16384xf32, #tpu.memory_space<vmem>>[vector<16xi32>], vector<16xf32>,
      %slice3A_1644 = vector.extract_strided_slice %get3A_146 {offsets = [15], sizes = [1], strides = [1]} : vector<16xf32> to vector<1xf32>
      %squeeze3A_1645 = vector.extract %slice3A_1644[0] : f32 from vector<1xf32>
      %mul3A_1646 = vector.broadcast %squeeze3A_1645 : f32 to vector<16xf32>
      %mul3A_1647 = arith.mulf %gather3A_1643, %mul3A_1646 : vector<16xf32>
      %add3A_1648 = arith.addf %add3A_1630, %mul3A_1647 : vector<16xf32>
      %get3A_1649 = arith.constant 80 : i32
      %get3A_1650 = arith.constant 0 : i32
      %get3A_1651 = arith.constant 0 : i32
      %get3A_1652 = tpu.memref_slice %arg8[%and3A_206, %get3A_1650, %get3A_1651] : memref<2x100x128xi32, #tpu.memory_space<vmem>> -> memref<1x100x128xi32, #tpu.memory_space<vmem>>
      %get3A_1653 = tpu.memref_squeeze %get3A_1652 : memref<1x100x128xi32, #tpu.memory_space<vmem>> -> memref<100x128xi32, #tpu.memory_space<vmem>>
      %get3A_1654 = arith.index_cast %get3A_1649 : i32 to index
      %get3A_1655 = arith.index_cast %mul3A_208 : i32 to index
      %get3A_1656 = tpu.vector_load %get3A_1653[%get3A_1654, %get3A_1655] {strides = array<i32>} : memref<100x128xi32, #tpu.memory_space<vmem>>, vector<16xi32>,
      %shift_left3A_1657 = arith.constant 4 : i32
      %shift_left3A_1658 = vector.broadcast %shift_left3A_1657 : i32 to vector<16xi32>
      %shift_left3A_1659 = arith.shli %get3A_1656, %shift_left3A_1658 : vector<16xi32>
      %add3A_1660 = arith.addi %shift_left3A_1659, %iota3A : vector<16xi32>
      %gather3A_1661 = tpu.vector_load_idx %arg10[%add3A_1660] : memref<16384xf32, #tpu.memory_space<vmem>>[vector<16xi32>], vector<16xf32>,
      %slice3A_1662 = vector.extract_strided_slice %get3A_148 {offsets = [0], sizes = [1], strides = [1]} : vector<16xf32> to vector<1xf32>
      %squeeze3A_1663 = vector.extract %slice3A_1662[0] : f32 from vector<1xf32>
      %mul3A_1664 = vector.broadcast %squeeze3A_1663 : f32 to vector<16xf32>
      %mul3A_1665 = arith.mulf %gather3A_1661, %mul3A_1664 : vector<16xf32>
      %add3A_1666 = arith.addf %add3A_1648, %mul3A_1665 : vector<16xf32>
      %get3A_1667 = arith.constant 81 : i32
      %get3A_1668 = arith.constant 0 : i32
      %get3A_1669 = arith.constant 0 : i32
      %get3A_1670 = tpu.memref_slice %arg8[%and3A_206, %get3A_1668, %get3A_1669] : memref<2x100x128xi32, #tpu.memory_space<vmem>> -> memref<1x100x128xi32, #tpu.memory_space<vmem>>
      %get3A_1671 = tpu.memref_squeeze %get3A_1670 : memref<1x100x128xi32, #tpu.memory_space<vmem>> -> memref<100x128xi32, #tpu.memory_space<vmem>>
      %get3A_1672 = arith.index_cast %get3A_1667 : i32 to index
      %get3A_1673 = arith.index_cast %mul3A_208 : i32 to index
      %get3A_1674 = tpu.vector_load %get3A_1671[%get3A_1672, %get3A_1673] {strides = array<i32>} : memref<100x128xi32, #tpu.memory_space<vmem>>, vector<16xi32>,
      %shift_left3A_1675 = arith.constant 4 : i32
      %shift_left3A_1676 = vector.broadcast %shift_left3A_1675 : i32 to vector<16xi32>
      %shift_left3A_1677 = arith.shli %get3A_1674, %shift_left3A_1676 : vector<16xi32>
      %add3A_1678 = arith.addi %shift_left3A_1677, %iota3A : vector<16xi32>
      %gather3A_1679 = tpu.vector_load_idx %arg10[%add3A_1678] : memref<16384xf32, #tpu.memory_space<vmem>>[vector<16xi32>], vector<16xf32>,
      %slice3A_1680 = vector.extract_strided_slice %get3A_148 {offsets = [1], sizes = [1], strides = [1]} : vector<16xf32> to vector<1xf32>
      %squeeze3A_1681 = vector.extract %slice3A_1680[0] : f32 from vector<1xf32>
      %mul3A_1682 = vector.broadcast %squeeze3A_1681 : f32 to vector<16xf32>
      %mul3A_1683 = arith.mulf %gather3A_1679, %mul3A_1682 : vector<16xf32>
      %add3A_1684 = arith.addf %add3A_1666, %mul3A_1683 : vector<16xf32>
      %get3A_1685 = arith.constant 82 : i32
      %get3A_1686 = arith.constant 0 : i32
      %get3A_1687 = arith.constant 0 : i32
      %get3A_1688 = tpu.memref_slice %arg8[%and3A_206, %get3A_1686, %get3A_1687] : memref<2x100x128xi32, #tpu.memory_space<vmem>> -> memref<1x100x128xi32, #tpu.memory_space<vmem>>
      %get3A_1689 = tpu.memref_squeeze %get3A_1688 : memref<1x100x128xi32, #tpu.memory_space<vmem>> -> memref<100x128xi32, #tpu.memory_space<vmem>>
      %get3A_1690 = arith.index_cast %get3A_1685 : i32 to index
      %get3A_1691 = arith.index_cast %mul3A_208 : i32 to index
      %get3A_1692 = tpu.vector_load %get3A_1689[%get3A_1690, %get3A_1691] {strides = array<i32>} : memref<100x128xi32, #tpu.memory_space<vmem>>, vector<16xi32>,
      %shift_left3A_1693 = arith.constant 4 : i32
      %shift_left3A_1694 = vector.broadcast %shift_left3A_1693 : i32 to vector<16xi32>
      %shift_left3A_1695 = arith.shli %get3A_1692, %shift_left3A_1694 : vector<16xi32>
      %add3A_1696 = arith.addi %shift_left3A_1695, %iota3A : vector<16xi32>
      %gather3A_1697 = tpu.vector_load_idx %arg10[%add3A_1696] : memref<16384xf32, #tpu.memory_space<vmem>>[vector<16xi32>], vector<16xf32>,
      %slice3A_1698 = vector.extract_strided_slice %get3A_148 {offsets = [2], sizes = [1], strides = [1]} : vector<16xf32> to vector<1xf32>
      %squeeze3A_1699 = vector.extract %slice3A_1698[0] : f32 from vector<1xf32>
      %mul3A_1700 = vector.broadcast %squeeze3A_1699 : f32 to vector<16xf32>
      %mul3A_1701 = arith.mulf %gather3A_1697, %mul3A_1700 : vector<16xf32>
      %add3A_1702 = arith.addf %add3A_1684, %mul3A_1701 : vector<16xf32>
      %get3A_1703 = arith.constant 83 : i32
      %get3A_1704 = arith.constant 0 : i32
      %get3A_1705 = arith.constant 0 : i32
      %get3A_1706 = tpu.memref_slice %arg8[%and3A_206, %get3A_1704, %get3A_1705] : memref<2x100x128xi32, #tpu.memory_space<vmem>> -> memref<1x100x128xi32, #tpu.memory_space<vmem>>
      %get3A_1707 = tpu.memref_squeeze %get3A_1706 : memref<1x100x128xi32, #tpu.memory_space<vmem>> -> memref<100x128xi32, #tpu.memory_space<vmem>>
      %get3A_1708 = arith.index_cast %get3A_1703 : i32 to index
      %get3A_1709 = arith.index_cast %mul3A_208 : i32 to index
      %get3A_1710 = tpu.vector_load %get3A_1707[%get3A_1708, %get3A_1709] {strides = array<i32>} : memref<100x128xi32, #tpu.memory_space<vmem>>, vector<16xi32>,
      %shift_left3A_1711 = arith.constant 4 : i32
      %shift_left3A_1712 = vector.broadcast %shift_left3A_1711 : i32 to vector<16xi32>
      %shift_left3A_1713 = arith.shli %get3A_1710, %shift_left3A_1712 : vector<16xi32>
      %add3A_1714 = arith.addi %shift_left3A_1713, %iota3A : vector<16xi32>
      %gather3A_1715 = tpu.vector_load_idx %arg10[%add3A_1714] : memref<16384xf32, #tpu.memory_space<vmem>>[vector<16xi32>], vector<16xf32>,
      %slice3A_1716 = vector.extract_strided_slice %get3A_148 {offsets = [3], sizes = [1], strides = [1]} : vector<16xf32> to vector<1xf32>
      %squeeze3A_1717 = vector.extract %slice3A_1716[0] : f32 from vector<1xf32>
      %mul3A_1718 = vector.broadcast %squeeze3A_1717 : f32 to vector<16xf32>
      %mul3A_1719 = arith.mulf %gather3A_1715, %mul3A_1718 : vector<16xf32>
      %add3A_1720 = arith.addf %add3A_1702, %mul3A_1719 : vector<16xf32>
      %get3A_1721 = arith.constant 84 : i32
      %get3A_1722 = arith.constant 0 : i32
      %get3A_1723 = arith.constant 0 : i32
      %get3A_1724 = tpu.memref_slice %arg8[%and3A_206, %get3A_1722, %get3A_1723] : memref<2x100x128xi32, #tpu.memory_space<vmem>> -> memref<1x100x128xi32, #tpu.memory_space<vmem>>
      %get3A_1725 = tpu.memref_squeeze %get3A_1724 : memref<1x100x128xi32, #tpu.memory_space<vmem>> -> memref<100x128xi32, #tpu.memory_space<vmem>>
      %get3A_1726 = arith.index_cast %get3A_1721 : i32 to index
      %get3A_1727 = arith.index_cast %mul3A_208 : i32 to index
      %get3A_1728 = tpu.vector_load %get3A_1725[%get3A_1726, %get3A_1727] {strides = array<i32>} : memref<100x128xi32, #tpu.memory_space<vmem>>, vector<16xi32>,
      %shift_left3A_1729 = arith.constant 4 : i32
      %shift_left3A_1730 = vector.broadcast %shift_left3A_1729 : i32 to vector<16xi32>
      %shift_left3A_1731 = arith.shli %get3A_1728, %shift_left3A_1730 : vector<16xi32>
      %add3A_1732 = arith.addi %shift_left3A_1731, %iota3A : vector<16xi32>
      %gather3A_1733 = tpu.vector_load_idx %arg10[%add3A_1732] : memref<16384xf32, #tpu.memory_space<vmem>>[vector<16xi32>], vector<16xf32>,
      %slice3A_1734 = vector.extract_strided_slice %get3A_148 {offsets = [4], sizes = [1], strides = [1]} : vector<16xf32> to vector<1xf32>
      %squeeze3A_1735 = vector.extract %slice3A_1734[0] : f32 from vector<1xf32>
      %mul3A_1736 = vector.broadcast %squeeze3A_1735 : f32 to vector<16xf32>
      %mul3A_1737 = arith.mulf %gather3A_1733, %mul3A_1736 : vector<16xf32>
      %add3A_1738 = arith.addf %add3A_1720, %mul3A_1737 : vector<16xf32>
      %get3A_1739 = arith.constant 85 : i32
      %get3A_1740 = arith.constant 0 : i32
      %get3A_1741 = arith.constant 0 : i32
      %get3A_1742 = tpu.memref_slice %arg8[%and3A_206, %get3A_1740, %get3A_1741] : memref<2x100x128xi32, #tpu.memory_space<vmem>> -> memref<1x100x128xi32, #tpu.memory_space<vmem>>
      %get3A_1743 = tpu.memref_squeeze %get3A_1742 : memref<1x100x128xi32, #tpu.memory_space<vmem>> -> memref<100x128xi32, #tpu.memory_space<vmem>>
      %get3A_1744 = arith.index_cast %get3A_1739 : i32 to index
      %get3A_1745 = arith.index_cast %mul3A_208 : i32 to index
      %get3A_1746 = tpu.vector_load %get3A_1743[%get3A_1744, %get3A_1745] {strides = array<i32>} : memref<100x128xi32, #tpu.memory_space<vmem>>, vector<16xi32>,
      %shift_left3A_1747 = arith.constant 4 : i32
      %shift_left3A_1748 = vector.broadcast %shift_left3A_1747 : i32 to vector<16xi32>
      %shift_left3A_1749 = arith.shli %get3A_1746, %shift_left3A_1748 : vector<16xi32>
      %add3A_1750 = arith.addi %shift_left3A_1749, %iota3A : vector<16xi32>
      %gather3A_1751 = tpu.vector_load_idx %arg10[%add3A_1750] : memref<16384xf32, #tpu.memory_space<vmem>>[vector<16xi32>], vector<16xf32>,
      %slice3A_1752 = vector.extract_strided_slice %get3A_148 {offsets = [5], sizes = [1], strides = [1]} : vector<16xf32> to vector<1xf32>
      %squeeze3A_1753 = vector.extract %slice3A_1752[0] : f32 from vector<1xf32>
      %mul3A_1754 = vector.broadcast %squeeze3A_1753 : f32 to vector<16xf32>
      %mul3A_1755 = arith.mulf %gather3A_1751, %mul3A_1754 : vector<16xf32>
      %add3A_1756 = arith.addf %add3A_1738, %mul3A_1755 : vector<16xf32>
      %get3A_1757 = arith.constant 86 : i32
      %get3A_1758 = arith.constant 0 : i32
      %get3A_1759 = arith.constant 0 : i32
      %get3A_1760 = tpu.memref_slice %arg8[%and3A_206, %get3A_1758, %get3A_1759] : memref<2x100x128xi32, #tpu.memory_space<vmem>> -> memref<1x100x128xi32, #tpu.memory_space<vmem>>
      %get3A_1761 = tpu.memref_squeeze %get3A_1760 : memref<1x100x128xi32, #tpu.memory_space<vmem>> -> memref<100x128xi32, #tpu.memory_space<vmem>>
      %get3A_1762 = arith.index_cast %get3A_1757 : i32 to index
      %get3A_1763 = arith.index_cast %mul3A_208 : i32 to index
      %get3A_1764 = tpu.vector_load %get3A_1761[%get3A_1762, %get3A_1763] {strides = array<i32>} : memref<100x128xi32, #tpu.memory_space<vmem>>, vector<16xi32>,
      %shift_left3A_1765 = arith.constant 4 : i32
      %shift_left3A_1766 = vector.broadcast %shift_left3A_1765 : i32 to vector<16xi32>
      %shift_left3A_1767 = arith.shli %get3A_1764, %shift_left3A_1766 : vector<16xi32>
      %add3A_1768 = arith.addi %shift_left3A_1767, %iota3A : vector<16xi32>
      %gather3A_1769 = tpu.vector_load_idx %arg10[%add3A_1768] : memref<16384xf32, #tpu.memory_space<vmem>>[vector<16xi32>], vector<16xf32>,
      %slice3A_1770 = vector.extract_strided_slice %get3A_148 {offsets = [6], sizes = [1], strides = [1]} : vector<16xf32> to vector<1xf32>
      %squeeze3A_1771 = vector.extract %slice3A_1770[0] : f32 from vector<1xf32>
      %mul3A_1772 = vector.broadcast %squeeze3A_1771 : f32 to vector<16xf32>
      %mul3A_1773 = arith.mulf %gather3A_1769, %mul3A_1772 : vector<16xf32>
      %add3A_1774 = arith.addf %add3A_1756, %mul3A_1773 : vector<16xf32>
      %get3A_1775 = arith.constant 87 : i32
      %get3A_1776 = arith.constant 0 : i32
      %get3A_1777 = arith.constant 0 : i32
      %get3A_1778 = tpu.memref_slice %arg8[%and3A_206, %get3A_1776, %get3A_1777] : memref<2x100x128xi32, #tpu.memory_space<vmem>> -> memref<1x100x128xi32, #tpu.memory_space<vmem>>
      %get3A_1779 = tpu.memref_squeeze %get3A_1778 : memref<1x100x128xi32, #tpu.memory_space<vmem>> -> memref<100x128xi32, #tpu.memory_space<vmem>>
      %get3A_1780 = arith.index_cast %get3A_1775 : i32 to index
      %get3A_1781 = arith.index_cast %mul3A_208 : i32 to index
      %get3A_1782 = tpu.vector_load %get3A_1779[%get3A_1780, %get3A_1781] {strides = array<i32>} : memref<100x128xi32, #tpu.memory_space<vmem>>, vector<16xi32>,
      %shift_left3A_1783 = arith.constant 4 : i32
      %shift_left3A_1784 = vector.broadcast %shift_left3A_1783 : i32 to vector<16xi32>
      %shift_left3A_1785 = arith.shli %get3A_1782, %shift_left3A_1784 : vector<16xi32>
      %add3A_1786 = arith.addi %shift_left3A_1785, %iota3A : vector<16xi32>
      %gather3A_1787 = tpu.vector_load_idx %arg10[%add3A_1786] : memref<16384xf32, #tpu.memory_space<vmem>>[vector<16xi32>], vector<16xf32>,
      %slice3A_1788 = vector.extract_strided_slice %get3A_148 {offsets = [7], sizes = [1], strides = [1]} : vector<16xf32> to vector<1xf32>
      %squeeze3A_1789 = vector.extract %slice3A_1788[0] : f32 from vector<1xf32>
      %mul3A_1790 = vector.broadcast %squeeze3A_1789 : f32 to vector<16xf32>
      %mul3A_1791 = arith.mulf %gather3A_1787, %mul3A_1790 : vector<16xf32>
      %add3A_1792 = arith.addf %add3A_1774, %mul3A_1791 : vector<16xf32>
      %get3A_1793 = arith.constant 88 : i32
      %get3A_1794 = arith.constant 0 : i32
      %get3A_1795 = arith.constant 0 : i32
      %get3A_1796 = tpu.memref_slice %arg8[%and3A_206, %get3A_1794, %get3A_1795] : memref<2x100x128xi32, #tpu.memory_space<vmem>> -> memref<1x100x128xi32, #tpu.memory_space<vmem>>
      %get3A_1797 = tpu.memref_squeeze %get3A_1796 : memref<1x100x128xi32, #tpu.memory_space<vmem>> -> memref<100x128xi32, #tpu.memory_space<vmem>>
      %get3A_1798 = arith.index_cast %get3A_1793 : i32 to index
      %get3A_1799 = arith.index_cast %mul3A_208 : i32 to index
      %get3A_1800 = tpu.vector_load %get3A_1797[%get3A_1798, %get3A_1799] {strides = array<i32>} : memref<100x128xi32, #tpu.memory_space<vmem>>, vector<16xi32>,
      %shift_left3A_1801 = arith.constant 4 : i32
      %shift_left3A_1802 = vector.broadcast %shift_left3A_1801 : i32 to vector<16xi32>
      %shift_left3A_1803 = arith.shli %get3A_1800, %shift_left3A_1802 : vector<16xi32>
      %add3A_1804 = arith.addi %shift_left3A_1803, %iota3A : vector<16xi32>
      %gather3A_1805 = tpu.vector_load_idx %arg10[%add3A_1804] : memref<16384xf32, #tpu.memory_space<vmem>>[vector<16xi32>], vector<16xf32>,
      %slice3A_1806 = vector.extract_strided_slice %get3A_148 {offsets = [8], sizes = [1], strides = [1]} : vector<16xf32> to vector<1xf32>
      %squeeze3A_1807 = vector.extract %slice3A_1806[0] : f32 from vector<1xf32>
      %mul3A_1808 = vector.broadcast %squeeze3A_1807 : f32 to vector<16xf32>
      %mul3A_1809 = arith.mulf %gather3A_1805, %mul3A_1808 : vector<16xf32>
      %add3A_1810 = arith.addf %add3A_1792, %mul3A_1809 : vector<16xf32>
      %get3A_1811 = arith.constant 89 : i32
      %get3A_1812 = arith.constant 0 : i32
      %get3A_1813 = arith.constant 0 : i32
      %get3A_1814 = tpu.memref_slice %arg8[%and3A_206, %get3A_1812, %get3A_1813] : memref<2x100x128xi32, #tpu.memory_space<vmem>> -> memref<1x100x128xi32, #tpu.memory_space<vmem>>
      %get3A_1815 = tpu.memref_squeeze %get3A_1814 : memref<1x100x128xi32, #tpu.memory_space<vmem>> -> memref<100x128xi32, #tpu.memory_space<vmem>>
      %get3A_1816 = arith.index_cast %get3A_1811 : i32 to index
      %get3A_1817 = arith.index_cast %mul3A_208 : i32 to index
      %get3A_1818 = tpu.vector_load %get3A_1815[%get3A_1816, %get3A_1817] {strides = array<i32>} : memref<100x128xi32, #tpu.memory_space<vmem>>, vector<16xi32>,
      %shift_left3A_1819 = arith.constant 4 : i32
      %shift_left3A_1820 = vector.broadcast %shift_left3A_1819 : i32 to vector<16xi32>
      %shift_left3A_1821 = arith.shli %get3A_1818, %shift_left3A_1820 : vector<16xi32>
      %add3A_1822 = arith.addi %shift_left3A_1821, %iota3A : vector<16xi32>
      %gather3A_1823 = tpu.vector_load_idx %arg10[%add3A_1822] : memref<16384xf32, #tpu.memory_space<vmem>>[vector<16xi32>], vector<16xf32>,
      %slice3A_1824 = vector.extract_strided_slice %get3A_148 {offsets = [9], sizes = [1], strides = [1]} : vector<16xf32> to vector<1xf32>
      %squeeze3A_1825 = vector.extract %slice3A_1824[0] : f32 from vector<1xf32>
      %mul3A_1826 = vector.broadcast %squeeze3A_1825 : f32 to vector<16xf32>
      %mul3A_1827 = arith.mulf %gather3A_1823, %mul3A_1826 : vector<16xf32>
      %add3A_1828 = arith.addf %add3A_1810, %mul3A_1827 : vector<16xf32>
      %get3A_1829 = arith.constant 90 : i32
      %get3A_1830 = arith.constant 0 : i32
      %get3A_1831 = arith.constant 0 : i32
      %get3A_1832 = tpu.memref_slice %arg8[%and3A_206, %get3A_1830, %get3A_1831] : memref<2x100x128xi32, #tpu.memory_space<vmem>> -> memref<1x100x128xi32, #tpu.memory_space<vmem>>
      %get3A_1833 = tpu.memref_squeeze %get3A_1832 : memref<1x100x128xi32, #tpu.memory_space<vmem>> -> memref<100x128xi32, #tpu.memory_space<vmem>>
      %get3A_1834 = arith.index_cast %get3A_1829 : i32 to index
      %get3A_1835 = arith.index_cast %mul3A_208 : i32 to index
      %get3A_1836 = tpu.vector_load %get3A_1833[%get3A_1834, %get3A_1835] {strides = array<i32>} : memref<100x128xi32, #tpu.memory_space<vmem>>, vector<16xi32>,
      %shift_left3A_1837 = arith.constant 4 : i32
      %shift_left3A_1838 = vector.broadcast %shift_left3A_1837 : i32 to vector<16xi32>
      %shift_left3A_1839 = arith.shli %get3A_1836, %shift_left3A_1838 : vector<16xi32>
      %add3A_1840 = arith.addi %shift_left3A_1839, %iota3A : vector<16xi32>
      %gather3A_1841 = tpu.vector_load_idx %arg10[%add3A_1840] : memref<16384xf32, #tpu.memory_space<vmem>>[vector<16xi32>], vector<16xf32>,
      %slice3A_1842 = vector.extract_strided_slice %get3A_148 {offsets = [10], sizes = [1], strides = [1]} : vector<16xf32> to vector<1xf32>
      %squeeze3A_1843 = vector.extract %slice3A_1842[0] : f32 from vector<1xf32>
      %mul3A_1844 = vector.broadcast %squeeze3A_1843 : f32 to vector<16xf32>
      %mul3A_1845 = arith.mulf %gather3A_1841, %mul3A_1844 : vector<16xf32>
      %add3A_1846 = arith.addf %add3A_1828, %mul3A_1845 : vector<16xf32>
      %get3A_1847 = arith.constant 91 : i32
      %get3A_1848 = arith.constant 0 : i32
      %get3A_1849 = arith.constant 0 : i32
      %get3A_1850 = tpu.memref_slice %arg8[%and3A_206, %get3A_1848, %get3A_1849] : memref<2x100x128xi32, #tpu.memory_space<vmem>> -> memref<1x100x128xi32, #tpu.memory_space<vmem>>
      %get3A_1851 = tpu.memref_squeeze %get3A_1850 : memref<1x100x128xi32, #tpu.memory_space<vmem>> -> memref<100x128xi32, #tpu.memory_space<vmem>>
      %get3A_1852 = arith.index_cast %get3A_1847 : i32 to index
      %get3A_1853 = arith.index_cast %mul3A_208 : i32 to index
      %get3A_1854 = tpu.vector_load %get3A_1851[%get3A_1852, %get3A_1853] {strides = array<i32>} : memref<100x128xi32, #tpu.memory_space<vmem>>, vector<16xi32>,
      %shift_left3A_1855 = arith.constant 4 : i32
      %shift_left3A_1856 = vector.broadcast %shift_left3A_1855 : i32 to vector<16xi32>
      %shift_left3A_1857 = arith.shli %get3A_1854, %shift_left3A_1856 : vector<16xi32>
      %add3A_1858 = arith.addi %shift_left3A_1857, %iota3A : vector<16xi32>
      %gather3A_1859 = tpu.vector_load_idx %arg10[%add3A_1858] : memref<16384xf32, #tpu.memory_space<vmem>>[vector<16xi32>], vector<16xf32>,
      %slice3A_1860 = vector.extract_strided_slice %get3A_148 {offsets = [11], sizes = [1], strides = [1]} : vector<16xf32> to vector<1xf32>
      %squeeze3A_1861 = vector.extract %slice3A_1860[0] : f32 from vector<1xf32>
      %mul3A_1862 = vector.broadcast %squeeze3A_1861 : f32 to vector<16xf32>
      %mul3A_1863 = arith.mulf %gather3A_1859, %mul3A_1862 : vector<16xf32>
      %add3A_1864 = arith.addf %add3A_1846, %mul3A_1863 : vector<16xf32>
      %get3A_1865 = arith.constant 92 : i32
      %get3A_1866 = arith.constant 0 : i32
      %get3A_1867 = arith.constant 0 : i32
      %get3A_1868 = tpu.memref_slice %arg8[%and3A_206, %get3A_1866, %get3A_1867] : memref<2x100x128xi32, #tpu.memory_space<vmem>> -> memref<1x100x128xi32, #tpu.memory_space<vmem>>
      %get3A_1869 = tpu.memref_squeeze %get3A_1868 : memref<1x100x128xi32, #tpu.memory_space<vmem>> -> memref<100x128xi32, #tpu.memory_space<vmem>>
      %get3A_1870 = arith.index_cast %get3A_1865 : i32 to index
      %get3A_1871 = arith.index_cast %mul3A_208 : i32 to index
      %get3A_1872 = tpu.vector_load %get3A_1869[%get3A_1870, %get3A_1871] {strides = array<i32>} : memref<100x128xi32, #tpu.memory_space<vmem>>, vector<16xi32>,
      %shift_left3A_1873 = arith.constant 4 : i32
      %shift_left3A_1874 = vector.broadcast %shift_left3A_1873 : i32 to vector<16xi32>
      %shift_left3A_1875 = arith.shli %get3A_1872, %shift_left3A_1874 : vector<16xi32>
      %add3A_1876 = arith.addi %shift_left3A_1875, %iota3A : vector<16xi32>
      %gather3A_1877 = tpu.vector_load_idx %arg10[%add3A_1876] : memref<16384xf32, #tpu.memory_space<vmem>>[vector<16xi32>], vector<16xf32>,
      %slice3A_1878 = vector.extract_strided_slice %get3A_148 {offsets = [12], sizes = [1], strides = [1]} : vector<16xf32> to vector<1xf32>
      %squeeze3A_1879 = vector.extract %slice3A_1878[0] : f32 from vector<1xf32>
      %mul3A_1880 = vector.broadcast %squeeze3A_1879 : f32 to vector<16xf32>
      %mul3A_1881 = arith.mulf %gather3A_1877, %mul3A_1880 : vector<16xf32>
      %add3A_1882 = arith.addf %add3A_1864, %mul3A_1881 : vector<16xf32>
      %get3A_1883 = arith.constant 93 : i32
      %get3A_1884 = arith.constant 0 : i32
      %get3A_1885 = arith.constant 0 : i32
      %get3A_1886 = tpu.memref_slice %arg8[%and3A_206, %get3A_1884, %get3A_1885] : memref<2x100x128xi32, #tpu.memory_space<vmem>> -> memref<1x100x128xi32, #tpu.memory_space<vmem>>
      %get3A_1887 = tpu.memref_squeeze %get3A_1886 : memref<1x100x128xi32, #tpu.memory_space<vmem>> -> memref<100x128xi32, #tpu.memory_space<vmem>>
      %get3A_1888 = arith.index_cast %get3A_1883 : i32 to index
      %get3A_1889 = arith.index_cast %mul3A_208 : i32 to index
      %get3A_1890 = tpu.vector_load %get3A_1887[%get3A_1888, %get3A_1889] {strides = array<i32>} : memref<100x128xi32, #tpu.memory_space<vmem>>, vector<16xi32>,
      %shift_left3A_1891 = arith.constant 4 : i32
      %shift_left3A_1892 = vector.broadcast %shift_left3A_1891 : i32 to vector<16xi32>
      %shift_left3A_1893 = arith.shli %get3A_1890, %shift_left3A_1892 : vector<16xi32>
      %add3A_1894 = arith.addi %shift_left3A_1893, %iota3A : vector<16xi32>
      %gather3A_1895 = tpu.vector_load_idx %arg10[%add3A_1894] : memref<16384xf32, #tpu.memory_space<vmem>>[vector<16xi32>], vector<16xf32>,
      %slice3A_1896 = vector.extract_strided_slice %get3A_148 {offsets = [13], sizes = [1], strides = [1]} : vector<16xf32> to vector<1xf32>
      %squeeze3A_1897 = vector.extract %slice3A_1896[0] : f32 from vector<1xf32>
      %mul3A_1898 = vector.broadcast %squeeze3A_1897 : f32 to vector<16xf32>
      %mul3A_1899 = arith.mulf %gather3A_1895, %mul3A_1898 : vector<16xf32>
      %add3A_1900 = arith.addf %add3A_1882, %mul3A_1899 : vector<16xf32>
      %get3A_1901 = arith.constant 94 : i32
      %get3A_1902 = arith.constant 0 : i32
      %get3A_1903 = arith.constant 0 : i32
      %get3A_1904 = tpu.memref_slice %arg8[%and3A_206, %get3A_1902, %get3A_1903] : memref<2x100x128xi32, #tpu.memory_space<vmem>> -> memref<1x100x128xi32, #tpu.memory_space<vmem>>
      %get3A_1905 = tpu.memref_squeeze %get3A_1904 : memref<1x100x128xi32, #tpu.memory_space<vmem>> -> memref<100x128xi32, #tpu.memory_space<vmem>>
      %get3A_1906 = arith.index_cast %get3A_1901 : i32 to index
      %get3A_1907 = arith.index_cast %mul3A_208 : i32 to index
      %get3A_1908 = tpu.vector_load %get3A_1905[%get3A_1906, %get3A_1907] {strides = array<i32>} : memref<100x128xi32, #tpu.memory_space<vmem>>, vector<16xi32>,
      %shift_left3A_1909 = arith.constant 4 : i32
      %shift_left3A_1910 = vector.broadcast %shift_left3A_1909 : i32 to vector<16xi32>
      %shift_left3A_1911 = arith.shli %get3A_1908, %shift_left3A_1910 : vector<16xi32>
      %add3A_1912 = arith.addi %shift_left3A_1911, %iota3A : vector<16xi32>
      %gather3A_1913 = tpu.vector_load_idx %arg10[%add3A_1912] : memref<16384xf32, #tpu.memory_space<vmem>>[vector<16xi32>], vector<16xf32>,
      %slice3A_1914 = vector.extract_strided_slice %get3A_148 {offsets = [14], sizes = [1], strides = [1]} : vector<16xf32> to vector<1xf32>
      %squeeze3A_1915 = vector.extract %slice3A_1914[0] : f32 from vector<1xf32>
      %mul3A_1916 = vector.broadcast %squeeze3A_1915 : f32 to vector<16xf32>
      %mul3A_1917 = arith.mulf %gather3A_1913, %mul3A_1916 : vector<16xf32>
      %add3A_1918 = arith.addf %add3A_1900, %mul3A_1917 : vector<16xf32>
      %get3A_1919 = arith.constant 95 : i32
      %get3A_1920 = arith.constant 0 : i32
      %get3A_1921 = arith.constant 0 : i32
      %get3A_1922 = tpu.memref_slice %arg8[%and3A_206, %get3A_1920, %get3A_1921] : memref<2x100x128xi32, #tpu.memory_space<vmem>> -> memref<1x100x128xi32, #tpu.memory_space<vmem>>
      %get3A_1923 = tpu.memref_squeeze %get3A_1922 : memref<1x100x128xi32, #tpu.memory_space<vmem>> -> memref<100x128xi32, #tpu.memory_space<vmem>>
      %get3A_1924 = arith.index_cast %get3A_1919 : i32 to index
      %get3A_1925 = arith.index_cast %mul3A_208 : i32 to index
      %get3A_1926 = tpu.vector_load %get3A_1923[%get3A_1924, %get3A_1925] {strides = array<i32>} : memref<100x128xi32, #tpu.memory_space<vmem>>, vector<16xi32>,
      %shift_left3A_1927 = arith.constant 4 : i32
      %shift_left3A_1928 = vector.broadcast %shift_left3A_1927 : i32 to vector<16xi32>
      %shift_left3A_1929 = arith.shli %get3A_1926, %shift_left3A_1928 : vector<16xi32>
      %add3A_1930 = arith.addi %shift_left3A_1929, %iota3A : vector<16xi32>
      %gather3A_1931 = tpu.vector_load_idx %arg10[%add3A_1930] : memref<16384xf32, #tpu.memory_space<vmem>>[vector<16xi32>], vector<16xf32>,
      %slice3A_1932 = vector.extract_strided_slice %get3A_148 {offsets = [15], sizes = [1], strides = [1]} : vector<16xf32> to vector<1xf32>
      %squeeze3A_1933 = vector.extract %slice3A_1932[0] : f32 from vector<1xf32>
      %mul3A_1934 = vector.broadcast %squeeze3A_1933 : f32 to vector<16xf32>
      %mul3A_1935 = arith.mulf %gather3A_1931, %mul3A_1934 : vector<16xf32>
      %add3A_1936 = arith.addf %add3A_1918, %mul3A_1935 : vector<16xf32>
      %get3A_1937 = arith.constant 96 : i32
      %get3A_1938 = arith.constant 0 : i32
      %get3A_1939 = arith.constant 0 : i32
      %get3A_1940 = tpu.memref_slice %arg8[%and3A_206, %get3A_1938, %get3A_1939] : memref<2x100x128xi32, #tpu.memory_space<vmem>> -> memref<1x100x128xi32, #tpu.memory_space<vmem>>
      %get3A_1941 = tpu.memref_squeeze %get3A_1940 : memref<1x100x128xi32, #tpu.memory_space<vmem>> -> memref<100x128xi32, #tpu.memory_space<vmem>>
      %get3A_1942 = arith.index_cast %get3A_1937 : i32 to index
      %get3A_1943 = arith.index_cast %mul3A_208 : i32 to index
      %get3A_1944 = tpu.vector_load %get3A_1941[%get3A_1942, %get3A_1943] {strides = array<i32>} : memref<100x128xi32, #tpu.memory_space<vmem>>, vector<16xi32>,
      %shift_left3A_1945 = arith.constant 4 : i32
      %shift_left3A_1946 = vector.broadcast %shift_left3A_1945 : i32 to vector<16xi32>
      %shift_left3A_1947 = arith.shli %get3A_1944, %shift_left3A_1946 : vector<16xi32>
      %add3A_1948 = arith.addi %shift_left3A_1947, %iota3A : vector<16xi32>
      %gather3A_1949 = tpu.vector_load_idx %arg10[%add3A_1948] : memref<16384xf32, #tpu.memory_space<vmem>>[vector<16xi32>], vector<16xf32>,
      %slice3A_1950 = vector.extract_strided_slice %get3A_150 {offsets = [0], sizes = [1], strides = [1]} : vector<16xf32> to vector<1xf32>
      %squeeze3A_1951 = vector.extract %slice3A_1950[0] : f32 from vector<1xf32>
      %mul3A_1952 = vector.broadcast %squeeze3A_1951 : f32 to vector<16xf32>
      %mul3A_1953 = arith.mulf %gather3A_1949, %mul3A_1952 : vector<16xf32>
      %add3A_1954 = arith.addf %add3A_1936, %mul3A_1953 : vector<16xf32>
      %get3A_1955 = arith.constant 97 : i32
      %get3A_1956 = arith.constant 0 : i32
      %get3A_1957 = arith.constant 0 : i32
      %get3A_1958 = tpu.memref_slice %arg8[%and3A_206, %get3A_1956, %get3A_1957] : memref<2x100x128xi32, #tpu.memory_space<vmem>> -> memref<1x100x128xi32, #tpu.memory_space<vmem>>
      %get3A_1959 = tpu.memref_squeeze %get3A_1958 : memref<1x100x128xi32, #tpu.memory_space<vmem>> -> memref<100x128xi32, #tpu.memory_space<vmem>>
      %get3A_1960 = arith.index_cast %get3A_1955 : i32 to index
      %get3A_1961 = arith.index_cast %mul3A_208 : i32 to index
      %get3A_1962 = tpu.vector_load %get3A_1959[%get3A_1960, %get3A_1961] {strides = array<i32>} : memref<100x128xi32, #tpu.memory_space<vmem>>, vector<16xi32>,
      %shift_left3A_1963 = arith.constant 4 : i32
      %shift_left3A_1964 = vector.broadcast %shift_left3A_1963 : i32 to vector<16xi32>
      %shift_left3A_1965 = arith.shli %get3A_1962, %shift_left3A_1964 : vector<16xi32>
      %add3A_1966 = arith.addi %shift_left3A_1965, %iota3A : vector<16xi32>
      %gather3A_1967 = tpu.vector_load_idx %arg10[%add3A_1966] : memref<16384xf32, #tpu.memory_space<vmem>>[vector<16xi32>], vector<16xf32>,
      %slice3A_1968 = vector.extract_strided_slice %get3A_150 {offsets = [1], sizes = [1], strides = [1]} : vector<16xf32> to vector<1xf32>
      %squeeze3A_1969 = vector.extract %slice3A_1968[0] : f32 from vector<1xf32>
      %mul3A_1970 = vector.broadcast %squeeze3A_1969 : f32 to vector<16xf32>
      %mul3A_1971 = arith.mulf %gather3A_1967, %mul3A_1970 : vector<16xf32>
      %add3A_1972 = arith.addf %add3A_1954, %mul3A_1971 : vector<16xf32>
      %get3A_1973 = arith.constant 98 : i32
      %get3A_1974 = arith.constant 0 : i32
      %get3A_1975 = arith.constant 0 : i32
      %get3A_1976 = tpu.memref_slice %arg8[%and3A_206, %get3A_1974, %get3A_1975] : memref<2x100x128xi32, #tpu.memory_space<vmem>> -> memref<1x100x128xi32, #tpu.memory_space<vmem>>
      %get3A_1977 = tpu.memref_squeeze %get3A_1976 : memref<1x100x128xi32, #tpu.memory_space<vmem>> -> memref<100x128xi32, #tpu.memory_space<vmem>>
      %get3A_1978 = arith.index_cast %get3A_1973 : i32 to index
      %get3A_1979 = arith.index_cast %mul3A_208 : i32 to index
      %get3A_1980 = tpu.vector_load %get3A_1977[%get3A_1978, %get3A_1979] {strides = array<i32>} : memref<100x128xi32, #tpu.memory_space<vmem>>, vector<16xi32>,
      %shift_left3A_1981 = arith.constant 4 : i32
      %shift_left3A_1982 = vector.broadcast %shift_left3A_1981 : i32 to vector<16xi32>
      %shift_left3A_1983 = arith.shli %get3A_1980, %shift_left3A_1982 : vector<16xi32>
      %add3A_1984 = arith.addi %shift_left3A_1983, %iota3A : vector<16xi32>
      %gather3A_1985 = tpu.vector_load_idx %arg10[%add3A_1984] : memref<16384xf32, #tpu.memory_space<vmem>>[vector<16xi32>], vector<16xf32>,
      %slice3A_1986 = vector.extract_strided_slice %get3A_150 {offsets = [2], sizes = [1], strides = [1]} : vector<16xf32> to vector<1xf32>
      %squeeze3A_1987 = vector.extract %slice3A_1986[0] : f32 from vector<1xf32>
      %mul3A_1988 = vector.broadcast %squeeze3A_1987 : f32 to vector<16xf32>
      %mul3A_1989 = arith.mulf %gather3A_1985, %mul3A_1988 : vector<16xf32>
      %add3A_1990 = arith.addf %add3A_1972, %mul3A_1989 : vector<16xf32>
      %get3A_1991 = arith.constant 99 : i32
      %get3A_1992 = arith.constant 0 : i32
      %get3A_1993 = arith.constant 0 : i32
      %get3A_1994 = tpu.memref_slice %arg8[%and3A_206, %get3A_1992, %get3A_1993] : memref<2x100x128xi32, #tpu.memory_space<vmem>> -> memref<1x100x128xi32, #tpu.memory_space<vmem>>
      %get3A_1995 = tpu.memref_squeeze %get3A_1994 : memref<1x100x128xi32, #tpu.memory_space<vmem>> -> memref<100x128xi32, #tpu.memory_space<vmem>>
      %get3A_1996 = arith.index_cast %get3A_1991 : i32 to index
      %get3A_1997 = arith.index_cast %mul3A_208 : i32 to index
      %get3A_1998 = tpu.vector_load %get3A_1995[%get3A_1996, %get3A_1997] {strides = array<i32>} : memref<100x128xi32, #tpu.memory_space<vmem>>, vector<16xi32>,
      %shift_left3A_1999 = arith.constant 4 : i32
      %shift_left3A_2000 = vector.broadcast %shift_left3A_1999 : i32 to vector<16xi32>
      %shift_left3A_2001 = arith.shli %get3A_1998, %shift_left3A_2000 : vector<16xi32>
      %add3A_2002 = arith.addi %shift_left3A_2001, %iota3A : vector<16xi32>
      %gather3A_2003 = tpu.vector_load_idx %arg10[%add3A_2002] : memref<16384xf32, #tpu.memory_space<vmem>>[vector<16xi32>], vector<16xf32>,
      %slice3A_2004 = vector.extract_strided_slice %get3A_150 {offsets = [3], sizes = [1], strides = [1]} : vector<16xf32> to vector<1xf32>
      %squeeze3A_2005 = vector.extract %slice3A_2004[0] : f32 from vector<1xf32>
      %mul3A_2006 = vector.broadcast %squeeze3A_2005 : f32 to vector<16xf32>
      %mul3A_2007 = arith.mulf %gather3A_2003, %mul3A_2006 : vector<16xf32>
      %add3A_2008 = arith.addf %add3A_1990, %mul3A_2007 : vector<16xf32>
      %add3A_2009 = vector.broadcast %squeeze3A : f32 to vector<16xf32>
      %add3A_2010 = arith.addf %add3A_2008, %add3A_2009 : vector<16xf32>
      %mul3A_2011 = arith.constant 16 : i32
      %mul3A_2012 = arith.muli %scan3A_157, %mul3A_2011 : i32
      %swap3A_2013 = arith.index_cast %mul3A_2012 : i32 to index
      %swap3A_2014 = tpu.vector_load %arg16[%swap3A_2013] {strides = array<i32>} : memref<512xf32, #tpu.memory_space<vmem>>, vector<16xf32>,
      tpu.vector_store %arg16[%swap3A_2013], %add3A_2010 {strides = array<i32>} : memref<512xf32, #tpu.memory_space<vmem>>, vector<16xf32>,
    }
    %scan3A_156 = arith.constant 32 : i32
    "tpu.region"() ({
      %run_scoped3A = tpu.sem_alloc : memref<!tpu.dma_semaphore, #tpu.memory_space<semaphore_mem>>
      %dma_start3A_157 = tpu.memref_slice %arg7[%mul3A_2] : memref<16384xf32, #tpu.memory_space<hbm>> -> memref<512xf32, #tpu.memory_space<hbm>>
      %dma_start3A_158 = tpu.memref_slice %arg7[%mul3A_2] : memref<16384xf32, #tpu.memory_space<hbm>> -> memref<512xf32, #tpu.memory_space<hbm>>
      tpu.enqueue_dma source(%arg16 : memref<512xf32, #tpu.memory_space<vmem>>) target(%dma_start3A_158 : memref<512xf32, #tpu.memory_space<hbm>>) target_semaphore(%run_scoped3A : memref<!tpu.dma_semaphore, #tpu.memory_space<semaphore_mem>>)
      %dma_wait3A_159 = tpu.memref_slice %arg7[%mul3A_2] : memref<16384xf32, #tpu.memory_space<hbm>> -> memref<512xf32, #tpu.memory_space<hbm>>
      %dma_wait3A_160 = tpu.memref_slice %arg7[%mul3A_2] : memref<16384xf32, #tpu.memory_space<hbm>> -> memref<512xf32, #tpu.memory_space<hbm>>
      tpu.wait_dma2 semaphore(%run_scoped3A : memref<!tpu.dma_semaphore, #tpu.memory_space<semaphore_mem>>) src(%arg16 : memref<512xf32, #tpu.memory_space<vmem>>) dst(%dma_wait3A_160 : memref<512xf32, #tpu.memory_space<hbm>>)
      tpu.yield
    }) : () -> ()
    return
  }
}

</mosaic_0001>

<sc_bundles>
// kernel: kernel.3.cloned.1.call-start
scs
__scs_entry_jumppad:
0x0: {  	(pc) =	sbr.rel $0x88, $3  }
0x1: {  	(tag) =	ssettag $0x0;
	lr =	simm.s32 $0x1  }
0x2: {  	[smem:$0x3F9C] =	sst lr;
	_ =	strace $0xD0000000  }
0x3: {  	_ = 	snop  }
0x4: {  	_ = 	snop  }
0x5: {  	_ = 	snop  }
0x6: {  	_ = 	snop  }
0x7: {  	_ = 	snop  }
__scs_overlays_trampoline_lowered:
0x8: {  	[smem:$0x3FAB] =	sst s0  }
0x9: {  	[smem:$0x3FAC] =	sst s1  }
0xa: {  	[smem:$0x3FAD] =	sst s2  }
0xb: {  	[smem:$0x3FAE] =	sst s3  }
0xc: {  	[smem:$0x3FAF] =	sst s4  }
0xd: {  	[smem:$0x3FB0] =	sst s5  }
0xe: {  	[smem:$0x3FB1] =	sst s6  }
0xf: {  	[smem:$0x3FB2] =	sst s7  }
0x10: {  	[smem:$0x3FB3] =	sst s8  }
0x11: {  	[smem:$0x3FB4] =	sst s9;
	s0 =	simm.s32 @!p0 $0x0  }
0x12: {  	s1 =	sld [smem:$0x3F9A];
	s0 =	simm.s32 @p0 $0x1  }
0x13: {  	[smem:$0x3FB5] =	sst s0;
	s0 =	simm.s32 @!p1 $0x0  }
0x14: {  	s2 =	sld [smem:$0x3F99];
	s0 =	simm.s32 @p1 $0x1  }
0x15: {  	[smem:$0x3FB6] =	sst s0;
	s0 =	simm.s32 @!p2 $0x0  }
0x16: {  	s3 =	sld [smem:$0x3FDB];
	s0 =	simm.s32 @p2 $0x1  }
0x17: {  	s4 =	simm.s32 $0x1BF5;
	[smem:$0x3FB8] =	sst s0  }
0x18: {  	s0 =	sld [smem:$0x3F9B];
	_ =	swait.ge [sflag:s4], $0x0  }
0x19: {  	s7 =	sld [smem:$0x3F9C]  }
0x1a: {  	s8 =	sadd.s32 $0xFFFFE003, lr  }
0x1b: {  	s9 =	sadd.s32 $0xFFFFFEF7, lr;
	s5 =	simm.s32 $0xFFFFFFFF;
	p2 =	slt.u32 s8, $0xFFFFF086  }
0x1c: {  	p1 =	slt.u32 s9, $0xF7A;
	s5 =	simm.s32 @!p2 $0x0  }
0x1d: {  	s5 =	simm.s32 @p1 $0x1;
	p0 =	seq.s32 s7, s2  }
0x1e: {  	s7 =	smul.u32 @!p0 $0xF7A, s2;
	p2 =	seq.s32 @!p0 s5, $0x0  }
0x1f: {  	s9 =	smul.u32 $0xF7A, s1;
	s8 =	simm.s32 @!p0 $0x1BF5;
	p2 =	por !p2, p0  }
0x20: {  	[sflag:s8] =	ssyncset.s32 @!p0 $0xFFFFF086;
	s6 =	sadd.s32 @!p0 s3, s7;
	s7 =	simm.s32 @!p0 $0x108  }
0x21: {  	s3 =	sadd.s32 s3, s9;
	s6 =	sadd.s32 @!p0 $0x88, s6;
	s7 =	simm.s32 @p2 $0x1082  }
0x22: {  	[simem:s7], [sflag:s8] =	dma.local @!p0 [hbm:s6], $0xF7A  }
0x23: {  	s9 =	sor.u32 $0xD0000000, s2;
	s6 =	simm.s32 $0x108;
	_ =	swait.ge @!p0 [sflag:s8], $0x0  }
0x24: {  	s3 =	sadd.s32 $0x88, s3;
	s6 =	simm.s32 @!p1 $0x1082;
	[sflag:s4] =	ssyncset.s32 $0xFFFFF086  }
0x25: {  	[simem:s6], [sflag:s4] =	dma.local [hbm:s3], $0xF7A  }
0x26: {  	[smem:$0x3F9C] =	sst s1;
	(tag) =	ssettag s2;
	_ =	strace s9  }
0x27: {  	s1 =	sld [smem:$0x3FAC]  }
0x28: {  	s2 =	sld [smem:$0x3FAD]  }
0x29: {  	s4 =	sld [smem:$0x3FAF]  }
0x2a: {  	p0 =	seq.s32 s5, $0x0;
	s5 =	sld [smem:$0x3FB0]  }
0x2b: {  	s6 =	sld [smem:$0x3FB1]  }
0x2c: {  	s7 =	sld [smem:$0x3FB2]  }
0x2d: {  	s3 =	simm.s32 $0x108;
	s8 =	sld [smem:$0x3FB3]  }
0x2e: {  	s3 =	simm.s32 @!p0 $0x1082;
	s9 =	sld [smem:$0x3FB4]  }
0x2f: {  	lr =	sadd.s32 s0, s3;
	s0 =	sld [smem:$0x3FAB]  }
0x30: {  	s3 =	sld [smem:$0x3FAE]  }
0x31: {  	[smem:$0x3FB7] =	sst s10  }
0x32: {  	s10 =	sld [smem:$0x3FB5];
	_ =	sdelay $0x3  }
0x33: {  	p0 =	seq.s32 s10, $0x1;
	s10 =	sld [smem:$0x3FB7];
	_ =	sdelay $0x3  }
0x34: {  	[smem:$0x3FB7] =	sst s10  }
0x35: {  	s10 =	sld [smem:$0x3FB6];
	_ =	sdelay $0x3  }
0x36: {  	p1 =	seq.s32 s10, $0x1;
	s10 =	sld [smem:$0x3FB7];
	_ =	sdelay $0x3  }
0x37: {  	[smem:$0x3FB7] =	sst s10  }
0x38: {  	s10 =	sld [smem:$0x3FB8]  }
0x39: {  	_ = 	snop;
	(pc) =	sbr.ind lr, $3  }
0x3a: {  	_ = 	snop  }
0x3b: {  	_ = 	snop  }
0x3c: {  	p2 =	seq.s32 s10, $0x1;
	s10 =	sld [smem:$0x3FB7]  }
0x3d: {  	_ =	shalt  }
0x3e: {  	_ =	shalt  }
0x3f: {  	_ =	shalt  }
0x40: {  	_ =	shalt  }
0x41: {  	_ =	shalt  }
0x42: {  	_ =	shalt  }
0x43: {  	_ =	shalt  }
0x44: {  	_ =	shalt  }
0x45: {  	_ =	shalt  }
0x46: {  	_ =	shalt  }
0x47: {  	_ =	shalt  }
0x48: {  	_ =	shalt  }
0x49: {  	_ =	shalt  }
0x4a: {  	_ =	shalt  }
0x4b: {  	_ =	shalt  }
0x4c: {  	_ =	shalt  }
0x4d: {  	_ =	shalt  }
0x4e: {  	_ =	shalt  }
0x4f: {  	_ =	shalt  }
0x50: {  	_ =	shalt  }
0x51: {  	_ =	shalt  }
0x52: {  	_ =	shalt  }
0x53: {  	_ =	shalt  }
0x54: {  	_ =	shalt  }
0x55: {  	_ =	shalt  }
0x56: {  	_ =	shalt  }
0x57: {  	_ =	shalt  }
0x58: {  	_ =	shalt  }
0x59: {  	_ =	shalt  }
0x5a: {  	_ =	shalt  }
0x5b: {  	_ =	shalt  }
0x5c: {  	_ =	shalt  }
0x5d: {  	_ =	shalt  }
0x5e: {  	_ =	shalt  }
0x5f: {  	_ =	shalt  }
0x60: {  	_ =	shalt  }
0x61: {  	_ =	shalt  }
0x62: {  	_ =	shalt  }
0x63: {  	_ =	shalt  }
0x64: {  	_ =	shalt  }
0x65: {  	_ =	shalt  }
0x66: {  	_ =	shalt  }
0x67: {  	_ =	shalt  }
0x68: {  	_ =	shalt  }
0x69: {  	_ =	shalt  }
0x6a: {  	_ =	shalt  }
0x6b: {  	_ =	shalt  }
0x6c: {  	_ =	shalt  }
0x6d: {  	_ =	shalt  }
0x6e: {  	_ =	shalt  }
0x6f: {  	_ =	shalt  }
0x70: {  	_ =	shalt  }
0x71: {  	_ =	shalt  }
0x72: {  	_ =	shalt  }
0x73: {  	_ =	shalt  }
0x74: {  	_ =	shalt  }
0x75: {  	_ =	shalt  }
0x76: {  	_ =	shalt  }
0x77: {  	_ =	shalt  }
0x78: {  	_ =	shalt  }
0x79: {  	_ =	shalt  }
0x7a: {  	_ =	shalt  }
0x7b: {  	_ =	shalt  }
0x7c: {  	_ =	shalt  }
0x7d: {  	_ =	shalt  }
0x7e: {  	_ =	shalt  }
0x7f: {  	_ =	shalt  }
0x80: {  	_ =	shalt  }
0x81: {  	_ =	shalt  }
0x82: {  	_ =	shalt  }
0x83: {  	_ =	shalt  }
0x84: {  	_ =	shalt  }
0x85: {  	_ =	shalt  }
0x86: {  	_ =	shalt  }
0x87: {  	_ =	shalt  }
.Lfunc_end0:
.L_simem_size_0:
called_computation_lowered:
.L_overlay_start_0:
0x88: {  	s2 =	sld [smem:$0x3FD9]  }
0x89: {  	s3 =	sld [smem:$0x3FFE];
	_ =	sdelay $0x1  }
0x8a: {  	s1 =	srdreg.scid  }
0x8b: {  	s0 =	sand.u32 $0x1, s1  }
0x8c: {  	s18 =	sshll.u32 s0, $0xA;
	s2 =	sadd.s32 s3, s2  }
0x8d: {  	s2 =	sadd.s32 s2, s18  }
0x8e: {  	[smem:$0x3FC3] =	sst s2  }
0x8f: {  	_ = 	snop  }
0x90: {  	s2 =	sld [smem:$0x3FC9]  }
0x91: {  	s19 =	sld [smem:$0x3FC8]  }
0x92: {  	s4 =	sld [smem:$0x3FC7]  }
0x93: {  	s5 =	sld [smem:$0x3FC6]  }
0x94: {  	s6 =	sld [smem:$0x3FC5]  }
0x95: {  	s7 =	sld [smem:$0x3FD0];
	(tm) =	ssettm $0x1  }
0x96: {  	s8 =	sld [smem:$0x3FFB];
	_ =	sdelay $0x3  }
0x97: {  	_ =	strace s8  }
0x98: {  	s8 =	sld [smem:$0x3FFC];
	_ =	sdelay $0x3  }
0x99: {  	_ =	strace s8  }
0x9a: {  	s8 =	sld [smem:$0x3FFD];
	_ =	sdelay $0x3  }
0x9b: {  	_ =	strace s8  }
0x9c: {  	_ =	strace $0x8FFFFFFF  }
0x9d: {  	s20 =	sld [smem:$0x3FDB];
	_ =	sdelay $0x1  }
0x9e: {  	s9 =	simm.s32 $_scs_section_size  }
0x9f: {  	s10 =	simm.s32 $_size__tile_overlayer_lowered;
	s11 =	simm.s32 $_tile_overlayer_lowered  }
0xa0: {  	s23 =	simm.s32 $0x1BFF;
	s22 =	sshll.u32 s11, $0x1;
	s8 =	sadd.s32 s9, s20  }
0xa1: {  	s12 =	simm.s32 $0x0;
	s21 =	sshll.u32 s10, $0x1;
	s10 =	sadd.s32 s22, s8  }
0xa2: {  	[timem:s12], [sflag:s23] =	dma.local [hbm:s10], s21  }
0xa3: {  	_ =	swait.ge [sflag:s23], s21  }
0xa4: {  	s9 =	ssub.s32 $0x0, s21;
	[sflag:s23] =	ssyncset.done $0x0  }
0xa5: {  	[sflag:s23] =	ssyncadd.s32 s9;
	_ =	sdelay $0x1  }
0xa6: {  	s24 =	simm.s32 $0x1B8B  }
0xa7: {  	_ =	swait.ge [sflag:s24], $0x1  }
0xa8: {  	[sflag:s24] =	ssyncset.done $0x0  }
0xa9: {  	s25 =	simm.s32 $0x1B8E;
	[sflag:s24] =	ssyncadd.s32 $0xFFFFFFFF  }
0xaa: {  	s26 =	simm.s32 $execute0_lowered;
	[smem:$0x3FD2] =	sst s25  }
0xab: {  	s9 =	sshll.u32 s26, $0x1;
	_ =	strace $0x80000046;
	[dreg:$0x1] =	wrdreg $0xFFFFFFFF  }
0xac: {  	s28 =	simm.s32 $_size_execute0_lowered;
	s8 =	sadd.s32 s8, s9;
	[dreg:$0x0] =	wrdreg $0x0  }
0xad: {  	s9 =	sshll.u32 s28, $0x1;
	[dreg:$0x2] =	wrdreg s8  }
0xae: {  	[dreg:$0x3] =	wrdreg s9  }
0xaf: {  	[dreg:$0x4] =	wrdreg $0xC0  }
0xb0: {  	_ =	task [dreg:s12], $0x5FFFF  }
0xb1: {  	[dreg:$0x1] =	wrdreg $0xFFFFFFFF  }
0xb2: {  	[dreg:$0x0] =	wrdreg $0x60  }
0xb3: {  	[dreg:$0x2] =	wrdreg s2  }
0xb4: {  	[dreg:$0x3] =	wrdreg s19  }
0xb5: {  	[dreg:$0x4] =	wrdreg s5  }
0xb6: {  	[dreg:$0x5] =	wrdreg s4  }
0xb7: {  	[dreg:$0x6] =	wrdreg s6  }
0xb8: {  	[dreg:$0x7] =	wrdreg s7  }
0xb9: {  	[dreg:$0x8] =	wrdreg $0xC0000  }
0xba: {  	[dreg:$0x9] =	wrdreg $0x9  }
0xbb: {  	_ =	task.clear_ibuf [dreg:s12], $0xAFFFF;
	_ =	strace $0x90000046  }
0xbc: {  	s29 =	simm.s32 $0x9;
	_ =	strace $0x80000048  }
0xbd: {  	_ =	swait.ge [sflag:s29], $0x1  }
0xbe: {  	[sflag:s29] =	ssyncadd.s32 $0xFFFFFFFF  }
0xbf: {  	_ =	strace $0x90000048  }
0xc0: {  	_ =	sfence  }
0xc1: {  	s30 =	sld [smem:$0x0];
	_ =	sdelay $0x2  }
0xc2: {  	s31 =	sshll.u32 s1, $0xD;
	s1 =	sshrl.u32 s1, $0x2  }
0xc3: {  	s3 =	sand.u32 $0x4000, s31;
	s1 =	sadd.s32 s1, s30  }
0xc4: {  	s0 =	sor.u32 s3, s0;
	s1 =	sshll.u32 s1, $0x11  }
0xc5: {  	s0 =	sor.u32 s1, s0  }
0xc6: {  	s0 =	sadd.s32 $0x8F2B, s0  }
0xc7: {  	[sflag:s0] =	ssyncadd.remote.s32 $0x1  }
0xc8: {  	_ =	sfence.sel $0xFFFF  }
0xc9: {  	[dreg:$0x0] =	wrdreg $0xFFFFFFFF;
	(pc) =	sbr.abs _section_cstart, $3  }
0xca: {  	[dreg:$0x1] =	wrdreg $0xFFFFFFFF  }
0xcb: {  	_ =	task.clear_ibuf [dreg:s12], $0x2FFFF;
	_ =	strace $0x9FFFFFFF  }
0xcc: {  	(tm) =	ssettm $0x7FFFFFFF  }
0xcd: {  	_ =	shalt  }
tec
execute0_lowered:
.L_overlay_start_1:
0x0: {  	(tag) =	ssettag $0x1  }
0x1: {  	s0 =	rddreg [dreg:$0x0]  }
0x2: {  	s9 =	rddreg [dreg:$0x1]  }
0x3: {  	s2 =	rddreg [dreg:$0x3]  }
0x4: {  	s3 =	rddreg [dreg:$0x4]  }
0x5: {  	s11 =	rddreg [dreg:$0x5]  }
0x6: {  	s5 =	rddreg [dreg:$0x6];
	s7 =	srdreg.scid;
	s6 =	simm.s32 $0x0  }
0x7: {  	s1 =	stileid.u32;
	s14 =	simm.s32 $0x20000;
	s15 =	simm.s32 $0x3000  }
0x8: {  	s16 =	simm.s32 $0xBD00;
	s17 =	simm.s32 $0xBD80;
	s18 =	simm.s32 $0x2000  }
0x9: {  	s19 =	simm.s32 $0xAC00;
	s20 =	simm.s32 $0xBC00;
	s21 =	simm.s32 $0x2  }
0xa: {  	s22 =	simm.s32 $0x6800;
	s23 =	simm.s32 $0x3;
	s24 =	simm.s32 $0x1  }
0xb: {  	s25 =	simm.s32 $0x6C00;
	s28 =	simm.s32 $0x0;
	s7 =	sand.u32 $0x1, s7  }
0xc: {  	[smem:$0x7FF] =	sst s6;
	s8 =	sshll.u32 s1, $0xA;
	s29 =	sshll.u32 s1, $0x7  }
0xd: {  	p0 =	sgt.u32 s1, $0x7;
	s10 =	sshll.u32 s7, $0x9;
	_ =	strace $0x80000047  }
.Ltmp0:
0xe: {  	s12 =	ssub.s32 $0x2, s7;
	s30 =	sand.u32 $0x380, s29;
	(pc) =	sbr.rel .LBB2_1-.Ltmp0, $4  }
0xf: {  	s13 =	sor.u32 s10, s8;
	s26 =	sshrl.u32 s12, $0x1;
	s9 =	sadd.s32 s9, s30  }
0x10: {  	s10 =	sadd.s32 s29, s5;
	s7 =	sadd.s32 s0, s13;
	s12 =	ssub.s32 s12, s26  }
0x11: {  	s31 =	sshrl.u32 s13, $0x3;
	s13 =	simm.s32 $0x400;
	s26 =	simm.s32 $0xBE00  }
0x12: {  	v0 =	vlaneseq.u32;
	s8 =	sadd.s32 $0x30000, s7;
	s11 =	sadd.s32 s11, s31;
	s12 =	smax.u32 s12, $0x1  }
.LBB2_25:
0x13: {  	s28 =	sadd.s32 $0x1, s28  }
0x14: {  	p1 =	sne.s32 s28, s12  }
.Ltmp1:
0x15: {  	_ = 	snop;
	(pc) =	sbr.rel @!p1 .LBB2_26-.Ltmp1, $4  }
0x16: {  	[hbm4b:s11+s6] =	stream.linear.scatter [tilespmem:s26], [sflag:$0x3], $0x200, $0x38;
	[tilespmem:$0xC040] =	vst v63  }
0x17: {  	_ =	swait.ge [sflag:s23], $0x200  }
0x18: {  	[sflag:s23] =	ssyncset.done $0x0  }
0x19: {  	[sflag:s23] =	ssyncadd.s32 $0xFFFFFE00  }
.LBB2_1:
0x1a: {  	[tilespmem:s6], [sflag:$0x1] =	stream.strided.gather [hbm4b:s7+s13], $0x3000, s14, s13, $0x38;
	[tilespmem:$0xC040] =	vst v63  }
0x1b: {  	_ = 	snop  }
0x1c: {  	[tilespmem:s15], [sflag:$0x1] =	stream.linear.gather [hbm4b:s8+s6], $0x200, $0x38;
	[tilespmem:$0xC040] =	vst v63  }
0x1d: {  	_ = 	snop  }
0x1e: {  	[tilespmem:s16], [sflag:$0x2] =	stream.linear.gather [hbm4b:s2+s6], $0x64, $0x38;
	[tilespmem:$0xC040] =	vst v63  }
0x1f: {  	_ = 	snop  }
0x20: {  	[tilespmem:s17], [sflag:$0x2] =	stream.linear.gather [hbm4b:s3+s6], $0x1, $0x38;
	[tilespmem:$0xC040] =	vst v63  }
0x21: {  	_ = 	snop  }
0x22: {  	[tilespmem:s19], [sflag:$0x2] =	stream.strided.gather [hbm4b:s9+s13], $0x1000, s18, s13, $0x38;
	[tilespmem:$0xC040] =	vst v63  }
0x23: {  	s0 =	rddreg [dreg:$0x2]  }
0x24: {  	[tilespmem:s20], [sflag:$0x2] =	stream.linear.gather [hbm4b:s0+s6], $0x20, $0x38;
	[tilespmem:$0xC040] =	vst v63  }
0x25: {  	_ =	swait.ge [sflag:s21], $0x64  }
0x26: {  	[sflag:s21] =	ssyncset.done $0x0  }
0x27: {  	[sflag:s21] =	ssyncadd.s32 $0xFFFFFF9C  }
0x28: {  	_ =	swait.ge [sflag:s21], $0x1  }
0x29: {  	[sflag:s21] =	ssyncset.done $0x0  }
0x2a: {  	[sflag:s21] =	ssyncadd.s32 $0xFFFFFFFF  }
0x2b: {  	_ =	swait.ge [sflag:s21], $0x1000  }
0x2c: {  	[sflag:s21] =	ssyncset.done $0x0  }
0x2d: {  	[sflag:s21] =	ssyncadd.s32 $0xFFFFF000  }
0x2e: {  	_ =	swait.ge [sflag:s21], $0x20  }
0x2f: {  	[sflag:s21] =	ssyncset.done $0x0  }
0x30: {  	s4 =	simm.s32 $0xBC02;
	[sflag:s21] =	ssyncadd.s32 $0xFFFFFFE0  }
0x31: {  	s29 =	simm.s32 $0xAD00;
	v6 =	vld.msk [tilespmem:s4+$0xFFFFFFFE ss:$0x0], $0xffff  }
0x32: {  	v8 =	vld [tilespmem:s29+$0xFFFFFF00]  }
0x33: {  	v3 =	vld.msk [tilespmem:s4+$0xFFFFFFFF ss:$0x0], $0xffff  }
0x34: {  	v5 =	vld [tilespmem:s29+$0xFFFFFF80]  }
0x35: {  	v1 =	vld.msk [tilespmem:s4+$0x0 ss:$0x0], $0xffff  }
0x36: {  	v4 =	vld [tilespmem:s29+$0x0]  }
0x37: {  	v2 =	vld.msk [tilespmem:s4+$0x1 ss:$0x0], $0xffff;
	v8 =	vmul.f32 v6, v8  }
0x38: {  	v7 =	vimm.f32 $0.0e+00;
	s30 =	simm.s32 $0x0;
	s31 =	simm.s32 $0xBC06;
	v6 =	vld [tilespmem:s29+$0x80]  }
.LBB2_2:
0x39: {  	v9 =	vld.msk [tilespmem:s31+$0xFFFFFFFE ss:$0x0], $0xffff;
	s30 =	sadd.s32 $0x4, s30;
	v7 =	vadd.f32 v8, v7;
	v5 =	vmul.f32 v3, v5;
	s29 =	sadd.s32 $0x200, s29  }
0x3a: {  	v8 =	vld [tilespmem:s29+$0xFFFFFF00];
	p1 =	slt.u32 s30, $0x1C  }
0x3b: {  	v3 =	vld.msk [tilespmem:s31+$0xFFFFFFFF ss:$0x0], $0xffff;
	v7 =	vadd.f32 v5, v7;
	v4 =	vmul.f32 v1, v4  }
.Ltmp2:
0x3c: {  	v5 =	vld [tilespmem:s29+$0xFFFFFF80];
	(pc) =	sbr.rel @p1 .LBB2_2-.Ltmp2, $4  }
0x3d: {  	v1 =	vld.msk [tilespmem:s31+$0x0 ss:$0x0], $0xffff;
	v7 =	vadd.f32 v4, v7;
	v6 =	vmul.f32 v2, v6  }
0x3e: {  	v4 =	vld [tilespmem:s29+$0x0]  }
0x3f: {  	v8 =	vmul.f32 v9, v8;
	v2 =	vld.msk [tilespmem:s31+$0x1 ss:$0x0], $0xffff;
	v7 =	vadd.f32 v6, v7  }
0x40: {  	s31 =	sadd.s32 $0x4, s31;
	v6 =	vld [tilespmem:s29+$0x80]  }
0x41: {  	v7 =	vadd.f32 v8, v7;
	v3 =	vmul.f32 v3, v5;
	_ =	sdelay $0x1  }
0x42: {  	v3 =	vadd.f32 v3, v7;
	v1 =	vmul.f32 v1, v4;
	_ =	sdelay $0x1  }
0x43: {  	v1 =	vadd.f32 v1, v3;
	v2 =	vmul.f32 v2, v6;
	_ =	sdelay $0x1  }
0x44: {  	v1 =	vadd.f32 v2, v1;
	_ =	sdelay $0x1  }
0x45: {  	s0 =	simm.s32 $0xBC02;
	[tilespmem:$0xBC80] =	vst v1  }
0x46: {  	s29 =	simm.s32 $0xAD10;
	v6 =	vld.msk [tilespmem:s0+$0xFFFFFFFE ss:$0x0], $0xffff  }
0x47: {  	v8 =	vld [tilespmem:s29+$0xFFFFFF00]  }
0x48: {  	v3 =	vld.msk [tilespmem:s0+$0xFFFFFFFF ss:$0x0], $0xffff  }
0x49: {  	v5 =	vld [tilespmem:s29+$0xFFFFFF80]  }
0x4a: {  	v1 =	vld.msk [tilespmem:s0+$0x0 ss:$0x0], $0xffff  }
0x4b: {  	v4 =	vld [tilespmem:s29+$0x0]  }
0x4c: {  	v2 =	vld.msk [tilespmem:s0+$0x1 ss:$0x0], $0xffff;
	v8 =	vmul.f32 v6, v8  }
0x4d: {  	s30 =	simm.s32 $0x0;
	s31 =	simm.s32 $0xBC06;
	v7 =	vimm.f32 $0.0e+00;
	v6 =	vld [tilespmem:s29+$0x80]  }
.LBB2_4:
0x4e: {  	v9 =	vld.msk [tilespmem:s31+$0xFFFFFFFE ss:$0x0], $0xffff;
	s30 =	sadd.s32 $0x4, s30;
	v7 =	vadd.f32 v8, v7;
	v5 =	vmul.f32 v3, v5;
	s29 =	sadd.s32 $0x200, s29  }
0x4f: {  	v8 =	vld [tilespmem:s29+$0xFFFFFF00];
	p1 =	slt.u32 s30, $0x1C  }
0x50: {  	v3 =	vld.msk [tilespmem:s31+$0xFFFFFFFF ss:$0x0], $0xffff;
	v7 =	vadd.f32 v5, v7;
	v4 =	vmul.f32 v1, v4  }
.Ltmp3:
0x51: {  	v5 =	vld [tilespmem:s29+$0xFFFFFF80];
	(pc) =	sbr.rel @p1 .LBB2_4-.Ltmp3, $4  }
0x52: {  	v1 =	vld.msk [tilespmem:s31+$0x0 ss:$0x0], $0xffff;
	v7 =	vadd.f32 v4, v7;
	v6 =	vmul.f32 v2, v6  }
0x53: {  	v4 =	vld [tilespmem:s29+$0x0]  }
0x54: {  	v8 =	vmul.f32 v9, v8;
	v2 =	vld.msk [tilespmem:s31+$0x1 ss:$0x0], $0xffff;
	v7 =	vadd.f32 v6, v7  }
0x55: {  	s31 =	sadd.s32 $0x4, s31;
	v6 =	vld [tilespmem:s29+$0x80]  }
0x56: {  	v7 =	vadd.f32 v8, v7;
	v3 =	vmul.f32 v3, v5;
	_ =	sdelay $0x1  }
0x57: {  	v3 =	vadd.f32 v3, v7;
	v1 =	vmul.f32 v1, v4;
	_ =	sdelay $0x1  }
0x58: {  	v1 =	vadd.f32 v1, v3;
	v2 =	vmul.f32 v2, v6;
	_ =	sdelay $0x1  }
0x59: {  	v1 =	vadd.f32 v2, v1;
	_ =	sdelay $0x1  }
0x5a: {  	s0 =	simm.s32 $0xBC02;
	[tilespmem:$0xBC90] =	vst v1  }
0x5b: {  	s29 =	simm.s32 $0xAD20;
	v6 =	vld.msk [tilespmem:s0+$0xFFFFFFFE ss:$0x0], $0xffff  }
0x5c: {  	v8 =	vld [tilespmem:s29+$0xFFFFFF00]  }
0x5d: {  	v3 =	vld.msk [tilespmem:s0+$0xFFFFFFFF ss:$0x0], $0xffff  }
0x5e: {  	v5 =	vld [tilespmem:s29+$0xFFFFFF80]  }
0x5f: {  	v1 =	vld.msk [tilespmem:s0+$0x0 ss:$0x0], $0xffff  }
0x60: {  	v4 =	vld [tilespmem:s29+$0x0]  }
0x61: {  	v2 =	vld.msk [tilespmem:s0+$0x1 ss:$0x0], $0xffff;
	v8 =	vmul.f32 v6, v8  }
0x62: {  	s30 =	simm.s32 $0x0;
	s31 =	simm.s32 $0xBC06;
	v7 =	vimm.f32 $0.0e+00;
	v6 =	vld [tilespmem:s29+$0x80]  }
.LBB2_6:
0x63: {  	v9 =	vld.msk [tilespmem:s31+$0xFFFFFFFE ss:$0x0], $0xffff;
	s30 =	sadd.s32 $0x4, s30;
	v7 =	vadd.f32 v8, v7;
	v5 =	vmul.f32 v3, v5;
	s29 =	sadd.s32 $0x200, s29  }
0x64: {  	v8 =	vld [tilespmem:s29+$0xFFFFFF00];
	p1 =	slt.u32 s30, $0x1C  }
0x65: {  	v3 =	vld.msk [tilespmem:s31+$0xFFFFFFFF ss:$0x0], $0xffff;
	v7 =	vadd.f32 v5, v7;
	v4 =	vmul.f32 v1, v4  }
.Ltmp4:
0x66: {  	v5 =	vld [tilespmem:s29+$0xFFFFFF80];
	(pc) =	sbr.rel @p1 .LBB2_6-.Ltmp4, $4  }
0x67: {  	v1 =	vld.msk [tilespmem:s31+$0x0 ss:$0x0], $0xffff;
	v7 =	vadd.f32 v4, v7;
	v6 =	vmul.f32 v2, v6  }
0x68: {  	v4 =	vld [tilespmem:s29+$0x0]  }
0x69: {  	v8 =	vmul.f32 v9, v8;
	v2 =	vld.msk [tilespmem:s31+$0x1 ss:$0x0], $0xffff;
	v7 =	vadd.f32 v6, v7  }
0x6a: {  	s31 =	sadd.s32 $0x4, s31;
	v6 =	vld [tilespmem:s29+$0x80]  }
0x6b: {  	v7 =	vadd.f32 v8, v7;
	v3 =	vmul.f32 v3, v5;
	_ =	sdelay $0x1  }
0x6c: {  	v3 =	vadd.f32 v3, v7;
	v1 =	vmul.f32 v1, v4;
	_ =	sdelay $0x1  }
0x6d: {  	v1 =	vadd.f32 v1, v3;
	v2 =	vmul.f32 v2, v6;
	_ =	sdelay $0x1  }
0x6e: {  	v1 =	vadd.f32 v2, v1;
	_ =	sdelay $0x1  }
0x6f: {  	s0 =	simm.s32 $0xBC02;
	[tilespmem:$0xBCA0] =	vst v1  }
0x70: {  	s29 =	simm.s32 $0xAD30;
	v6 =	vld.msk [tilespmem:s0+$0xFFFFFFFE ss:$0x0], $0xffff  }
0x71: {  	v8 =	vld [tilespmem:s29+$0xFFFFFF00]  }
0x72: {  	v3 =	vld.msk [tilespmem:s0+$0xFFFFFFFF ss:$0x0], $0xffff  }
0x73: {  	v5 =	vld [tilespmem:s29+$0xFFFFFF80]  }
0x74: {  	v1 =	vld.msk [tilespmem:s0+$0x0 ss:$0x0], $0xffff  }
0x75: {  	v4 =	vld [tilespmem:s29+$0x0]  }
0x76: {  	v2 =	vld.msk [tilespmem:s0+$0x1 ss:$0x0], $0xffff;
	v8 =	vmul.f32 v6, v8  }
0x77: {  	s30 =	simm.s32 $0x0;
	s31 =	simm.s32 $0xBC06;
	v7 =	vimm.f32 $0.0e+00;
	v6 =	vld [tilespmem:s29+$0x80]  }
.LBB2_8:
0x78: {  	v9 =	vld.msk [tilespmem:s31+$0xFFFFFFFE ss:$0x0], $0xffff;
	s30 =	sadd.s32 $0x4, s30;
	v7 =	vadd.f32 v8, v7;
	v5 =	vmul.f32 v3, v5;
	s29 =	sadd.s32 $0x200, s29  }
0x79: {  	v8 =	vld [tilespmem:s29+$0xFFFFFF00];
	p1 =	slt.u32 s30, $0x1C  }
0x7a: {  	v3 =	vld.msk [tilespmem:s31+$0xFFFFFFFF ss:$0x0], $0xffff;
	v7 =	vadd.f32 v5, v7;
	v4 =	vmul.f32 v1, v4  }
.Ltmp5:
0x7b: {  	v5 =	vld [tilespmem:s29+$0xFFFFFF80];
	(pc) =	sbr.rel @p1 .LBB2_8-.Ltmp5, $4  }
0x7c: {  	v1 =	vld.msk [tilespmem:s31+$0x0 ss:$0x0], $0xffff;
	v7 =	vadd.f32 v4, v7;
	v6 =	vmul.f32 v2, v6  }
0x7d: {  	v4 =	vld [tilespmem:s29+$0x0]  }
0x7e: {  	v8 =	vmul.f32 v9, v8;
	v2 =	vld.msk [tilespmem:s31+$0x1 ss:$0x0], $0xffff;
	v7 =	vadd.f32 v6, v7  }
0x7f: {  	s31 =	sadd.s32 $0x4, s31;
	v6 =	vld [tilespmem:s29+$0x80]  }
0x80: {  	v7 =	vadd.f32 v8, v7;
	v3 =	vmul.f32 v3, v5;
	_ =	sdelay $0x1  }
0x81: {  	v3 =	vadd.f32 v3, v7;
	v1 =	vmul.f32 v1, v4;
	_ =	sdelay $0x1  }
0x82: {  	v1 =	vadd.f32 v1, v3;
	v2 =	vmul.f32 v2, v6;
	_ =	sdelay $0x1  }
0x83: {  	v1 =	vadd.f32 v2, v1;
	_ =	sdelay $0x1  }
0x84: {  	s0 =	simm.s32 $0xBC02;
	[tilespmem:$0xBCB0] =	vst v1  }
0x85: {  	s29 =	simm.s32 $0xAD40;
	v6 =	vld.msk [tilespmem:s0+$0xFFFFFFFE ss:$0x0], $0xffff  }
0x86: {  	v8 =	vld [tilespmem:s29+$0xFFFFFF00]  }
0x87: {  	v3 =	vld.msk [tilespmem:s0+$0xFFFFFFFF ss:$0x0], $0xffff  }
0x88: {  	v5 =	vld [tilespmem:s29+$0xFFFFFF80]  }
0x89: {  	v1 =	vld.msk [tilespmem:s0+$0x0 ss:$0x0], $0xffff  }
0x8a: {  	v4 =	vld [tilespmem:s29+$0x0]  }
0x8b: {  	v2 =	vld.msk [tilespmem:s0+$0x1 ss:$0x0], $0xffff;
	v8 =	vmul.f32 v6, v8  }
0x8c: {  	s30 =	simm.s32 $0x0;
	s31 =	simm.s32 $0xBC06;
	v7 =	vimm.f32 $0.0e+00;
	v6 =	vld [tilespmem:s29+$0x80]  }
.LBB2_10:
0x8d: {  	v9 =	vld.msk [tilespmem:s31+$0xFFFFFFFE ss:$0x0], $0xffff;
	s30 =	sadd.s32 $0x4, s30;
	v7 =	vadd.f32 v8, v7;
	v5 =	vmul.f32 v3, v5;
	s29 =	sadd.s32 $0x200, s29  }
0x8e: {  	v8 =	vld [tilespmem:s29+$0xFFFFFF00];
	p1 =	slt.u32 s30, $0x1C  }
0x8f: {  	v3 =	vld.msk [tilespmem:s31+$0xFFFFFFFF ss:$0x0], $0xffff;
	v7 =	vadd.f32 v5, v7;
	v4 =	vmul.f32 v1, v4  }
.Ltmp6:
0x90: {  	v5 =	vld [tilespmem:s29+$0xFFFFFF80];
	(pc) =	sbr.rel @p1 .LBB2_10-.Ltmp6, $4  }
0x91: {  	v1 =	vld.msk [tilespmem:s31+$0x0 ss:$0x0], $0xffff;
	v7 =	vadd.f32 v4, v7;
	v6 =	vmul.f32 v2, v6  }
0x92: {  	v4 =	vld [tilespmem:s29+$0x0]  }
0x93: {  	v8 =	vmul.f32 v9, v8;
	v2 =	vld.msk [tilespmem:s31+$0x1 ss:$0x0], $0xffff;
	v7 =	vadd.f32 v6, v7  }
0x94: {  	s31 =	sadd.s32 $0x4, s31;
	v6 =	vld [tilespmem:s29+$0x80]  }
0x95: {  	v7 =	vadd.f32 v8, v7;
	v3 =	vmul.f32 v3, v5;
	_ =	sdelay $0x1  }
0x96: {  	v3 =	vadd.f32 v3, v7;
	v1 =	vmul.f32 v1, v4;
	_ =	sdelay $0x1  }
0x97: {  	v1 =	vadd.f32 v1, v3;
	v2 =	vmul.f32 v2, v6;
	_ =	sdelay $0x1  }
0x98: {  	v1 =	vadd.f32 v2, v1;
	_ =	sdelay $0x1  }
0x99: {  	s0 =	simm.s32 $0xBC02;
	[tilespmem:$0xBCC0] =	vst v1  }
0x9a: {  	s29 =	simm.s32 $0xAD50;
	v6 =	vld.msk [tilespmem:s0+$0xFFFFFFFE ss:$0x0], $0xffff  }
0x9b: {  	v8 =	vld [tilespmem:s29+$0xFFFFFF00]  }
0x9c: {  	v3 =	vld.msk [tilespmem:s0+$0xFFFFFFFF ss:$0x0], $0xffff  }
0x9d: {  	v5 =	vld [tilespmem:s29+$0xFFFFFF80]  }
0x9e: {  	v1 =	vld.msk [tilespmem:s0+$0x0 ss:$0x0], $0xffff  }
0x9f: {  	v4 =	vld [tilespmem:s29+$0x0]  }
0xa0: {  	v2 =	vld.msk [tilespmem:s0+$0x1 ss:$0x0], $0xffff;
	v8 =	vmul.f32 v6, v8  }
0xa1: {  	s30 =	simm.s32 $0x0;
	s31 =	simm.s32 $0xBC06;
	v7 =	vimm.f32 $0.0e+00;
	v6 =	vld [tilespmem:s29+$0x80]  }
.LBB2_12:
0xa2: {  	v9 =	vld.msk [tilespmem:s31+$0xFFFFFFFE ss:$0x0], $0xffff;
	s30 =	sadd.s32 $0x4, s30;
	v7 =	vadd.f32 v8, v7;
	v5 =	vmul.f32 v3, v5;
	s29 =	sadd.s32 $0x200, s29  }
0xa3: {  	v8 =	vld [tilespmem:s29+$0xFFFFFF00];
	p1 =	slt.u32 s30, $0x1C  }
0xa4: {  	v3 =	vld.msk [tilespmem:s31+$0xFFFFFFFF ss:$0x0], $0xffff;
	v7 =	vadd.f32 v5, v7;
	v4 =	vmul.f32 v1, v4  }
.Ltmp7:
0xa5: {  	v5 =	vld [tilespmem:s29+$0xFFFFFF80];
	(pc) =	sbr.rel @p1 .LBB2_12-.Ltmp7, $4  }
0xa6: {  	v1 =	vld.msk [tilespmem:s31+$0x0 ss:$0x0], $0xffff;
	v7 =	vadd.f32 v4, v7;
	v6 =	vmul.f32 v2, v6  }
0xa7: {  	v4 =	vld [tilespmem:s29+$0x0]  }
0xa8: {  	v8 =	vmul.f32 v9, v8;
	v2 =	vld.msk [tilespmem:s31+$0x1 ss:$0x0], $0xffff;
	v7 =	vadd.f32 v6, v7  }
0xa9: {  	s31 =	sadd.s32 $0x4, s31;
	v6 =	vld [tilespmem:s29+$0x80]  }
0xaa: {  	v7 =	vadd.f32 v8, v7;
	v3 =	vmul.f32 v3, v5;
	_ =	sdelay $0x1  }
0xab: {  	v3 =	vadd.f32 v3, v7;
	v1 =	vmul.f32 v1, v4;
	_ =	sdelay $0x1  }
0xac: {  	v1 =	vadd.f32 v1, v3;
	v2 =	vmul.f32 v2, v6;
	_ =	sdelay $0x1  }
0xad: {  	v1 =	vadd.f32 v2, v1;
	_ =	sdelay $0x1  }
0xae: {  	s0 =	simm.s32 $0xBC02;
	[tilespmem:$0xBCD0] =	vst v1  }
0xaf: {  	s29 =	simm.s32 $0xAD60;
	v6 =	vld.msk [tilespmem:s0+$0xFFFFFFFE ss:$0x0], $0xffff  }
0xb0: {  	v8 =	vld [tilespmem:s29+$0xFFFFFF00]  }
0xb1: {  	v3 =	vld.msk [tilespmem:s0+$0xFFFFFFFF ss:$0x0], $0xffff  }
0xb2: {  	v5 =	vld [tilespmem:s29+$0xFFFFFF80]  }
0xb3: {  	v1 =	vld.msk [tilespmem:s0+$0x0 ss:$0x0], $0xffff  }
0xb4: {  	v4 =	vld [tilespmem:s29+$0x0]  }
0xb5: {  	v2 =	vld.msk [tilespmem:s0+$0x1 ss:$0x0], $0xffff;
	v8 =	vmul.f32 v6, v8  }
0xb6: {  	s30 =	simm.s32 $0x0;
	s31 =	simm.s32 $0xBC06;
	v7 =	vimm.f32 $0.0e+00;
	v6 =	vld [tilespmem:s29+$0x80]  }
.LBB2_14:
0xb7: {  	v9 =	vld.msk [tilespmem:s31+$0xFFFFFFFE ss:$0x0], $0xffff;
	s30 =	sadd.s32 $0x4, s30;
	v7 =	vadd.f32 v8, v7;
	v5 =	vmul.f32 v3, v5;
	s29 =	sadd.s32 $0x200, s29  }
0xb8: {  	v8 =	vld [tilespmem:s29+$0xFFFFFF00];
	p1 =	slt.u32 s30, $0x1C  }
0xb9: {  	v3 =	vld.msk [tilespmem:s31+$0xFFFFFFFF ss:$0x0], $0xffff;
	v7 =	vadd.f32 v5, v7;
	v4 =	vmul.f32 v1, v4  }
.Ltmp8:
0xba: {  	v5 =	vld [tilespmem:s29+$0xFFFFFF80];
	(pc) =	sbr.rel @p1 .LBB2_14-.Ltmp8, $4  }
0xbb: {  	v1 =	vld.msk [tilespmem:s31+$0x0 ss:$0x0], $0xffff;
	v7 =	vadd.f32 v4, v7;
	v6 =	vmul.f32 v2, v6  }
0xbc: {  	v4 =	vld [tilespmem:s29+$0x0]  }
0xbd: {  	v8 =	vmul.f32 v9, v8;
	v2 =	vld.msk [tilespmem:s31+$0x1 ss:$0x0], $0xffff;
	v7 =	vadd.f32 v6, v7  }
0xbe: {  	s31 =	sadd.s32 $0x4, s31;
	v6 =	vld [tilespmem:s29+$0x80]  }
0xbf: {  	v7 =	vadd.f32 v8, v7;
	v3 =	vmul.f32 v3, v5;
	_ =	sdelay $0x1  }
0xc0: {  	v3 =	vadd.f32 v3, v7;
	v1 =	vmul.f32 v1, v4;
	_ =	sdelay $0x1  }
0xc1: {  	v1 =	vadd.f32 v1, v3;
	v2 =	vmul.f32 v2, v6;
	_ =	sdelay $0x1  }
0xc2: {  	v1 =	vadd.f32 v2, v1;
	_ =	sdelay $0x1  }
0xc3: {  	s0 =	simm.s32 $0xBC02;
	[tilespmem:$0xBCE0] =	vst v1  }
0xc4: {  	s29 =	simm.s32 $0xAD70;
	v6 =	vld.msk [tilespmem:s0+$0xFFFFFFFE ss:$0x0], $0xffff  }
0xc5: {  	v8 =	vld [tilespmem:s29+$0xFFFFFF00]  }
0xc6: {  	v3 =	vld.msk [tilespmem:s0+$0xFFFFFFFF ss:$0x0], $0xffff  }
0xc7: {  	v5 =	vld [tilespmem:s29+$0xFFFFFF80]  }
0xc8: {  	v1 =	vld.msk [tilespmem:s0+$0x0 ss:$0x0], $0xffff  }
0xc9: {  	v4 =	vld [tilespmem:s29+$0x0]  }
0xca: {  	v2 =	vld.msk [tilespmem:s0+$0x1 ss:$0x0], $0xffff;
	v8 =	vmul.f32 v6, v8  }
0xcb: {  	s30 =	simm.s32 $0x0;
	s31 =	simm.s32 $0xBC06;
	v7 =	vimm.f32 $0.0e+00;
	v6 =	vld [tilespmem:s29+$0x80]  }
.LBB2_16:
0xcc: {  	v9 =	vld.msk [tilespmem:s31+$0xFFFFFFFE ss:$0x0], $0xffff;
	s30 =	sadd.s32 $0x4, s30;
	v7 =	vadd.f32 v8, v7;
	v5 =	vmul.f32 v3, v5;
	s29 =	sadd.s32 $0x200, s29  }
0xcd: {  	v8 =	vld [tilespmem:s29+$0xFFFFFF00];
	p1 =	slt.u32 s30, $0x1C  }
0xce: {  	v3 =	vld.msk [tilespmem:s31+$0xFFFFFFFF ss:$0x0], $0xffff;
	v7 =	vadd.f32 v5, v7;
	v4 =	vmul.f32 v1, v4  }
.Ltmp9:
0xcf: {  	v5 =	vld [tilespmem:s29+$0xFFFFFF80];
	(pc) =	sbr.rel @p1 .LBB2_16-.Ltmp9, $4  }
0xd0: {  	v1 =	vld.msk [tilespmem:s31+$0x0 ss:$0x0], $0xffff;
	v7 =	vadd.f32 v4, v7;
	v6 =	vmul.f32 v2, v6  }
0xd1: {  	v4 =	vld [tilespmem:s29+$0x0]  }
0xd2: {  	v8 =	vmul.f32 v9, v8;
	v2 =	vld.msk [tilespmem:s31+$0x1 ss:$0x0], $0xffff;
	v7 =	vadd.f32 v6, v7  }
0xd3: {  	s31 =	sadd.s32 $0x4, s31;
	v6 =	vld [tilespmem:s29+$0x80]  }
0xd4: {  	v7 =	vadd.f32 v8, v7;
	v3 =	vmul.f32 v3, v5;
	_ =	sdelay $0x1  }
0xd5: {  	v3 =	vadd.f32 v3, v7;
	v1 =	vmul.f32 v1, v4;
	_ =	sdelay $0x1  }
0xd6: {  	v1 =	vadd.f32 v1, v3;
	v2 =	vmul.f32 v2, v6;
	_ =	sdelay $0x1  }
0xd7: {  	v1 =	vadd.f32 v2, v1;
	_ =	sdelay $0x1  }
0xd8: {  	s0 =	simm.s32 @!p0 $0xBC80;
	[tilespmem:$0xBCF0] =	vst v1  }
0xd9: {  	[spmem:s10] =	stream.linear.scatter @!p0 [tilespmem:s0], [sflag:$0x3], $0x80, $0x38;
	[tilespmem:$0xC040] =	vst v63  }
0xda: {  	s0 =	simm.s32 @!p0 $0x3  }
0xdb: {  	_ =	swait.ge @!p0 [sflag:s0], $0x80  }
0xdc: {  	[sflag:s0] =	ssyncset.done @!p0 $0x0  }
0xdd: {  	[sflag:s0] =	ssyncadd.s32 @!p0 $0xFFFFFF80  }
0xde: {  	[bflag:$0x0] =	sbarrier.arrive $0xFFFF  }
0xdf: {  	[tilespmem:s22], [sflag:$0x3] =	stream.linear.gather [spmem:s5], $0x400, $0x38;
	[tilespmem:$0xC040] =	vst v63  }
0xe0: {  	_ =	swait.ge [sflag:s23], $0x400  }
0xe1: {  	[sflag:s23] =	ssyncset.done $0x0  }
0xe2: {  	s31 =	simm.s32 $0x0;
	[sflag:s23] =	ssyncadd.s32 $0xFFFFFC00  }
0xe3: {  	v1 =	vld [tilespmem:s31+$0x6800];
	_ =	sdelay $0x4  }
0xe4: {  	v2 =	vbroadcast v1, $0x0  }
0xe5: {  	s29 =	simm.s32 $0x6C80;
	v3 =	vbroadcast v1, $0x1  }
0xe6: {  	v59 =	vbroadcast v1, $0x2;
	[tilespmem:s29+$0xFFFFFF80] =	vst v2  }
0xe7: {  	v60 =	vbroadcast v1, $0x5;
	[tilespmem:s29+$0xFFFFFF90] =	vst v3  }
0xe8: {  	v61 =	vbroadcast v1, $0x8;
	[tilespmem:s29+$0xFFFFFFA0] =	vst v59  }
0xe9: {  	v62 =	vbroadcast v1, $0xB;
	[tilespmem:s29+$0xFFFFFFD0] =	vst v60  }
0xea: {  	v63 =	vbroadcast v1, $0xE;
	[tilespmem:s29+$0x0] =	vst v61  }
0xeb: {  	v2 =	vbroadcast v1, $0x3;
	[tilespmem:s29+$0x30] =	vst v62  }
0xec: {  	v3 =	vbroadcast v1, $0x4;
	[tilespmem:s29+$0x60] =	vst v63  }
0xed: {  	[tilespmem:s29+$0xFFFFFFB0] =	vst v2;
	v2 =	vbroadcast v1, $0x6  }
0xee: {  	[tilespmem:s29+$0xFFFFFFC0] =	vst v3;
	v3 =	vbroadcast v1, $0x7  }
0xef: {  	[tilespmem:s29+$0xFFFFFFE0] =	vst v2;
	v2 =	vbroadcast v1, $0x9  }
0xf0: {  	[tilespmem:s29+$0xFFFFFFF0] =	vst v3;
	v3 =	vbroadcast v1, $0xA  }
0xf1: {  	[tilespmem:s29+$0x10] =	vst v2;
	v2 =	vbroadcast v1, $0xC  }
0xf2: {  	[tilespmem:s29+$0x20] =	vst v3;
	v3 =	vbroadcast v1, $0xD  }
0xf3: {  	v1 =	vbroadcast v1, $0xF;
	[tilespmem:s29+$0x40] =	vst v2  }
0xf4: {  	[tilespmem:s29+$0x50] =	vst v3  }
0xf5: {  	s30 =	simm.s32 $0x80;
	s0 =	simm.s32 $0x10;
	[tilespmem:s29+$0x70] =	vst v1  }
.LBB2_18:
0xf6: {  	p1 =	sne.s32 s30, $0xF80;
	v1 =	vld [tilespmem:s0+$0x6800];
	_ =	sdelay $0x4  }
0xf7: {  	v2 =	vbroadcast v1, $0x0;
	v3 =	vbroadcast v1, $0x1  }
0xf8: {  	s29 =	sadd.s32 $0x100, s29;
	v4 =	vbroadcast v1, $0x2;
	v5 =	vbroadcast v1, $0x3  }
0xf9: {  	v6 =	vbroadcast v1, $0x5;
	[tilespmem:s29+$0xFFFFFF80] =	vst v2;
	v2 =	vbroadcast v1, $0x4  }
0xfa: {  	v7 =	vbroadcast v1, $0x7;
	[tilespmem:s29+$0xFFFFFF90] =	vst v3;
	v3 =	vbroadcast v1, $0x6  }
0xfb: {  	v8 =	vbroadcast v1, $0x9;
	[tilespmem:s29+$0xFFFFFFA0] =	vst v4;
	v4 =	vbroadcast v1, $0x8  }
0xfc: {  	v9 =	vbroadcast v1, $0xB;
	[tilespmem:s29+$0xFFFFFFB0] =	vst v5;
	v5 =	vbroadcast v1, $0xA  }
0xfd: {  	v10 =	vbroadcast v1, $0xD;
	[tilespmem:s29+$0xFFFFFFC0] =	vst v2;
	v2 =	vbroadcast v1, $0xC  }
0xfe: {  	[tilespmem:s29+$0xFFFFFFD0] =	vst v6;
	v6 =	vbroadcast v1, $0xE;
	v1 =	vbroadcast v1, $0xF  }
0xff: {  	[tilespmem:s29+$0xFFFFFFE0] =	vst v3  }
0x100: {  	[tilespmem:s29+$0xFFFFFFF0] =	vst v7  }
0x101: {  	[tilespmem:s29+$0x0] =	vst v4  }
0x102: {  	[tilespmem:s29+$0x10] =	vst v8  }
0x103: {  	[tilespmem:s29+$0x20] =	vst v5  }
.Ltmp10:
0x104: {  	[tilespmem:s29+$0x30] =	vst v9;
	(pc) =	sbr.rel @p1 .LBB2_18-.Ltmp10, $4  }
0x105: {  	[tilespmem:s29+$0x40] =	vst v2  }
0x106: {  	[tilespmem:s29+$0x50] =	vst v10  }
0x107: {  	[tilespmem:s29+$0x60] =	vst v6  }
0x108: {  	s0 =	sshra.s32 s30, $0x2;
	s30 =	sadd.s32 $0x40, s30;
	[tilespmem:s29+$0x70] =	vst v1  }
0x109: {  	v1 =	vld [tilespmem:s0+$0x6800];
	_ =	sdelay $0x4  }
0x10a: {  	v2 =	vbroadcast v1, $0x0  }
0x10b: {  	s31 =	sadd.s32 $0x100, s29;
	v3 =	vbroadcast v1, $0x1  }
0x10c: {  	v4 =	vbroadcast v1, $0x2;
	[tilespmem:s31+$0xFFFFFF80] =	vst v2  }
0x10d: {  	v2 =	vbroadcast v1, $0x3;
	[tilespmem:s31+$0xFFFFFF90] =	vst v3  }
0x10e: {  	v3 =	vbroadcast v1, $0x4;
	[tilespmem:s31+$0xFFFFFFA0] =	vst v4  }
0x10f: {  	v4 =	vbroadcast v1, $0x5;
	[tilespmem:s31+$0xFFFFFFB0] =	vst v2  }
0x110: {  	v2 =	vbroadcast v1, $0x6;
	[tilespmem:s31+$0xFFFFFFC0] =	vst v3  }
0x111: {  	v3 =	vbroadcast v1, $0x7;
	[tilespmem:s31+$0xFFFFFFD0] =	vst v4  }
0x112: {  	v4 =	vbroadcast v1, $0x8;
	[tilespmem:s31+$0xFFFFFFE0] =	vst v2  }
0x113: {  	v2 =	vbroadcast v1, $0x9;
	[tilespmem:s31+$0xFFFFFFF0] =	vst v3  }
0x114: {  	v3 =	vbroadcast v1, $0xA;
	[tilespmem:s31+$0x0] =	vst v4  }
0x115: {  	v4 =	vbroadcast v1, $0xB;
	[tilespmem:s31+$0x10] =	vst v2  }
0x116: {  	v2 =	vbroadcast v1, $0xC;
	[tilespmem:s31+$0x20] =	vst v3  }
0x117: {  	v3 =	vbroadcast v1, $0xD;
	[tilespmem:s31+$0x30] =	vst v4  }
0x118: {  	v4 =	vbroadcast v1, $0xE;
	[tilespmem:s31+$0x40] =	vst v2  }
0x119: {  	v1 =	vbroadcast v1, $0xF;
	[tilespmem:s31+$0x50] =	vst v3  }
0x11a: {  	[tilespmem:s31+$0x60] =	vst v4  }
0x11b: {  	[tilespmem:s31+$0x70] =	vst v1  }
0x11c: {  	v1 =	vld [tilespmem:$0xBD00];
	_ =	sdelay $0x4  }
0x11d: {  	v3 =	vbroadcast v1, $0x6  }
0x11e: {  	v2 =	vbroadcast v1, $0x0  }
0x11f: {  	[tilespmem:$0x1FD60] =	vst v3;
	v3 =	vbroadcast v1, $0x7  }
0x120: {  	[tilespmem:$0x1FD00] =	vst v2;
	v2 =	vbroadcast v1, $0x1  }
0x121: {  	[tilespmem:$0x1FD70] =	vst v3;
	v3 =	vbroadcast v1, $0x8  }
0x122: {  	[tilespmem:$0x1FD10] =	vst v2;
	v2 =	vbroadcast v1, $0x2  }
0x123: {  	[tilespmem:$0x1FD80] =	vst v3;
	v3 =	vbroadcast v1, $0x9  }
0x124: {  	[tilespmem:$0x1FD20] =	vst v2;
	v2 =	vbroadcast v1, $0x3  }
0x125: {  	[tilespmem:$0x1FD90] =	vst v3;
	v3 =	vbroadcast v1, $0xA  }
0x126: {  	[tilespmem:$0x1FD30] =	vst v2;
	v2 =	vbroadcast v1, $0x4  }
0x127: {  	[tilespmem:$0x1FDA0] =	vst v3;
	v3 =	vbroadcast v1, $0xB  }
0x128: {  	[tilespmem:$0x1FD40] =	vst v2;
	v2 =	vbroadcast v1, $0x5  }
0x129: {  	[tilespmem:$0x1FDB0] =	vst v3;
	v3 =	vbroadcast v1, $0xC  }
0x12a: {  	[tilespmem:$0x1FD50] =	vst v2;
	v2 =	vld [tilespmem:$0xBD10]  }
0x12b: {  	[tilespmem:$0x1FDC0] =	vst v3;
	v3 =	vbroadcast v1, $0xD;
	_ =	sdelay $0x1  }
0x12c: {  	[tilespmem:$0x1FDD0] =	vst v3;
	v3 =	vbroadcast v1, $0xE  }
0x12d: {  	v1 =	vbroadcast v1, $0xF  }
0x12e: {  	[tilespmem:$0x1FDE0] =	vst v3;
	v3 =	vbroadcast v2, $0x6  }
0x12f: {  	[tilespmem:$0x1FDF0] =	vst v1;
	v1 =	vbroadcast v2, $0x0  }
0x130: {  	[tilespmem:$0x1FE60] =	vst v3;
	v3 =	vbroadcast v2, $0x7  }
0x131: {  	v17 =	vld [tilespmem:$0xBD40];
	[tilespmem:$0x1FE00] =	vst v1;
	v1 =	vbroadcast v2, $0x1  }
0x132: {  	[tilespmem:$0x1FE70] =	vst v3;
	v3 =	vbroadcast v2, $0x8  }
0x133: {  	[tilespmem:$0x1FE10] =	vst v1;
	v1 =	vbroadcast v2, $0x2  }
0x134: {  	[tilespmem:$0x1FE80] =	vst v3;
	v3 =	vbroadcast v2, $0x9  }
0x135: {  	[tilespmem:$0x1FE20] =	vst v1;
	v1 =	vbroadcast v2, $0x3  }
0x136: {  	v4 =	vbroadcast v17, $0x2;
	[tilespmem:$0x1FE90] =	vst v3;
	v3 =	vbroadcast v2, $0xA  }
0x137: {  	v5 =	vbroadcast v17, $0x3;
	[tilespmem:$0x1FE30] =	vst v1;
	v1 =	vbroadcast v2, $0x4  }
0x138: {  	v6 =	vbroadcast v17, $0x4;
	[tilespmem:$0x1FEA0] =	vst v3;
	v3 =	vbroadcast v2, $0xB  }
0x139: {  	v7 =	vbroadcast v17, $0x5;
	[tilespmem:$0x1FE40] =	vst v1;
	v1 =	vbroadcast v2, $0x5  }
0x13a: {  	v8 =	vbroadcast v17, $0x6;
	[tilespmem:$0x1FEB0] =	vst v3;
	v3 =	vbroadcast v2, $0xC  }
0x13b: {  	v9 =	vbroadcast v17, $0x7;
	v10 =	vbroadcast v17, $0x8;
	[tilespmem:$0x1FE50] =	vst v1;
	v1 =	vld [tilespmem:$0xBD20]  }
0x13c: {  	v33 =	vld [tilespmem:$0xBD50];
	v11 =	vbroadcast v17, $0x9;
	[tilespmem:$0x1FEC0] =	vst v3;
	v3 =	vbroadcast v2, $0xD  }
0x13d: {  	v12 =	vbroadcast v17, $0xA;
	v13 =	vbroadcast v17, $0xB  }
0x13e: {  	[tilespmem:$0x1FED0] =	vst v3;
	v3 =	vbroadcast v2, $0xE;
	v2 =	vbroadcast v2, $0xF  }
0x13f: {  	v14 =	vbroadcast v17, $0xC;
	v15 =	vbroadcast v17, $0xD  }
0x140: {  	v16 =	vbroadcast v17, $0xE;
	[tilespmem:$0x1FEF0] =	vst v2;
	v2 =	vbroadcast v1, $0x0  }
0x141: {  	v18 =	vbroadcast v33, $0x0;
	[tilespmem:$0x1FEE0] =	vst v3;
	v3 =	vbroadcast v1, $0x6  }
0x142: {  	v19 =	vbroadcast v33, $0x1;
	[tilespmem:$0x1FF00] =	vst v2;
	v2 =	vbroadcast v1, $0x1  }
0x143: {  	v20 =	vbroadcast v33, $0x2;
	[tilespmem:$0x1FF60] =	vst v3;
	v3 =	vbroadcast v1, $0x7  }
0x144: {  	v21 =	vbroadcast v33, $0x3;
	[tilespmem:$0x1FF10] =	vst v2;
	v2 =	vbroadcast v1, $0x2  }
0x145: {  	v22 =	vbroadcast v33, $0x4;
	[tilespmem:$0x1FF70] =	vst v3;
	v3 =	vbroadcast v1, $0x8  }
0x146: {  	v23 =	vbroadcast v33, $0x5;
	[tilespmem:$0x1FF20] =	vst v2;
	v2 =	vbroadcast v1, $0x3  }
0x147: {  	v24 =	vbroadcast v33, $0x6;
	[tilespmem:$0x1FF80] =	vst v3;
	v3 =	vbroadcast v1, $0x9  }
0x148: {  	v25 =	vbroadcast v33, $0x7;
	[tilespmem:$0x1FF30] =	vst v2;
	v2 =	vbroadcast v1, $0x4  }
0x149: {  	v26 =	vbroadcast v33, $0x8;
	[tilespmem:$0x1FF90] =	vst v3;
	v3 =	vbroadcast v1, $0xA  }
0x14a: {  	v37 =	vld [tilespmem:$0xBD60];
	v27 =	vbroadcast v33, $0x9;
	[tilespmem:$0x1FF40] =	vst v2;
	v2 =	vbroadcast v1, $0x5  }
0x14b: {  	v28 =	vbroadcast v33, $0xA;
	[tilespmem:$0x1FFA0] =	vst v3;
	v3 =	vbroadcast v1, $0xB  }
0x14c: {  	v29 =	vbroadcast v33, $0xB;
	v30 =	vbroadcast v33, $0xC;
	[tilespmem:$0x1FF50] =	vst v2  }
0x14d: {  	v31 =	vbroadcast v33, $0xD;
	v2 =	vld [tilespmem:$0xBD30];
	[tilespmem:$0x1FFB0] =	vst v3;
	v3 =	vbroadcast v1, $0xC  }
0x14e: {  	v32 =	vbroadcast v33, $0xE;
	v33 =	vbroadcast v33, $0xF  }
0x14f: {  	v34 =	vbroadcast v37, $0x0;
	[tilespmem:$0x1FFC0] =	vst v3;
	v3 =	vbroadcast v1, $0xD  }
0x150: {  	v35 =	vbroadcast v37, $0x1;
	v36 =	vbroadcast v37, $0x2  }
0x151: {  	v37 =	vbroadcast v37, $0x3;
	[tilespmem:$0x1FFD0] =	vst v3;
	v3 =	vbroadcast v1, $0xE  }
0x152: {  	v1 =	vbroadcast v1, $0xF;
	v49 =	vbroadcast v2, $0x0  }
0x153: {  	v50 =	vbroadcast v2, $0x1;
	v51 =	vbroadcast v2, $0x2  }
0x154: {  	v52 =	vbroadcast v2, $0x3;
	v53 =	vbroadcast v2, $0x4  }
0x155: {  	v54 =	vbroadcast v2, $0x5;
	v55 =	vbroadcast v2, $0x6  }
0x156: {  	v56 =	vbroadcast v2, $0x7;
	v57 =	vbroadcast v2, $0x8  }
.Ltmp11:
0x157: {  	v58 =	vbroadcast v2, $0x9;
	v59 =	vbroadcast v2, $0xA;
	(pc) =	sbr.rel .LBB2_20-.Ltmp11, $4  }
0x158: {  	v60 =	vbroadcast v2, $0xB;
	v61 =	vbroadcast v2, $0xC  }
0x159: {  	v62 =	vbroadcast v2, $0xD;
	v63 =	vbroadcast v2, $0xE  }
0x15a: {  	[tilespmem:$0x1FFF0] =	vst v1;
	v1 =	vbroadcast v2, $0xF;
	v2 =	vbroadcast v17, $0x0  }
0x15b: {  	s29 =	simm.s32 $0x0;
	s30 =	simm.s32 $0xBE00;
	v38 =	vld.msk [tilespmem:$0xBD80 ss:$0x0], $0xffff;
	[tilespmem:$0x1FFE0] =	vst v3;
	v3 =	vbroadcast v17, $0x1;
	v17 =	vbroadcast v17, $0xF  }
.LBB2_21:
0x15c: {  	s4 =	sadd.s32 $0x1, s0  }
0x15d: {  	s1 =	sand.u32 $0x1, s4  }
0x15e: {  	s4 =	sshll.u32 s4, $0x7;
	p1 =	seq.s32 s1, $0x1;
	s1 =	simm.s32 $0x3400  }
0x15f: {  	s4 =	sadd.s32 s4, s7;
	s1 =	simm.s32 @!p1 $0x0  }
0x160: {  	[tilespmem:s1], [sflag:$0x1] =	stream.strided.gather [hbm4b:s4+s13], $0x3000, s14, s13, $0x38;
	[tilespmem:$0xC040] =	vst v63  }
0x161: {  	s4 =	sadd.s32 $0x30000, s4;
	s1 =	sadd.s32 $0x3000, s1  }
0x162: {  	[tilespmem:s1], [sflag:$0x1] =	stream.linear.gather [hbm4b:s4+s6], $0x200, $0x38;
	[tilespmem:$0xC040] =	vst v63  }
.LBB2_23:
0x163: {  	_ =	swait.ge [sflag:s24], $0x3200  }
0x164: {  	[sflag:s24] =	ssyncset.done $0x0  }
0x165: {  	[sflag:s24] =	ssyncadd.s32 $0xFFFFCE00  }
.LBB2_24:
0x166: {  	s0 =	sand.u32 $0x1, s0  }
0x167: {  	p1 =	seq.s32 s0, $0x1;
	s0 =	simm.s32 $0x3400  }
0x168: {  	s1 =	sshll.u32 s31, $0x4;
	s0 =	simm.s32 @!p1 $0x0  }
0x169: {  	s31 =	sor.u32 s1, s0  }
0x16a: {  	v39 =	vld [tilespmem:s31+$0x0];
	_ =	sdelay $0x1  }
0x16b: {  	v40 =	vld [tilespmem:s31+$0x80];
	_ =	sdelay $0x2  }
0x16c: {  	v39 =	vshll.u32 v39, $0x4  }
0x16d: {  	v39 =	vor.u32 v0, v39  }
0x16e: {  	v40 =	vshll.u32 v40, $0x4  }
0x16f: {  	v41 =	vld [tilespmem:s31+$0x100];
	v40 =	vor.u32 v0, v40;
	_ =	sdelay $0x1  }
0x170: {  	v47 =	vld [tilespmem:$0x1FD00]  }
0x171: {  	v39 =	vld.idx.msk [tilespmem:v39+s25+$0x0], $0xffff  }
0x172: {  	v48 =	vld [tilespmem:$0x1FD10]  }
0x173: {  	v41 =	vshll.u32 v41, $0x4;
	v40 =	vld.idx.msk [tilespmem:v40+s25+$0x0], $0xffff  }
0x174: {  	v41 =	vor.u32 v0, v41  }
0x175: {  	v42 =	vld [tilespmem:s31+$0x180]  }
0x176: {  	v39 =	vmul.f32 v39, v47;
	_ =	sdelay $0x1  }
0x177: {  	v40 =	vmul.f32 v40, v48;
	v39 =	vadd.f32 $0.0e+00, v39  }
0x178: {  	v41 =	vld.idx.msk [tilespmem:v41+s25+$0x0], $0xffff  }
0x179: {  	v42 =	vshll.u32 v42, $0x4;
	v39 =	vadd.f32 v40, v39;
	v40 =	vld [tilespmem:$0x1FD20]  }
0x17a: {  	v42 =	vor.u32 v0, v42  }
0x17b: {  	v43 =	vld [tilespmem:s31+$0x200];
	_ =	sdelay $0x2  }
0x17c: {  	v40 =	vmul.f32 v41, v40  }
0x17d: {  	v42 =	vld.idx.msk [tilespmem:v42+s25+$0x0], $0xffff  }
0x17e: {  	v43 =	vshll.u32 v43, $0x4;
	v39 =	vadd.f32 v40, v39;
	v40 =	vld [tilespmem:$0x1FD30]  }
0x17f: {  	v43 =	vor.u32 v0, v43  }
0x180: {  	v44 =	vld [tilespmem:s31+$0x280];
	_ =	sdelay $0x2  }
0x181: {  	v40 =	vmul.f32 v42, v40  }
0x182: {  	v43 =	vld.idx.msk [tilespmem:v43+s25+$0x0], $0xffff  }
0x183: {  	v44 =	vshll.u32 v44, $0x4;
	v39 =	vadd.f32 v40, v39;
	v40 =	vld [tilespmem:$0x1FD40]  }
0x184: {  	v44 =	vor.u32 v0, v44  }
0x185: {  	v45 =	vld [tilespmem:s31+$0x300];
	_ =	sdelay $0x2  }
0x186: {  	v40 =	vmul.f32 v43, v40  }
0x187: {  	v44 =	vld.idx.msk [tilespmem:v44+s25+$0x0], $0xffff  }
0x188: {  	v45 =	vshll.u32 v45, $0x4;
	v39 =	vadd.f32 v40, v39;
	v40 =	vld [tilespmem:$0x1FD50]  }
0x189: {  	v45 =	vor.u32 v0, v45  }
0x18a: {  	v46 =	vld [tilespmem:s31+$0x380];
	_ =	sdelay $0x2  }
0x18b: {  	v40 =	vmul.f32 v44, v40  }
0x18c: {  	v45 =	vld.idx.msk [tilespmem:v45+s25+$0x0], $0xffff  }
0x18d: {  	v46 =	vshll.u32 v46, $0x4;
	v39 =	vadd.f32 v40, v39;
	v40 =	vld [tilespmem:$0x1FD60]  }
0x18e: {  	v41 =	vor.u32 v0, v46  }
0x18f: {  	v47 =	vld [tilespmem:s31+$0x400];
	_ =	sdelay $0x2  }
0x190: {  	v40 =	vmul.f32 v45, v40  }
0x191: {  	v41 =	vld.idx.msk [tilespmem:v41+s25+$0x0], $0xffff  }
0x192: {  	v47 =	vshll.u32 v47, $0x4;
	v39 =	vadd.f32 v40, v39;
	v40 =	vld [tilespmem:$0x1FD70]  }
0x193: {  	v42 =	vor.u32 v0, v47  }
0x194: {  	v48 =	vld [tilespmem:s31+$0x480];
	_ =	sdelay $0x2  }
0x195: {  	v40 =	vmul.f32 v41, v40  }
0x196: {  	v42 =	vld.idx.msk [tilespmem:v42+s25+$0x0], $0xffff  }
0x197: {  	v48 =	vshll.u32 v48, $0x4;
	v39 =	vadd.f32 v40, v39;
	v40 =	vld [tilespmem:$0x1FD80]  }
0x198: {  	v43 =	vor.u32 v0, v48  }
0x199: {  	v46 =	vld [tilespmem:s31+$0x500];
	_ =	sdelay $0x2  }
0x19a: {  	v40 =	vmul.f32 v42, v40  }
0x19b: {  	v43 =	vld.idx.msk [tilespmem:v43+s25+$0x0], $0xffff  }
0x19c: {  	v46 =	vshll.u32 v46, $0x4;
	v39 =	vadd.f32 v40, v39;
	v40 =	vld [tilespmem:$0x1FD90]  }
0x19d: {  	v44 =	vor.u32 v0, v46  }
0x19e: {  	v47 =	vld [tilespmem:s31+$0x580];
	_ =	sdelay $0x2  }
0x19f: {  	v40 =	vmul.f32 v43, v40  }
0x1a0: {  	v44 =	vld.idx.msk [tilespmem:v44+s25+$0x0], $0xffff  }
0x1a1: {  	v47 =	vshll.u32 v47, $0x4;
	v39 =	vadd.f32 v40, v39;
	v40 =	vld [tilespmem:$0x1FDA0]  }
0x1a2: {  	v45 =	vor.u32 v0, v47  }
0x1a3: {  	v48 =	vld [tilespmem:s31+$0x600];
	_ =	sdelay $0x2  }
0x1a4: {  	v40 =	vmul.f32 v44, v40  }
0x1a5: {  	v45 =	vld.idx.msk [tilespmem:v45+s25+$0x0], $0xffff  }
0x1a6: {  	v48 =	vshll.u32 v48, $0x4;
	v39 =	vadd.f32 v40, v39;
	v40 =	vld [tilespmem:$0x1FDB0]  }
0x1a7: {  	v41 =	vor.u32 v0, v48  }
0x1a8: {  	v46 =	vld [tilespmem:s31+$0x680];
	_ =	sdelay $0x2  }
0x1a9: {  	v40 =	vmul.f32 v45, v40  }
0x1aa: {  	v41 =	vld.idx.msk [tilespmem:v41+s25+$0x0], $0xffff  }
0x1ab: {  	v46 =	vshll.u32 v46, $0x4;
	v39 =	vadd.f32 v40, v39;
	v40 =	vld [tilespmem:$0x1FDC0]  }
0x1ac: {  	v42 =	vor.u32 v0, v46  }
0x1ad: {  	v47 =	vld [tilespmem:s31+$0x700];
	_ =	sdelay $0x2  }
0x1ae: {  	v40 =	vmul.f32 v41, v40  }
0x1af: {  	v42 =	vld.idx.msk [tilespmem:v42+s25+$0x0], $0xffff  }
0x1b0: {  	v47 =	vshll.u32 v47, $0x4;
	v39 =	vadd.f32 v40, v39;
	v40 =	vld [tilespmem:$0x1FDD0]  }
0x1b1: {  	v43 =	vor.u32 v0, v47  }
0x1b2: {  	v48 =	vld [tilespmem:s31+$0x780];
	_ =	sdelay $0x2  }
0x1b3: {  	v40 =	vmul.f32 v42, v40  }
0x1b4: {  	v43 =	vld.idx.msk [tilespmem:v43+s25+$0x0], $0xffff  }
0x1b5: {  	v48 =	vshll.u32 v48, $0x4;
	v39 =	vadd.f32 v40, v39;
	v40 =	vld [tilespmem:$0x1FDE0]  }
0x1b6: {  	v44 =	vor.u32 v0, v48  }
0x1b7: {  	v46 =	vld [tilespmem:s31+$0x800];
	_ =	sdelay $0x2  }
0x1b8: {  	v40 =	vmul.f32 v43, v40  }
0x1b9: {  	v44 =	vld.idx.msk [tilespmem:v44+s25+$0x0], $0xffff  }
0x1ba: {  	v46 =	vshll.u32 v46, $0x4;
	v39 =	vadd.f32 v40, v39;
	v40 =	vld [tilespmem:$0x1FDF0]  }
0x1bb: {  	v45 =	vor.u32 v0, v46  }
0x1bc: {  	v47 =	vld [tilespmem:s31+$0x880];
	_ =	sdelay $0x2  }
0x1bd: {  	v40 =	vmul.f32 v44, v40  }
0x1be: {  	v45 =	vld.idx.msk [tilespmem:v45+s25+$0x0], $0xffff  }
0x1bf: {  	v47 =	vshll.u32 v47, $0x4;
	v39 =	vadd.f32 v40, v39;
	v40 =	vld [tilespmem:$0x1FE00]  }
0x1c0: {  	v41 =	vor.u32 v0, v47  }
0x1c1: {  	v48 =	vld [tilespmem:s31+$0x900];
	_ =	sdelay $0x2  }
0x1c2: {  	v40 =	vmul.f32 v45, v40  }
0x1c3: {  	v41 =	vld.idx.msk [tilespmem:v41+s25+$0x0], $0xffff  }
0x1c4: {  	v48 =	vshll.u32 v48, $0x4;
	v39 =	vadd.f32 v40, v39;
	v40 =	vld [tilespmem:$0x1FE10]  }
0x1c5: {  	v42 =	vor.u32 v0, v48  }
0x1c6: {  	v46 =	vld [tilespmem:s31+$0x980];
	_ =	sdelay $0x2  }
0x1c7: {  	v40 =	vmul.f32 v41, v40  }
0x1c8: {  	v42 =	vld.idx.msk [tilespmem:v42+s25+$0x0], $0xffff  }
0x1c9: {  	v46 =	vshll.u32 v46, $0x4;
	v39 =	vadd.f32 v40, v39;
	v40 =	vld [tilespmem:$0x1FE20]  }
0x1ca: {  	v43 =	vor.u32 v0, v46  }
0x1cb: {  	v47 =	vld [tilespmem:s31+$0xA00];
	_ =	sdelay $0x2  }
0x1cc: {  	v40 =	vmul.f32 v42, v40  }
0x1cd: {  	v43 =	vld.idx.msk [tilespmem:v43+s25+$0x0], $0xffff  }
0x1ce: {  	v47 =	vshll.u32 v47, $0x4;
	v39 =	vadd.f32 v40, v39;
	v40 =	vld [tilespmem:$0x1FE30]  }
0x1cf: {  	v44 =	vor.u32 v0, v47  }
0x1d0: {  	v48 =	vld [tilespmem:s31+$0xA80];
	_ =	sdelay $0x2  }
0x1d1: {  	v40 =	vmul.f32 v43, v40  }
0x1d2: {  	v44 =	vld.idx.msk [tilespmem:v44+s25+$0x0], $0xffff  }
0x1d3: {  	v48 =	vshll.u32 v48, $0x4;
	v39 =	vadd.f32 v40, v39;
	v40 =	vld [tilespmem:$0x1FE40]  }
0x1d4: {  	v45 =	vor.u32 v0, v48  }
0x1d5: {  	v46 =	vld [tilespmem:s31+$0xB00];
	_ =	sdelay $0x2  }
0x1d6: {  	v40 =	vmul.f32 v44, v40  }
0x1d7: {  	v45 =	vld.idx.msk [tilespmem:v45+s25+$0x0], $0xffff  }
0x1d8: {  	v46 =	vshll.u32 v46, $0x4;
	v39 =	vadd.f32 v40, v39;
	v40 =	vld [tilespmem:$0x1FE50]  }
0x1d9: {  	v41 =	vor.u32 v0, v46  }
0x1da: {  	v47 =	vld [tilespmem:s31+$0xB80];
	_ =	sdelay $0x2  }
0x1db: {  	v40 =	vmul.f32 v45, v40  }
0x1dc: {  	v41 =	vld.idx.msk [tilespmem:v41+s25+$0x0], $0xffff  }
0x1dd: {  	v47 =	vshll.u32 v47, $0x4;
	v39 =	vadd.f32 v40, v39;
	v40 =	vld [tilespmem:$0x1FE60]  }
0x1de: {  	v42 =	vor.u32 v0, v47  }
0x1df: {  	v48 =	vld [tilespmem:s31+$0xC00];
	_ =	sdelay $0x2  }
0x1e0: {  	v40 =	vmul.f32 v41, v40  }
0x1e1: {  	v42 =	vld.idx.msk [tilespmem:v42+s25+$0x0], $0xffff  }
0x1e2: {  	v48 =	vshll.u32 v48, $0x4;
	v39 =	vadd.f32 v40, v39;
	v40 =	vld [tilespmem:$0x1FE70]  }
0x1e3: {  	v43 =	vor.u32 v0, v48  }
0x1e4: {  	v46 =	vld [tilespmem:s31+$0xC80];
	_ =	sdelay $0x2  }
0x1e5: {  	v40 =	vmul.f32 v42, v40  }
0x1e6: {  	v43 =	vld.idx.msk [tilespmem:v43+s25+$0x0], $0xffff  }
0x1e7: {  	v46 =	vshll.u32 v46, $0x4;
	v39 =	vadd.f32 v40, v39;
	v40 =	vld [tilespmem:$0x1FE80]  }
0x1e8: {  	v44 =	vor.u32 v0, v46  }
0x1e9: {  	v47 =	vld [tilespmem:s31+$0xD00];
	_ =	sdelay $0x2  }
0x1ea: {  	v40 =	vmul.f32 v43, v40  }
0x1eb: {  	v44 =	vld.idx.msk [tilespmem:v44+s25+$0x0], $0xffff  }
0x1ec: {  	v47 =	vshll.u32 v47, $0x4;
	v39 =	vadd.f32 v40, v39;
	v40 =	vld [tilespmem:$0x1FE90]  }
0x1ed: {  	v45 =	vor.u32 v0, v47  }
0x1ee: {  	v48 =	vld [tilespmem:s31+$0xD80];
	_ =	sdelay $0x2  }
0x1ef: {  	v40 =	vmul.f32 v44, v40  }
0x1f0: {  	v45 =	vld.idx.msk [tilespmem:v45+s25+$0x0], $0xffff  }
0x1f1: {  	v48 =	vshll.u32 v48, $0x4;
	v39 =	vadd.f32 v40, v39;
	v40 =	vld [tilespmem:$0x1FEA0]  }
0x1f2: {  	v41 =	vor.u32 v0, v48  }
0x1f3: {  	v46 =	vld [tilespmem:s31+$0xE00];
	_ =	sdelay $0x2  }
0x1f4: {  	v40 =	vmul.f32 v45, v40  }
0x1f5: {  	v41 =	vld.idx.msk [tilespmem:v41+s25+$0x0], $0xffff  }
0x1f6: {  	v46 =	vshll.u32 v46, $0x4;
	v39 =	vadd.f32 v40, v39;
	v40 =	vld [tilespmem:$0x1FEB0]  }
0x1f7: {  	v42 =	vor.u32 v0, v46  }
0x1f8: {  	v47 =	vld [tilespmem:s31+$0xE80];
	_ =	sdelay $0x2  }
0x1f9: {  	v40 =	vmul.f32 v41, v40  }
0x1fa: {  	v42 =	vld.idx.msk [tilespmem:v42+s25+$0x0], $0xffff  }
0x1fb: {  	v47 =	vshll.u32 v47, $0x4;
	v39 =	vadd.f32 v40, v39;
	v40 =	vld [tilespmem:$0x1FEC0]  }
0x1fc: {  	v43 =	vor.u32 v0, v47  }
0x1fd: {  	v48 =	vld [tilespmem:s31+$0xF00];
	_ =	sdelay $0x2  }
0x1fe: {  	v40 =	vmul.f32 v42, v40  }
0x1ff: {  	v43 =	vld.idx.msk [tilespmem:v43+s25+$0x0], $0xffff  }
0x200: {  	v48 =	vshll.u32 v48, $0x4;
	v39 =	vadd.f32 v40, v39;
	v40 =	vld [tilespmem:$0x1FED0]  }
0x201: {  	v44 =	vor.u32 v0, v48  }
0x202: {  	v46 =	vld [tilespmem:s31+$0xF80];
	_ =	sdelay $0x2  }
0x203: {  	v40 =	vmul.f32 v43, v40  }
0x204: {  	v44 =	vld.idx.msk [tilespmem:v44+s25+$0x0], $0xffff  }
0x205: {  	v46 =	vshll.u32 v46, $0x4;
	v39 =	vadd.f32 v40, v39;
	v40 =	vld [tilespmem:$0x1FEE0]  }
0x206: {  	v45 =	vor.u32 v0, v46  }
0x207: {  	v47 =	vld [tilespmem:s31+$0x1000];
	_ =	sdelay $0x2  }
0x208: {  	v40 =	vmul.f32 v44, v40  }
0x209: {  	v45 =	vld.idx.msk [tilespmem:v45+s25+$0x0], $0xffff  }
0x20a: {  	v47 =	vshll.u32 v47, $0x4;
	v39 =	vadd.f32 v40, v39;
	v40 =	vld [tilespmem:$0x1FEF0]  }
0x20b: {  	v41 =	vor.u32 v0, v47  }
0x20c: {  	v48 =	vld [tilespmem:s31+$0x1080];
	_ =	sdelay $0x2  }
0x20d: {  	v40 =	vmul.f32 v45, v40  }
0x20e: {  	v41 =	vld.idx.msk [tilespmem:v41+s25+$0x0], $0xffff  }
0x20f: {  	v48 =	vshll.u32 v48, $0x4;
	v39 =	vadd.f32 v40, v39;
	v40 =	vld [tilespmem:$0x1FF00]  }
0x210: {  	v42 =	vor.u32 v0, v48  }
0x211: {  	v46 =	vld [tilespmem:s31+$0x1100];
	_ =	sdelay $0x2  }
0x212: {  	v40 =	vmul.f32 v41, v40  }
0x213: {  	v42 =	vld.idx.msk [tilespmem:v42+s25+$0x0], $0xffff  }
0x214: {  	v46 =	vshll.u32 v46, $0x4;
	v39 =	vadd.f32 v40, v39;
	v40 =	vld [tilespmem:$0x1FF10]  }
0x215: {  	v43 =	vor.u32 v0, v46  }
0x216: {  	v47 =	vld [tilespmem:s31+$0x1180];
	_ =	sdelay $0x2  }
0x217: {  	v40 =	vmul.f32 v42, v40  }
0x218: {  	v43 =	vld.idx.msk [tilespmem:v43+s25+$0x0], $0xffff  }
0x219: {  	v47 =	vshll.u32 v47, $0x4;
	v39 =	vadd.f32 v40, v39;
	v40 =	vld [tilespmem:$0x1FF20]  }
0x21a: {  	v44 =	vor.u32 v0, v47  }
0x21b: {  	v48 =	vld [tilespmem:s31+$0x1200];
	_ =	sdelay $0x2  }
0x21c: {  	v40 =	vmul.f32 v43, v40  }
0x21d: {  	v44 =	vld.idx.msk [tilespmem:v44+s25+$0x0], $0xffff  }
0x21e: {  	v48 =	vshll.u32 v48, $0x4;
	v39 =	vadd.f32 v40, v39;
	v40 =	vld [tilespmem:$0x1FF30]  }
0x21f: {  	v45 =	vor.u32 v0, v48  }
0x220: {  	v46 =	vld [tilespmem:s31+$0x1280];
	_ =	sdelay $0x2  }
0x221: {  	v40 =	vmul.f32 v44, v40  }
0x222: {  	v45 =	vld.idx.msk [tilespmem:v45+s25+$0x0], $0xffff  }
0x223: {  	v46 =	vshll.u32 v46, $0x4;
	v39 =	vadd.f32 v40, v39;
	v40 =	vld [tilespmem:$0x1FF40]  }
0x224: {  	v41 =	vor.u32 v0, v46  }
0x225: {  	v47 =	vld [tilespmem:s31+$0x1300];
	_ =	sdelay $0x2  }
0x226: {  	v40 =	vmul.f32 v45, v40  }
0x227: {  	v41 =	vld.idx.msk [tilespmem:v41+s25+$0x0], $0xffff  }
0x228: {  	v47 =	vshll.u32 v47, $0x4;
	v39 =	vadd.f32 v40, v39;
	v40 =	vld [tilespmem:$0x1FF50]  }
0x229: {  	v42 =	vor.u32 v0, v47  }
0x22a: {  	v48 =	vld [tilespmem:s31+$0x1380];
	_ =	sdelay $0x2  }
0x22b: {  	v40 =	vmul.f32 v41, v40  }
0x22c: {  	v42 =	vld.idx.msk [tilespmem:v42+s25+$0x0], $0xffff  }
0x22d: {  	v48 =	vshll.u32 v48, $0x4;
	v39 =	vadd.f32 v40, v39;
	v40 =	vld [tilespmem:$0x1FF60]  }
0x22e: {  	v43 =	vor.u32 v0, v48  }
0x22f: {  	v46 =	vld [tilespmem:s31+$0x1400];
	_ =	sdelay $0x2  }
0x230: {  	v40 =	vmul.f32 v42, v40  }
0x231: {  	v43 =	vld.idx.msk [tilespmem:v43+s25+$0x0], $0xffff  }
0x232: {  	v46 =	vshll.u32 v46, $0x4;
	v39 =	vadd.f32 v40, v39;
	v40 =	vld [tilespmem:$0x1FF70]  }
0x233: {  	v44 =	vor.u32 v0, v46  }
0x234: {  	v47 =	vld [tilespmem:s31+$0x1480];
	_ =	sdelay $0x2  }
0x235: {  	v40 =	vmul.f32 v43, v40  }
0x236: {  	v44 =	vld.idx.msk [tilespmem:v44+s25+$0x0], $0xffff  }
0x237: {  	v47 =	vshll.u32 v47, $0x4;
	v39 =	vadd.f32 v40, v39;
	v40 =	vld [tilespmem:$0x1FF80]  }
0x238: {  	v45 =	vor.u32 v0, v47  }
0x239: {  	v48 =	vld [tilespmem:s31+$0x1500];
	_ =	sdelay $0x2  }
0x23a: {  	v40 =	vmul.f32 v44, v40  }
0x23b: {  	v45 =	vld.idx.msk [tilespmem:v45+s25+$0x0], $0xffff  }
0x23c: {  	v48 =	vshll.u32 v48, $0x4;
	v39 =	vadd.f32 v40, v39;
	v40 =	vld [tilespmem:$0x1FF90]  }
0x23d: {  	v41 =	vor.u32 v0, v48  }
0x23e: {  	v46 =	vld [tilespmem:s31+$0x1580];
	_ =	sdelay $0x2  }
0x23f: {  	v40 =	vmul.f32 v45, v40  }
0x240: {  	v41 =	vld.idx.msk [tilespmem:v41+s25+$0x0], $0xffff  }
0x241: {  	v46 =	vshll.u32 v46, $0x4;
	v39 =	vadd.f32 v40, v39;
	v40 =	vld [tilespmem:$0x1FFA0]  }
0x242: {  	v42 =	vor.u32 v0, v46  }
0x243: {  	v47 =	vld [tilespmem:s31+$0x1600];
	_ =	sdelay $0x2  }
0x244: {  	v40 =	vmul.f32 v41, v40  }
0x245: {  	v42 =	vld.idx.msk [tilespmem:v42+s25+$0x0], $0xffff  }
0x246: {  	v47 =	vshll.u32 v47, $0x4;
	v39 =	vadd.f32 v40, v39;
	v40 =	vld [tilespmem:$0x1FFB0]  }
0x247: {  	v43 =	vor.u32 v0, v47  }
0x248: {  	v48 =	vld [tilespmem:s31+$0x1680];
	_ =	sdelay $0x2  }
0x249: {  	v40 =	vmul.f32 v42, v40  }
0x24a: {  	v43 =	vld.idx.msk [tilespmem:v43+s25+$0x0], $0xffff  }
0x24b: {  	v48 =	vshll.u32 v48, $0x4;
	v39 =	vadd.f32 v40, v39;
	v40 =	vld [tilespmem:$0x1FFC0]  }
0x24c: {  	v44 =	vor.u32 v0, v48  }
0x24d: {  	v46 =	vld [tilespmem:s31+$0x1700];
	_ =	sdelay $0x2  }
0x24e: {  	v40 =	vmul.f32 v43, v40  }
0x24f: {  	v44 =	vld.idx.msk [tilespmem:v44+s25+$0x0], $0xffff  }
0x250: {  	v46 =	vshll.u32 v46, $0x4;
	v39 =	vadd.f32 v40, v39;
	v40 =	vld [tilespmem:$0x1FFD0]  }
0x251: {  	v47 =	vld [tilespmem:s31+$0x1780];
	v45 =	vor.u32 v0, v46;
	_ =	sdelay $0x2  }
0x252: {  	v48 =	vld [tilespmem:s31+$0x1800]  }
0x253: {  	v46 =	vld [tilespmem:s31+$0x1880];
	v40 =	vmul.f32 v44, v40  }
0x254: {  	v47 =	vshll.u32 v47, $0x4;
	v45 =	vld.idx.msk [tilespmem:v45+s25+$0x0], $0xffff  }
0x255: {  	v41 =	vor.u32 v0, v47;
	v39 =	vadd.f32 v40, v39;
	v40 =	vld [tilespmem:$0x1FFE0];
	_ =	sdelay $0x1  }
0x256: {  	v47 =	vld [tilespmem:s31+$0x1900]  }
0x257: {  	v48 =	vshll.u32 v48, $0x4  }
0x258: {  	v42 =	vor.u32 v0, v48;
	v48 =	vld [tilespmem:s31+$0x1980]  }
0x259: {  	v46 =	vshll.u32 v46, $0x4;
	v41 =	vld.idx.msk [tilespmem:v41+s25+$0x0], $0xffff;
	v40 =	vmul.f32 v45, v40  }
0x25a: {  	v43 =	vor.u32 v0, v46;
	v46 =	vld [tilespmem:s31+$0x1A00]  }
0x25b: {  	v47 =	vshll.u32 v47, $0x4;
	v39 =	vadd.f32 v40, v39;
	v40 =	vld [tilespmem:$0x1FFF0]  }
0x25c: {  	v44 =	vor.u32 v0, v47;
	v47 =	vld [tilespmem:s31+$0x1A80]  }
0x25d: {  	v42 =	vld.idx.msk [tilespmem:v42+s25+$0x0], $0xffff;
	v48 =	vshll.u32 v48, $0x4  }
0x25e: {  	v45 =	vor.u32 v0, v48;
	v48 =	vld [tilespmem:s31+$0x1B00]  }
0x25f: {  	v43 =	vld.idx.msk [tilespmem:v43+s25+$0x0], $0xffff;
	v46 =	vshll.u32 v46, $0x4  }
0x260: {  	v40 =	vmul.f32 v41, v40;
	v41 =	vor.u32 v0, v46;
	v46 =	vld [tilespmem:s31+$0x1B80]  }
0x261: {  	v44 =	vld.idx.msk [tilespmem:v44+s25+$0x0], $0xffff;
	v47 =	vshll.u32 v47, $0x4  }
0x262: {  	v39 =	vadd.f32 v40, v39;
	v40 =	vmul.f32 v42, v49;
	v42 =	vor.u32 v0, v47;
	v47 =	vld [tilespmem:s31+$0x1C00]  }
0x263: {  	v45 =	vld.idx.msk [tilespmem:v45+s25+$0x0], $0xffff;
	v48 =	vshll.u32 v48, $0x4  }
0x264: {  	v39 =	vadd.f32 v40, v39;
	v40 =	vmul.f32 v43, v50;
	v43 =	vor.u32 v0, v48;
	v48 =	vld [tilespmem:s31+$0x1C80]  }
0x265: {  	v41 =	vld.idx.msk [tilespmem:v41+s25+$0x0], $0xffff;
	v46 =	vshll.u32 v46, $0x4  }
0x266: {  	v39 =	vadd.f32 v40, v39;
	v40 =	vmul.f32 v44, v51;
	v44 =	vor.u32 v0, v46;
	v46 =	vld [tilespmem:s31+$0x1D00]  }
0x267: {  	v42 =	vld.idx.msk [tilespmem:v42+s25+$0x0], $0xffff;
	v47 =	vshll.u32 v47, $0x4  }
0x268: {  	v39 =	vadd.f32 v40, v39;
	v40 =	vmul.f32 v45, v52;
	v45 =	vor.u32 v0, v47;
	v47 =	vld [tilespmem:s31+$0x1D80]  }
0x269: {  	v43 =	vld.idx.msk [tilespmem:v43+s25+$0x0], $0xffff;
	v48 =	vshll.u32 v48, $0x4  }
0x26a: {  	v39 =	vadd.f32 v40, v39;
	v40 =	vmul.f32 v41, v53;
	v41 =	vor.u32 v0, v48;
	v48 =	vld [tilespmem:s31+$0x1E00]  }
0x26b: {  	v44 =	vld.idx.msk [tilespmem:v44+s25+$0x0], $0xffff;
	v46 =	vshll.u32 v46, $0x4  }
0x26c: {  	v39 =	vadd.f32 v40, v39;
	v40 =	vmul.f32 v42, v54;
	v42 =	vor.u32 v0, v46;
	v46 =	vld [tilespmem:s31+$0x1E80]  }
0x26d: {  	v45 =	vld.idx.msk [tilespmem:v45+s25+$0x0], $0xffff;
	v47 =	vshll.u32 v47, $0x4  }
0x26e: {  	v39 =	vadd.f32 v40, v39;
	v40 =	vmul.f32 v43, v55;
	v43 =	vor.u32 v0, v47;
	v47 =	vld [tilespmem:s31+$0x1F00]  }
0x26f: {  	v41 =	vld.idx.msk [tilespmem:v41+s25+$0x0], $0xffff;
	v48 =	vshll.u32 v48, $0x4  }
0x270: {  	v39 =	vadd.f32 v40, v39;
	v40 =	vmul.f32 v44, v56;
	v44 =	vor.u32 v0, v48;
	v48 =	vld [tilespmem:s31+$0x1F80]  }
0x271: {  	v42 =	vld.idx.msk [tilespmem:v42+s25+$0x0], $0xffff;
	v46 =	vshll.u32 v46, $0x4  }
0x272: {  	v39 =	vadd.f32 v40, v39;
	v40 =	vmul.f32 v45, v57;
	v45 =	vor.u32 v0, v46;
	v46 =	vld [tilespmem:s31+$0x2000]  }
0x273: {  	v43 =	vld.idx.msk [tilespmem:v43+s25+$0x0], $0xffff;
	v47 =	vshll.u32 v47, $0x4  }
0x274: {  	v39 =	vadd.f32 v40, v39;
	v40 =	vmul.f32 v41, v58;
	v41 =	vor.u32 v0, v47;
	v47 =	vld [tilespmem:s31+$0x2080]  }
0x275: {  	v44 =	vld.idx.msk [tilespmem:v44+s25+$0x0], $0xffff;
	v48 =	vshll.u32 v48, $0x4  }
0x276: {  	v39 =	vadd.f32 v40, v39;
	v40 =	vmul.f32 v42, v59;
	v42 =	vor.u32 v0, v48;
	v48 =	vld [tilespmem:s31+$0x2100]  }
0x277: {  	v45 =	vld.idx.msk [tilespmem:v45+s25+$0x0], $0xffff;
	v46 =	vshll.u32 v46, $0x4  }
0x278: {  	v39 =	vadd.f32 v40, v39;
	v40 =	vmul.f32 v43, v60;
	v43 =	vor.u32 v0, v46;
	v46 =	vld [tilespmem:s31+$0x2180]  }
0x279: {  	v41 =	vld.idx.msk [tilespmem:v41+s25+$0x0], $0xffff;
	v47 =	vshll.u32 v47, $0x4  }
0x27a: {  	v39 =	vadd.f32 v40, v39;
	v40 =	vmul.f32 v44, v61;
	v44 =	vor.u32 v0, v47;
	v47 =	vld [tilespmem:s31+$0x2200]  }
0x27b: {  	v42 =	vld.idx.msk [tilespmem:v42+s25+$0x0], $0xffff;
	v48 =	vshll.u32 v48, $0x4  }
0x27c: {  	v39 =	vadd.f32 v40, v39;
	v40 =	vmul.f32 v45, v62;
	v45 =	vor.u32 v0, v48;
	v48 =	vld [tilespmem:s31+$0x2280]  }
0x27d: {  	v43 =	vld.idx.msk [tilespmem:v43+s25+$0x0], $0xffff;
	v46 =	vshll.u32 v46, $0x4  }
0x27e: {  	v39 =	vadd.f32 v40, v39;
	v40 =	vmul.f32 v41, v63;
	v41 =	vor.u32 v0, v46;
	v46 =	vld [tilespmem:s31+$0x2300]  }
0x27f: {  	v44 =	vld.idx.msk [tilespmem:v44+s25+$0x0], $0xffff;
	v47 =	vshll.u32 v47, $0x4  }
0x280: {  	v39 =	vadd.f32 v40, v39;
	v40 =	vmul.f32 v42, v1;
	v42 =	vor.u32 v0, v47;
	v47 =	vld [tilespmem:s31+$0x2380]  }
0x281: {  	v45 =	vld.idx.msk [tilespmem:v45+s25+$0x0], $0xffff;
	v48 =	vshll.u32 v48, $0x4  }
0x282: {  	v39 =	vadd.f32 v40, v39;
	v40 =	vmul.f32 v43, v2;
	v43 =	vor.u32 v0, v48;
	v48 =	vld [tilespmem:s31+$0x2400]  }
0x283: {  	v41 =	vld.idx.msk [tilespmem:v41+s25+$0x0], $0xffff;
	v46 =	vshll.u32 v46, $0x4  }
0x284: {  	v39 =	vadd.f32 v40, v39;
	v40 =	vmul.f32 v44, v3;
	v44 =	vor.u32 v0, v46;
	v46 =	vld [tilespmem:s31+$0x2480]  }
0x285: {  	v42 =	vld.idx.msk [tilespmem:v42+s25+$0x0], $0xffff;
	v47 =	vshll.u32 v47, $0x4  }
0x286: {  	v39 =	vadd.f32 v40, v39;
	v40 =	vmul.f32 v45, v4;
	v45 =	vor.u32 v0, v47;
	v47 =	vld [tilespmem:s31+$0x2500]  }
0x287: {  	v43 =	vld.idx.msk [tilespmem:v43+s25+$0x0], $0xffff;
	v48 =	vshll.u32 v48, $0x4  }
0x288: {  	v39 =	vadd.f32 v40, v39;
	v40 =	vmul.f32 v41, v5;
	v41 =	vor.u32 v0, v48;
	v48 =	vld [tilespmem:s31+$0x2580]  }
0x289: {  	v44 =	vld.idx.msk [tilespmem:v44+s25+$0x0], $0xffff;
	v46 =	vshll.u32 v46, $0x4  }
0x28a: {  	v39 =	vadd.f32 v40, v39;
	v40 =	vmul.f32 v42, v6;
	v42 =	vor.u32 v0, v46;
	v46 =	vld [tilespmem:s31+$0x2600]  }
0x28b: {  	v45 =	vld.idx.msk [tilespmem:v45+s25+$0x0], $0xffff;
	v47 =	vshll.u32 v47, $0x4  }
0x28c: {  	v39 =	vadd.f32 v40, v39;
	v40 =	vmul.f32 v43, v7;
	v43 =	vor.u32 v0, v47;
	v47 =	vld [tilespmem:s31+$0x2680]  }
0x28d: {  	v41 =	vld.idx.msk [tilespmem:v41+s25+$0x0], $0xffff;
	v48 =	vshll.u32 v48, $0x4  }
0x28e: {  	v39 =	vadd.f32 v40, v39;
	v40 =	vmul.f32 v44, v8;
	v44 =	vor.u32 v0, v48;
	v48 =	vld [tilespmem:s31+$0x2700]  }
0x28f: {  	v42 =	vld.idx.msk [tilespmem:v42+s25+$0x0], $0xffff;
	v46 =	vshll.u32 v46, $0x4  }
0x290: {  	v39 =	vadd.f32 v40, v39;
	v40 =	vmul.f32 v45, v9;
	v45 =	vor.u32 v0, v46;
	v46 =	vld [tilespmem:s31+$0x2780]  }
0x291: {  	v43 =	vld.idx.msk [tilespmem:v43+s25+$0x0], $0xffff;
	v47 =	vshll.u32 v47, $0x4  }
0x292: {  	v39 =	vadd.f32 v40, v39;
	v40 =	vmul.f32 v41, v10;
	v41 =	vor.u32 v0, v47;
	v47 =	vld [tilespmem:s31+$0x2800]  }
0x293: {  	v44 =	vld.idx.msk [tilespmem:v44+s25+$0x0], $0xffff;
	v48 =	vshll.u32 v48, $0x4  }
0x294: {  	v39 =	vadd.f32 v40, v39;
	v40 =	vmul.f32 v42, v11;
	v42 =	vor.u32 v0, v48;
	v48 =	vld [tilespmem:s31+$0x2880]  }
0x295: {  	v45 =	vld.idx.msk [tilespmem:v45+s25+$0x0], $0xffff;
	v46 =	vshll.u32 v46, $0x4  }
0x296: {  	v39 =	vadd.f32 v40, v39;
	v40 =	vmul.f32 v43, v12;
	v43 =	vor.u32 v0, v46;
	v46 =	vld [tilespmem:s31+$0x2900]  }
0x297: {  	v41 =	vld.idx.msk [tilespmem:v41+s25+$0x0], $0xffff;
	v47 =	vshll.u32 v47, $0x4  }
0x298: {  	v39 =	vadd.f32 v40, v39;
	v40 =	vmul.f32 v44, v13;
	v44 =	vor.u32 v0, v47;
	v47 =	vld [tilespmem:s31+$0x2980]  }
0x299: {  	v42 =	vld.idx.msk [tilespmem:v42+s25+$0x0], $0xffff;
	v48 =	vshll.u32 v48, $0x4  }
0x29a: {  	v39 =	vadd.f32 v40, v39;
	v40 =	vmul.f32 v45, v14;
	v45 =	vor.u32 v0, v48;
	v48 =	vld [tilespmem:s31+$0x2A00]  }
0x29b: {  	v43 =	vld.idx.msk [tilespmem:v43+s25+$0x0], $0xffff;
	v46 =	vshll.u32 v46, $0x4  }
0x29c: {  	v39 =	vadd.f32 v40, v39;
	v40 =	vmul.f32 v41, v15;
	v41 =	vor.u32 v0, v46;
	v46 =	vld [tilespmem:s31+$0x2A80]  }
0x29d: {  	v44 =	vld.idx.msk [tilespmem:v44+s25+$0x0], $0xffff;
	v47 =	vshll.u32 v47, $0x4  }
0x29e: {  	v39 =	vadd.f32 v40, v39;
	v40 =	vmul.f32 v42, v16;
	v42 =	vor.u32 v0, v47;
	v47 =	vld [tilespmem:s31+$0x2B00]  }
0x29f: {  	v45 =	vld.idx.msk [tilespmem:v45+s25+$0x0], $0xffff;
	v48 =	vshll.u32 v48, $0x4  }
0x2a0: {  	v39 =	vadd.f32 v40, v39;
	v40 =	vmul.f32 v43, v17;
	v43 =	vor.u32 v0, v48;
	v48 =	vld [tilespmem:s31+$0x2B80]  }
0x2a1: {  	v41 =	vld.idx.msk [tilespmem:v41+s25+$0x0], $0xffff;
	v46 =	vshll.u32 v46, $0x4  }
0x2a2: {  	v39 =	vadd.f32 v40, v39;
	v40 =	vmul.f32 v44, v18;
	v44 =	vor.u32 v0, v46;
	v46 =	vld [tilespmem:s31+$0x2C00]  }
0x2a3: {  	v42 =	vld.idx.msk [tilespmem:v42+s25+$0x0], $0xffff;
	v47 =	vshll.u32 v47, $0x4  }
0x2a4: {  	v39 =	vadd.f32 v40, v39;
	v40 =	vmul.f32 v45, v19;
	v45 =	vor.u32 v0, v47;
	v47 =	vld [tilespmem:s31+$0x2C80]  }
0x2a5: {  	v43 =	vld.idx.msk [tilespmem:v43+s25+$0x0], $0xffff;
	v48 =	vshll.u32 v48, $0x4  }
0x2a6: {  	v39 =	vadd.f32 v40, v39;
	v40 =	vmul.f32 v41, v20;
	v41 =	vor.u32 v0, v48;
	v48 =	vld [tilespmem:s31+$0x2D00]  }
0x2a7: {  	v44 =	vld.idx.msk [tilespmem:v44+s25+$0x0], $0xffff;
	v46 =	vshll.u32 v46, $0x4  }
0x2a8: {  	v39 =	vadd.f32 v40, v39;
	v40 =	vmul.f32 v42, v21;
	v42 =	vor.u32 v0, v46;
	v46 =	vld [tilespmem:s31+$0x2D80]  }
0x2a9: {  	v45 =	vld.idx.msk [tilespmem:v45+s25+$0x0], $0xffff;
	v47 =	vshll.u32 v47, $0x4  }
0x2aa: {  	v39 =	vadd.f32 v40, v39;
	v40 =	vmul.f32 v43, v22;
	v43 =	vor.u32 v0, v47;
	v47 =	vld [tilespmem:s31+$0x2E00]  }
0x2ab: {  	v41 =	vld.idx.msk [tilespmem:v41+s25+$0x0], $0xffff;
	v48 =	vshll.u32 v48, $0x4  }
0x2ac: {  	v39 =	vadd.f32 v40, v39;
	v40 =	vmul.f32 v44, v23;
	v44 =	vor.u32 v0, v48;
	v48 =	vld [tilespmem:s31+$0x2E80]  }
0x2ad: {  	v42 =	vld.idx.msk [tilespmem:v42+s25+$0x0], $0xffff;
	v46 =	vshll.u32 v46, $0x4  }
0x2ae: {  	v39 =	vadd.f32 v40, v39;
	v40 =	vmul.f32 v45, v24;
	v45 =	vor.u32 v0, v46;
	v46 =	vld [tilespmem:s31+$0x2F00]  }
0x2af: {  	v43 =	vld.idx.msk [tilespmem:v43+s25+$0x0], $0xffff;
	v47 =	vshll.u32 v47, $0x4  }
0x2b0: {  	v39 =	vadd.f32 v40, v39;
	v40 =	vmul.f32 v41, v25;
	v41 =	vor.u32 v0, v47;
	v47 =	vld [tilespmem:s31+$0x2F80]  }
0x2b1: {  	v44 =	vld.idx.msk [tilespmem:v44+s25+$0x0], $0xffff;
	v48 =	vshll.u32 v48, $0x4  }
0x2b2: {  	v39 =	vadd.f32 v40, v39;
	v40 =	vmul.f32 v42, v26;
	v42 =	vor.u32 v0, v48;
	v48 =	vld [tilespmem:s31+$0x3000]  }
0x2b3: {  	v45 =	vld.idx.msk [tilespmem:v45+s25+$0x0], $0xffff;
	v46 =	vshll.u32 v46, $0x4  }
0x2b4: {  	v39 =	vadd.f32 v40, v39;
	v40 =	vmul.f32 v43, v27;
	v43 =	vor.u32 v0, v46;
	v46 =	vld [tilespmem:s31+$0x3080]  }
0x2b5: {  	v41 =	vld.idx.msk [tilespmem:v41+s25+$0x0], $0xffff;
	v47 =	vshll.u32 v47, $0x4  }
0x2b6: {  	v39 =	vadd.f32 v40, v39;
	v40 =	vmul.f32 v44, v28;
	v44 =	vor.u32 v0, v47;
	v47 =	vld [tilespmem:s31+$0x3100]  }
0x2b7: {  	v42 =	vld.idx.msk [tilespmem:v42+s25+$0x0], $0xffff;
	v48 =	vshll.u32 v48, $0x4  }
0x2b8: {  	v39 =	vadd.f32 v40, v39;
	v40 =	vmul.f32 v45, v29;
	v45 =	vor.u32 v0, v48;
	v48 =	vld [tilespmem:s31+$0x3180]  }
0x2b9: {  	v43 =	vld.idx.msk [tilespmem:v43+s25+$0x0], $0xffff;
	v46 =	vshll.u32 v46, $0x4  }
0x2ba: {  	v39 =	vadd.f32 v40, v39;
	v40 =	vmul.f32 v41, v30;
	v41 =	vor.u32 v0, v46  }
0x2bb: {  	v44 =	vld.idx.msk [tilespmem:v44+s25+$0x0], $0xffff;
	v46 =	vshll.u32 v47, $0x4  }
0x2bc: {  	v39 =	vadd.f32 v40, v39;
	v40 =	vmul.f32 v42, v31;
	v42 =	vor.u32 v0, v46  }
0x2bd: {  	v45 =	vld.idx.msk [tilespmem:v45+s25+$0x0], $0xffff;
	v46 =	vshll.u32 v48, $0x4  }
0x2be: {  	v39 =	vadd.f32 v40, v39;
	v48 =	vmul.f32 v43, v32;
	v47 =	vor.u32 v0, v46  }
0x2bf: {  	v41 =	vld.idx.msk [tilespmem:v41+s25+$0x0], $0xffff  }
0x2c0: {  	v39 =	vadd.f32 v48, v39;
	v48 =	vmul.f32 v44, v33  }
0x2c1: {  	v42 =	vld.idx.msk [tilespmem:v42+s25+$0x0], $0xffff  }
0x2c2: {  	v39 =	vadd.f32 v48, v39;
	v45 =	vmul.f32 v45, v34  }
0x2c3: {  	v43 =	vld.idx.msk [tilespmem:v47+s25+$0x0], $0xffff  }
0x2c4: {  	v39 =	vadd.f32 v45, v39;
	v46 =	vmul.f32 v41, v35;
	_ =	sdelay $0x1  }
0x2c5: {  	v39 =	vadd.f32 v46, v39;
	v47 =	vmul.f32 v42, v36;
	_ =	sdelay $0x1  }
0x2c6: {  	s29 =	sadd.s32 $0x1, s29;
	v39 =	vadd.f32 v47, v39;
	v48 =	vmul.f32 v43, v37  }
0x2c7: {  	p1 =	sne.s32 s29, $0x20  }
.Ltmp12:
0x2c8: {  	v39 =	vadd.f32 v48, v39;
	(pc) =	sbr.rel @!p1 .LBB2_25-.Ltmp12, $3  }
0x2c9: {  	_ = 	snop  }
0x2ca: {  	v39 =	vadd.f32 v39, v38;
	_ =	sdelay $0x1  }
0x2cb: {  	[tilespmem:s30+$0x0] =	vst v39;
	s30 =	sadd.s32 $0x10, s30  }
.LBB2_20:
0x2cc: {  	s31 =	sand.u32 $0x7, s29;
	p1 =	sgt.u32 s29, $0x17  }
0x2cd: {  	p2 =	sne.s32 @!p1 s31, $0x0  }
0x2ce: {  	p1 =	por p1, p2  }
.Ltmp13:
0x2cf: {  	_ = 	snop;
	(pc) =	sbr.rel @!p1 .LBB2_21-.Ltmp13, $2  }
0x2d0: {  	_ =	sdelay $0x2  }
0x2d1: {  	s0 =	sshrl.u32 s29, $0x3  }
0x2d2: {  	p1 =	sne.s32 s31, $0x0  }
.Ltmp14:
0x2d3: {  	_ = 	snop;
	(pc) =	sbr.rel @p1 .LBB2_24-.Ltmp14, $4  }
.Ltmp15:
0x2d4: {  	_ = 	snop;
	(pc) =	sbr.rel @!p1 .LBB2_23-.Ltmp15, $4  }
0x2d5: {  	_ = 	snop  }
0x2d6: {  	_ = 	snop  }
0x2d7: {  	_ = 	snop  }
0x2d8: {  	_ = 	snop  }
.LBB2_26:
0x2d9: {  	_ =	sfence.sel $0x180000  }
0x2da: {  	[bflag:$0x0] =	sbarrier.arrive $0xFFFF  }
0x2db: {  	_ =	strace $0x90000047  }
0x2dc: {  	s0 =	stileid.u32;
	[bflag:$0x2] =	sbarrier.arrive $0xFFFF  }
0x2dd: {  	p0 =	sne.s32 s0, $0x0;
	s0 =	rddreg [dreg:$0x7]  }
0x2de: {  	s0 =	sadd.s32 @!p0 $0x100000, s0  }
0x2df: {  	[sflag:s0] =	ssyncadd.tile.s32 @!p0 $0x1;
	_ =	shalt  }
.Lfunc_end2:
_tile_overlayer_lowered:
.L_overlay_start_2:
0x2e0: {  	(tag) =	ssettag $0x2  }
0x2e1: {  	s0 =	rddreg [dreg:$0x0];
	s2 =	stileid.u32  }
0x2e2: {  	s1 =	rddreg [dreg:$0x1];
	p0 =	sne.s32 s2, $0x0  }
0x2e3: {  	s3 =	rddreg [dreg:$0x2];
	[bflag:$0x3] =	sbarrier.arrive $0xFFFF;
	s2 =	simm.s32 @!p0 $0x1C03  }
0x2e4: {  	[timem:s3], [sflag:s2] =	dma.local @!p0 [hbm:s0], s1  }
0x2e5: {  	s0 =	simm.s32 @!p0 $0x3  }
0x2e6: {  	_ =	swait.ge @!p0 [sflag:s0], s1  }
0x2e7: {  	s1 =	ssub.s32 @!p0 $0x0, s1;
	[sflag:s0] =	ssyncset.done @!p0 $0x0  }
0x2e8: {  	[sflag:s0] =	ssyncadd.s32 @!p0 s1  }
0x2e9: {  	[bflag:$0x3] =	sbarrier.arrive $0xFFFF  }
0x2ea: {  	_ =	shalt  }

</sc_bundles>
